<compile_context>
chip_gen: v7x
topology: tpu7x:2x2x1
jax: 0.10.2.dev20260603
libtpu: 0.0.44.dev20260713+nightly
codegen_flags: <defaults>
</compile_context>

<pallas_src>
import functools

import jax
import jax.numpy as jnp
from jax import lax
from jax.experimental import pallas as pl
from jax.experimental.pallas import tpu as pltpu
from jax.experimental.pallas import tpu_sc as plsc

K_NB = 16
PQ = 3
BQ = 384
NW = 32
CQ = 48
IN_CH = 32
HID = 64
Q_PAD = 52224
F_ROWS = Q_PAD // PQ
N_CH = Q_PAD // (NW * CQ)


def _sc_chunk(ci, wid, idx_hbm, qc_hbm, rows_hbm, table_v, ltc_v, rbuf,
              cur, nxt, sem_i, sem_w):
    idx_v, qc_v = cur
    idx_n, qc_n = nxt
    qbase = wid * (N_CH * CQ) + ci * CQ
    n_q = qc_hbm.shape[0] // 2
    lanes = lax.broadcasted_iota(jnp.int32, (16,), 0)

    @pl.when(ci + 1 < N_CH)
    def _prefetch():
        nq = jnp.minimum(qbase + CQ, n_q - CQ)
        pltpu.async_copy(idx_hbm.at[pl.ds(nq * K_NB, CQ * K_NB)], idx_n,
                         sem_i)
        pltpu.async_copy(qc_hbm.at[pl.ds(nq * 2, CQ * 2)], qc_n, sem_i)

    @pl.when(ci >= 1)
    def _pf_wait():
        pltpu.make_async_copy(idx_hbm.at[pl.ds(0, CQ * K_NB)], idx_v,
                              sem_i).wait()
        pltpu.make_async_copy(qc_hbm.at[pl.ds(0, CQ * 2)], qc_v,
                              sem_i).wait()

    @pl.when(ci >= 1)
    def _wb_wait():
        pltpu.make_async_copy(rows_hbm.at[:, pl.ds(0, CQ // PQ), :], rbuf,
                              sem_w).wait()

    def regroup(g, c2):
        qloc = g * 16 + lanes
        rrow = (qloc * 21846) >> 16
        lbase = 2 * (qloc - 3 * rrow)
        qcx = plsc.load_gather(qc_v, [qloc * 2])
        qcy = plsc.load_gather(qc_v, [qloc * 2 + 1])

        def regroup_k(k, c3):
            krow = jnp.full((16,), 0, jnp.int32) + k
            vec = plsc.load_gather(idx_v, [qloc * K_NB + k])
            yx = plsc.load_gather(ltc_v, [vec * 2])
            yy = plsc.load_gather(ltc_v, [vec * 2 + 1])
            plsc.store_scatter(rbuf, [krow, rrow, 96 + lbase], yx)
            plsc.store_scatter(rbuf, [krow, rrow, 97 + lbase], yy)
            plsc.store_scatter(rbuf, [krow, rrow, 102 + lbase], qcx)
            plsc.store_scatter(rbuf, [krow, rrow, 103 + lbase], qcy)
            return c3

        return lax.fori_loop(0, K_NB, regroup_k, c2)

    lax.fori_loop(0, CQ // 16, regroup, 0)

    for h in (0, 1):

        def fill_q(qq, c2):
            q = h * (CQ // 2) + qq
            r = (q * 21846) >> 16
            lane0 = 32 * (q - 3 * r)
            kvec = idx_v[pl.ds(q * K_NB, K_NB)] * 16
            for k in range(K_NB):
                w = plsc.load_gather(table_v, [kvec[k] + lanes])
                lo = plsc.bitcast(w << 16, jnp.float32)
                hi = plsc.bitcast(w & jnp.int32(-65536), jnp.float32)
                rbuf[k, r, pl.ds(lane0, 16)] = lo
                rbuf[k, r, pl.ds(lane0 + 16, 16)] = hi
            return c2

        lax.fori_loop(0, CQ // 2, fill_q, 0)
        nr2 = CQ // PQ // 2
        pltpu.async_copy(
            rbuf.at[:, pl.ds(h * nr2, nr2), :],
            rows_hbm.at[:, pl.ds(qbase // PQ + h * nr2, nr2), :], sem_w)


def _sc_body(idx_hbm, table_hbm, ltc_hbm, qc_hbm, rows_hbm,
             idx0, qc0, idx1, qc1, rbuf, table_v, ltc_v,
             sem_i, sem_w):
    cid = lax.axis_index("c")
    sid = lax.axis_index("s")
    wid = sid * 2 + cid
    qbase0 = wid * (N_CH * CQ)
    lanes = lax.broadcasted_iota(jnp.int32, (16,), 0)
    zeros16 = jnp.zeros((16,), jnp.float32)

    pltpu.sync_copy(ltc_hbm, ltc_v)
    pltpu.sync_copy(table_hbm, table_v)

    def zinit(k, c2):
        krow = jnp.full((16,), 0, jnp.int32) + k

        def zinit_r(r, c3):
            rrow = jnp.full((16,), 0, jnp.int32) + r
            plsc.store_scatter(rbuf, [krow, rrow, 108 + lanes], zeros16)
            plsc.store_scatter(rbuf, [krow, rrow, 112 + lanes], zeros16)
            return c3

        return lax.fori_loop(0, CQ // PQ, zinit_r, c2)

    lax.fori_loop(0, K_NB, zinit, 0)

    qb0 = jnp.minimum(qbase0, qc_hbm.shape[0] // 2 - CQ)
    pltpu.sync_copy(idx_hbm.at[pl.ds(qb0 * K_NB, CQ * K_NB)], idx0)
    pltpu.sync_copy(qc_hbm.at[pl.ds(qb0 * 2, CQ * 2)], qc0)

    set0 = (idx0, qc0)
    set1 = (idx1, qc1)

    def pair_body(i, carry):
        _sc_chunk(2 * i, wid, idx_hbm, qc_hbm, rows_hbm, table_v, ltc_v,
                  rbuf, set0, set1, sem_i, sem_w)
        _sc_chunk(2 * i + 1, wid, idx_hbm, qc_hbm, rows_hbm, table_v, ltc_v,
                  rbuf, set1, set0, sem_i, sem_w)
        return carry

    lax.fori_loop(0, N_CH // 2, pair_body, 0)
    pltpu.make_async_copy(rows_hbm.at[:, pl.ds(0, CQ // PQ), :], rbuf,
                          sem_w).wait()


def _sc_gather(idx_pad, table, ltc_flat, qc_flat):
    mesh = plsc.VectorSubcoreMesh(core_axis_name="c", subcore_axis_name="s")
    dbuf = lambda: [
        pltpu.VMEM((CQ * K_NB,), jnp.int32),
        pltpu.VMEM((CQ * 2,), jnp.float32),
    ]
    return pl.kernel(
        _sc_body,
        out_type=jax.ShapeDtypeStruct((K_NB, F_ROWS, 128), jnp.float32),
        mesh=mesh,
        scratch_types=dbuf() + dbuf() + [
            pltpu.VMEM((K_NB, CQ // PQ, 128), jnp.float32),
            pltpu.VMEM((table.shape[0],), jnp.int32),
            pltpu.VMEM((ltc_flat.shape[0],), jnp.float32),
            pltpu.SemaphoreType.DMA,
            pltpu.SemaphoreType.DMA,
        ],
        compiler_params=pltpu.CompilerParams(needs_layout_passes=False,
                                             use_tc_tiling_on_sc=False),
    )(idx_pad, table, ltc_flat, qc_flat)


def _dot(a, b):
    return jax.lax.dot_general(a, b, (((1,), (0,)), ((), ())),
                               preferred_element_type=jnp.float32)


def _tc_body(fr_ref, W0_ref, b0_ref, W1_ref, b1_ref, pW0_ref, pb0_ref,
             pW1_ref, pb1_ref, out_ref):
    nr = BQ // PQ
    fr = fr_ref[...]
    fr2 = fr.reshape(K_NB * nr, 128).astype(jnp.bfloat16)
    h = jax.nn.gelu(_dot(fr2, W0_ref[...]) + b0_ref[...])
    kern = (_dot(h.astype(jnp.bfloat16), W1_ref[...]) + b1_ref[...])
    kern = kern.reshape(K_NB, nr, 128)
    dec = jnp.sum(kern * fr, axis=0)
    h2 = jax.nn.gelu(_dot(dec.astype(jnp.bfloat16), pW0_ref[...])
                     + pb0_ref[...])
    out_ref[...] = (_dot(h2.astype(jnp.bfloat16), pW1_ref[...])
                    + pb1_ref[...])


def kernel(latent_tokens_coord, rndata, query_coord, nbr_index, nbr_row_splits,
           kW0, kb0, kW1, kb1, pW0, pb0, pW1, pb1):
    Q = query_coord.shape[0]
    K = nbr_index.shape[0] // Q
    assert K == K_NB
    out_ch = pW1.shape[1]
    proj_ch = pW0.shape[1]
    nb = Q_PAD // BQ

    rb = jax.lax.bitcast_convert_type(
        rndata[0].astype(jnp.bfloat16), jnp.uint16).astype(jnp.uint32)
    tword = (rb[:, :IN_CH // 2] | (rb[:, IN_CH // 2:] << 16))
    table = jax.lax.bitcast_convert_type(tword, jnp.int32).reshape(-1)
    rows = _sc_gather(nbr_index, table, latent_tokens_coord.reshape(-1),
                      query_coord.reshape(-1))

    W0 = jnp.zeros((128, PQ * HID), jnp.float32)
    W1 = jnp.zeros((PQ * HID, 128), jnp.float32)
    pW0b = jnp.zeros((128, PQ * proj_ch), jnp.float32)
    pW1b = jnp.zeros((PQ * proj_ch, PQ * out_ch), jnp.float32)
    for p in range(PQ):
        W0 = W0.at[96 + 2 * p:98 + 2 * p, HID * p:HID * (p + 1)].set(kW0[0:2])
        W0 = W0.at[102 + 2 * p:104 + 2 * p,
                   HID * p:HID * (p + 1)].set(kW0[2:4])
        W1 = W1.at[HID * p:HID * (p + 1),
                   IN_CH * p:IN_CH * (p + 1)].set(kW1)
        pW0b = pW0b.at[IN_CH * p:IN_CH * (p + 1),
                       proj_ch * p:proj_ch * (p + 1)].set(pW0)
        pW1b = pW1b.at[proj_ch * p:proj_ch * (p + 1),
                       out_ch * p:out_ch * (p + 1)].set(pW1)
    b0 = jnp.tile(kb0, PQ).reshape(1, -1)
    b1 = jnp.concatenate([jnp.tile(kb1, PQ),
                          jnp.zeros(128 - PQ * IN_CH)]).reshape(1, -1)
    pb0 = jnp.tile(pb0, PQ).reshape(1, -1)
    pb1 = jnp.tile(pb1, PQ).reshape(1, -1)

    full = lambda b: (0, 0)
    out = pl.pallas_call(
        _tc_body,
        grid=(nb,),
        in_specs=[
            pl.BlockSpec((K, BQ // PQ, 128), lambda b: (0, b, 0)),
            pl.BlockSpec(W0.shape, full),
            pl.BlockSpec(b0.shape, full),
            pl.BlockSpec(W1.shape, full),
            pl.BlockSpec(b1.shape, full),
            pl.BlockSpec(pW0b.shape, full),
            pl.BlockSpec(pb0.shape, full),
            pl.BlockSpec(pW1b.shape, full),
            pl.BlockSpec(pb1.shape, full),
        ],
        out_specs=pl.BlockSpec((BQ // PQ, PQ * out_ch), lambda b: (b, 0)),
        out_shape=jax.ShapeDtypeStruct((F_ROWS, PQ * out_ch), jnp.float32),
    )(rows, W0.astype(jnp.bfloat16), b0, W1.astype(jnp.bfloat16), b1,
      pW0b.astype(jnp.bfloat16), pb0, pW1b.astype(jnp.bfloat16), pb1)
    return out.reshape(Q_PAD, out_ch)[None, :Q, :]

# --- scband reference (transcript-rebuilt; emitter-appended) ---
"""Pipeline reference for scband-magnodecoder-72816875536553 (READ-ONLY COPY).

The authoritative reference and input builder live on the scoring server;
editing this copy changes nothing except your own understanding.
"""

import jax, jax.numpy as jnp
import numpy as np

NUM_LATENT = 4096
NUM_QUERY = 50000
K_NBRS = 16
COORD_DIM = 2
IN_CH = 32
OUT_CH = 16
PROJ_CH = 256
KERNEL_HID = 64
BATCH = 1


def _linear_init(key, fan_in, fan_out):
    kw, kb = jax.random.split(key)
    bound = 1.0 / np.sqrt(fan_in)
    W = jax.random.uniform(kw, (fan_in, fan_out), jnp.float32, -bound, bound)
    b = jax.random.uniform(kb, (fan_out,), jnp.float32, -bound, bound)
    return W, b


def setup_inputs(seed: int = 0):
    key = jax.random.key(seed)
    ks = jax.random.split(key, 10)
    latent_tokens_coord = jax.random.uniform(ks[0], (NUM_LATENT, COORD_DIM), jnp.float32)
    rndata = jax.random.normal(ks[1], (BATCH, NUM_LATENT, IN_CH), jnp.float32)
    query_coord = jax.random.uniform(ks[2], (NUM_QUERY, COORD_DIM), jnp.float32)
    # Precomputed radius-graph neighbors in CSR form with a uniform degree of K_NBRS
    nbr_index = jax.random.randint(ks[3], (NUM_QUERY * K_NBRS,), 0, NUM_LATENT, jnp.int32)
    nbr_row_splits = jnp.arange(NUM_QUERY + 1, dtype=jnp.int32) * K_NBRS
    # IntegralTransform kernel ChannelMLP: [2*coord_dim] -> 64 -> in_channels (gelu between layers)
    kW0, kb0 = _linear_init(ks[4], 2 * COORD_DIM, KERNEL_HID)
    kW1, kb1 = _linear_init(ks[5], KERNEL_HID, IN_CH)
    # projection ChannelMLP: in_channels -> projection_channels -> out_channels (2 layers, gelu)
    pW0, pb0 = _linear_init(ks[6], IN_CH, PROJ_CH)
    pW1, pb1 = _linear_init(ks[7], PROJ_CH, OUT_CH)
    return {"latent_tokens_coord": latent_tokens_coord, "rndata": rndata,
            "query_coord": query_coord, "nbr_index": nbr_index,
            "nbr_row_splits": nbr_row_splits,
            "kW0": kW0, "kb0": kb0, "kW1": kW1, "kb1": kb1,
            "pW0": pW0, "pb0": pb0, "pW1": pW1, "pb1": pb1}


def reference(latent_tokens_coord, rndata, query_coord, nbr_index, nbr_row_splits,
              kW0, kb0, kW1, kb1, pW0, pb0, pW1, pb1):
    Q = query_coord.shape[0]
    K = nbr_index.shape[0] // Q
    idx = nbr_index.reshape(Q, K)  # uniform-degree CSR (row_splits = arange*K)
    # ---- IntegralTransform, transform_type='linear', single scale ----
    y_nb = jnp.take(latent_tokens_coord, idx, axis=0)                      # gather: [Q, K, 2]
    x_self = jnp.broadcast_to(query_coord[:, None, :], (Q, K, query_coord.shape[1]))
    agg = jnp.concatenate([y_nb, x_self], axis=-1)                         # [Q, K, 4]
    h = jax.nn.gelu(agg @ kW0 + kb0)
    kernel = h @ kW1 + kb1                                                 # [Q, K, IN_CH]
    f_nb = jnp.take(rndata, idx, axis=1)                                   # gather: [B, Q, K, IN_CH]
    rep = kernel[None, :, :, :] * f_nb
    decoded = rep.sum(axis=2)                                              # segment_csr(sum): [B, Q, IN_CH]
    # ---- projection ChannelMLP (applied channel-wise, permute is a no-op here) ----
    h2 = jax.nn.gelu(decoded @ pW0 + pb0)
    out = h2 @ pW1 + pb1                                                   # [B, Q, OUT_CH]
    return out

if __name__ == "__main__":
    import jax
    _d = setup_inputs()
    print(jax.jit(kernel)(*tuple(_d.values())))

</pallas_src>

<mosaic_0001>
#map = affine_map<(d0, d1) -> (0)>
#map1 = affine_map<(d0, d1) -> (0, 0, 0)>
module attributes {stable_mosaic.version = 14 : i64} {
  func.func @_sc_body(%arg0: i32, %arg1: i32, %arg2: memref<800000xi32, #tpu.memory_space<hbm>>, %arg3: memref<65536xi32, #tpu.memory_space<hbm>>, %arg4: memref<8192xf32, #tpu.memory_space<hbm>>, %arg5: memref<100000xf32, #tpu.memory_space<hbm>>, %arg6: memref<16x17408x128xf32, #tpu.memory_space<hbm>>, %arg7: memref<768xi32, #tpu.memory_space<vmem>>, %arg8: memref<96xf32, #tpu.memory_space<vmem>>, %arg9: memref<768xi32, #tpu.memory_space<vmem>>, %arg10: memref<96xf32, #tpu.memory_space<vmem>>, %arg11: memref<16x16x128xf32, #tpu.memory_space<vmem>>, %arg12: memref<65536xi32, #tpu.memory_space<vmem>>, %arg13: memref<8192xf32, #tpu.memory_space<vmem>>, %arg14: memref<!tpu.dma_semaphore, #tpu.memory_space<semaphore_mem>>, %arg15: memref<!tpu.dma_semaphore, #tpu.memory_space<semaphore_mem>>) attributes {dimension_semantics = [#tpu.dimension_semantics<core_parallel>, #tpu.dimension_semantics<subcore_parallel>], iteration_bounds = array<i64: 2, 16>, scalar_prefetch = 0 : i64, scratch_operands = 9 : i64, tpu.core_type = #tpu.core_type<sc_vector_subcore>, window_params = [{transform_indices = #map}, {transform_indices = #map}, {transform_indices = #map}, {transform_indices = #map}, {transform_indices = #map1}]} {
    %mul3A = arith.constant 2 : i32
    %mul3A_0 = arith.muli %arg1, %mul3A : i32
    %add3A = arith.addi %mul3A_0, %arg0 : i32
    %mul3A_1 = arith.constant 1632 : i32
    %mul3A_2 = arith.muli %add3A, %mul3A_1 : i32
    %iota3A = tpu.iota {dimensions = array<i32: 0>} : vector<16xi32>
    %broadcast_in_dim3A = arith.constant 0.000000e+00 : f32
    %broadcast_in_dim3A_3 = vector.broadcast %broadcast_in_dim3A : f32 to vector<16xf32>
    "tpu.region"() ({
      %run_scoped3A = tpu.sem_alloc : memref<!tpu.dma_semaphore, #tpu.memory_space<semaphore_mem>>
      tpu.enqueue_dma source(%arg4 : memref<8192xf32, #tpu.memory_space<hbm>>) target(%arg13 : memref<8192xf32, #tpu.memory_space<vmem>>) target_semaphore(%run_scoped3A : memref<!tpu.dma_semaphore, #tpu.memory_space<semaphore_mem>>)
      tpu.wait_dma2 semaphore(%run_scoped3A : memref<!tpu.dma_semaphore, #tpu.memory_space<semaphore_mem>>) src(%arg4 : memref<8192xf32, #tpu.memory_space<hbm>>) dst(%arg13 : memref<8192xf32, #tpu.memory_space<vmem>>)
      tpu.yield
    }) : () -> ()
    "tpu.region"() ({
      %run_scoped3A = tpu.sem_alloc : memref<!tpu.dma_semaphore, #tpu.memory_space<semaphore_mem>>
      tpu.enqueue_dma source(%arg3 : memref<65536xi32, #tpu.memory_space<hbm>>) target(%arg12 : memref<65536xi32, #tpu.memory_space<vmem>>) target_semaphore(%run_scoped3A : memref<!tpu.dma_semaphore, #tpu.memory_space<semaphore_mem>>)
      tpu.wait_dma2 semaphore(%run_scoped3A : memref<!tpu.dma_semaphore, #tpu.memory_space<semaphore_mem>>) src(%arg3 : memref<65536xi32, #tpu.memory_space<hbm>>) dst(%arg12 : memref<65536xi32, #tpu.memory_space<vmem>>)
      tpu.yield
    }) : () -> ()
    %scan3A = arith.constant 0 : i32
    %scan3A_4 = arith.constant 0 : i32
    %scan3A_5 = arith.constant 16 : i32
    %scan3A_6 = arith.addi %scan3A_4, %scan3A_5 : i32
    %scan3A_7 = arith.constant 1 : i32
    scf.for %scan3A_27 = %scan3A_4 to %scan3A_6 step %scan3A_7  : i32 {
      %broadcast_in_dim3A_28 = arith.constant 0 : i32
      %broadcast_in_dim3A_29 = vector.broadcast %broadcast_in_dim3A_28 : i32 to vector<16xi32>
      %add3A_30 = vector.broadcast %scan3A_27 : i32 to vector<16xi32>
      %add3A_31 = arith.addi %broadcast_in_dim3A_29, %add3A_30 : vector<16xi32>
      %scan3A_32 = arith.constant 0 : i32
      %scan3A_33 = arith.constant 16 : i32
      %scan3A_34 = arith.addi %scan3A_32, %scan3A_33 : i32
      %scan3A_35 = arith.constant 1 : i32
      scf.for %scan3A_37 = %scan3A_32 to %scan3A_34 step %scan3A_35  : i32 {
        %broadcast_in_dim3A_38 = arith.constant 0 : i32
        %broadcast_in_dim3A_39 = vector.broadcast %broadcast_in_dim3A_38 : i32 to vector<16xi32>
        %add3A_40 = vector.broadcast %scan3A_37 : i32 to vector<16xi32>
        %add3A_41 = arith.addi %broadcast_in_dim3A_39, %add3A_40 : vector<16xi32>
        %add3A_42 = arith.constant 108 : i32
        %add3A_43 = vector.broadcast %add3A_42 : i32 to vector<16xi32>
        %add3A_44 = arith.addi %add3A_43, %iota3A : vector<16xi32>
        tpu.vector_store_idx %arg11[%add3A_31, %add3A_41, %add3A_44], %broadcast_in_dim3A_3 : memref<16x16x128xf32, #tpu.memory_space<vmem>>[vector<16xi32>, vector<16xi32>, vector<16xi32>], vector<16xf32>,
        %add3A_45 = arith.constant 112 : i32
        %add3A_46 = vector.broadcast %add3A_45 : i32 to vector<16xi32>
        %add3A_47 = arith.addi %add3A_46, %iota3A : vector<16xi32>
        tpu.vector_store_idx %arg11[%add3A_31, %add3A_41, %add3A_47], %broadcast_in_dim3A_3 : memref<16x16x128xf32, #tpu.memory_space<vmem>>[vector<16xi32>, vector<16xi32>, vector<16xi32>], vector<16xf32>,
      }
      %scan3A_36 = arith.constant 16 : i32
    }
    %scan3A_8 = arith.constant 16 : i32
    %min3A = arith.constant 49952 : i32
    %min3A_9 = arith.minsi %mul3A_2, %min3A : i32
    %mul3A_10 = arith.constant 16 : i32
    %mul3A_11 = arith.muli %min3A_9, %mul3A_10 : i32
    "tpu.region"() ({
      %run_scoped3A = tpu.sem_alloc : memref<!tpu.dma_semaphore, #tpu.memory_space<semaphore_mem>>
      %dma_start3A = tpu.memref_slice %arg2[%mul3A_11] : memref<800000xi32, #tpu.memory_space<hbm>> -> memref<768xi32, #tpu.memory_space<hbm>>
      %dma_start3A_27 = tpu.memref_slice %arg2[%mul3A_11] : memref<800000xi32, #tpu.memory_space<hbm>> -> memref<768xi32, #tpu.memory_space<hbm>>
      tpu.enqueue_dma source(%dma_start3A_27 : memref<768xi32, #tpu.memory_space<hbm>>) target(%arg7 : memref<768xi32, #tpu.memory_space<vmem>>) target_semaphore(%run_scoped3A : memref<!tpu.dma_semaphore, #tpu.memory_space<semaphore_mem>>)
      %dma_wait3A_28 = tpu.memref_slice %arg2[%mul3A_11] : memref<800000xi32, #tpu.memory_space<hbm>> -> memref<768xi32, #tpu.memory_space<hbm>>
      %dma_wait3A_29 = tpu.memref_slice %arg2[%mul3A_11] : memref<800000xi32, #tpu.memory_space<hbm>> -> memref<768xi32, #tpu.memory_space<hbm>>
      tpu.wait_dma2 semaphore(%run_scoped3A : memref<!tpu.dma_semaphore, #tpu.memory_space<semaphore_mem>>) src(%dma_wait3A_29 : memref<768xi32, #tpu.memory_space<hbm>>) dst(%arg7 : memref<768xi32, #tpu.memory_space<vmem>>)
      tpu.yield
    }) : () -> ()
    %mul3A_12 = arith.constant 2 : i32
    %mul3A_13 = arith.muli %min3A_9, %mul3A_12 : i32
    "tpu.region"() ({
      %run_scoped3A = tpu.sem_alloc : memref<!tpu.dma_semaphore, #tpu.memory_space<semaphore_mem>>
      %dma_start3A = tpu.memref_slice %arg5[%mul3A_13] : memref<100000xf32, #tpu.memory_space<hbm>> -> memref<96xf32, #tpu.memory_space<hbm>>
      %dma_start3A_27 = tpu.memref_slice %arg5[%mul3A_13] : memref<100000xf32, #tpu.memory_space<hbm>> -> memref<96xf32, #tpu.memory_space<hbm>>
      tpu.enqueue_dma source(%dma_start3A_27 : memref<96xf32, #tpu.memory_space<hbm>>) target(%arg8 : memref<96xf32, #tpu.memory_space<vmem>>) target_semaphore(%run_scoped3A : memref<!tpu.dma_semaphore, #tpu.memory_space<semaphore_mem>>)
      %dma_wait3A_28 = tpu.memref_slice %arg5[%mul3A_13] : memref<100000xf32, #tpu.memory_space<hbm>> -> memref<96xf32, #tpu.memory_space<hbm>>
      %dma_wait3A_29 = tpu.memref_slice %arg5[%mul3A_13] : memref<100000xf32, #tpu.memory_space<hbm>> -> memref<96xf32, #tpu.memory_space<hbm>>
      tpu.wait_dma2 semaphore(%run_scoped3A : memref<!tpu.dma_semaphore, #tpu.memory_space<semaphore_mem>>) src(%dma_wait3A_29 : memref<96xf32, #tpu.memory_space<hbm>>) dst(%arg8 : memref<96xf32, #tpu.memory_space<vmem>>)
      tpu.yield
    }) : () -> ()
    %scan3A_14 = arith.constant 0 : i32
    %scan3A_15 = arith.constant 0 : i32
    %scan3A_16 = arith.constant 17 : i32
    %scan3A_17 = arith.addi %scan3A_15, %scan3A_16 : i32
    %scan3A_18 = arith.constant 1 : i32
    scf.for %scan3A_27 = %scan3A_15 to %scan3A_17 step %scan3A_18  : i32 {
      %mul3A_28 = arith.constant 2 : i32
      %mul3A_29 = arith.muli %mul3A_28, %scan3A_27 : i32
      %mul3A_30 = arith.constant 1632 : i32
      %mul3A_31 = arith.muli %add3A, %mul3A_30 : i32
      %mul3A_32 = arith.constant 48 : i32
      %mul3A_33 = arith.muli %mul3A_29, %mul3A_32 : i32
      %add3A_34 = arith.addi %mul3A_31, %mul3A_33 : i32
      %iota3A_35 = tpu.iota {dimensions = array<i32: 0>} : vector<16xi32>
      %add3A_36 = arith.constant 1 : i32
      %add3A_37 = arith.addi %mul3A_29, %add3A_36 : i32
      %lt3A = arith.constant 34 : i32
      %lt3A_38 = arith.cmpi slt, %add3A_37, %lt3A : i32
      %convert_element_type3A = arith.extui %lt3A_38 : i1 to i32
      %cond3A = arith.constant 0 : i32
      %cond3A_39 = arith.cmpi ne, %convert_element_type3A, %cond3A : i32
      scf.if %cond3A_39 {
        %add3A_263 = arith.constant 48 : i32
        %add3A_264 = arith.addi %add3A_34, %add3A_263 : i32
        %min3A_265 = arith.constant 49952 : i32
        %min3A_266 = arith.minsi %add3A_264, %min3A_265 : i32
        %mul3A_267 = arith.constant 16 : i32
        %mul3A_268 = arith.muli %min3A_266, %mul3A_267 : i32
        %dma_start3A_269 = tpu.memref_slice %arg2[%mul3A_268] : memref<800000xi32, #tpu.memory_space<hbm>> -> memref<768xi32, #tpu.memory_space<hbm>>
        %dma_start3A_270 = tpu.memref_slice %arg2[%mul3A_268] : memref<800000xi32, #tpu.memory_space<hbm>> -> memref<768xi32, #tpu.memory_space<hbm>>
        tpu.enqueue_dma source(%dma_start3A_270 : memref<768xi32, #tpu.memory_space<hbm>>) target(%arg9 : memref<768xi32, #tpu.memory_space<vmem>>) target_semaphore(%arg14 : memref<!tpu.dma_semaphore, #tpu.memory_space<semaphore_mem>>)
        %mul3A_271 = arith.constant 2 : i32
        %mul3A_272 = arith.muli %min3A_266, %mul3A_271 : i32
        %dma_start3A_273 = tpu.memref_slice %arg5[%mul3A_272] : memref<100000xf32, #tpu.memory_space<hbm>> -> memref<96xf32, #tpu.memory_space<hbm>>
        %dma_start3A_274 = tpu.memref_slice %arg5[%mul3A_272] : memref<100000xf32, #tpu.memory_space<hbm>> -> memref<96xf32, #tpu.memory_space<hbm>>
        tpu.enqueue_dma source(%dma_start3A_274 : memref<96xf32, #tpu.memory_space<hbm>>) target(%arg10 : memref<96xf32, #tpu.memory_space<vmem>>) target_semaphore(%arg14 : memref<!tpu.dma_semaphore, #tpu.memory_space<semaphore_mem>>)
      } else {
      }
      %ge3A = arith.constant 1 : i32
      %ge3A_40 = arith.cmpi sge, %mul3A_29, %ge3A : i32
      %convert_element_type3A_41 = arith.extui %ge3A_40 : i1 to i32
      %cond3A_42 = arith.constant 0 : i32
      %cond3A_43 = arith.cmpi ne, %convert_element_type3A_41, %cond3A_42 : i32
      scf.if %cond3A_43 {
        %dma_wait3A_263 = arith.constant 0 : i32
        %dma_wait3A_264 = tpu.memref_slice %arg2[%dma_wait3A_263] : memref<800000xi32, #tpu.memory_space<hbm>> -> memref<768xi32, #tpu.memory_space<hbm>>
        %dma_wait3A_265 = arith.constant 0 : i32
        %dma_wait3A_266 = tpu.memref_slice %arg2[%dma_wait3A_265] : memref<800000xi32, #tpu.memory_space<hbm>> -> memref<768xi32, #tpu.memory_space<hbm>>
        tpu.wait_dma2 semaphore(%arg14 : memref<!tpu.dma_semaphore, #tpu.memory_space<semaphore_mem>>) src(%dma_wait3A_266 : memref<768xi32, #tpu.memory_space<hbm>>) dst(%arg7 : memref<768xi32, #tpu.memory_space<vmem>>)
        %dma_wait3A_267 = arith.constant 0 : i32
        %dma_wait3A_268 = tpu.memref_slice %arg5[%dma_wait3A_267] : memref<100000xf32, #tpu.memory_space<hbm>> -> memref<96xf32, #tpu.memory_space<hbm>>
        %dma_wait3A_269 = arith.constant 0 : i32
        %dma_wait3A_270 = tpu.memref_slice %arg5[%dma_wait3A_269] : memref<100000xf32, #tpu.memory_space<hbm>> -> memref<96xf32, #tpu.memory_space<hbm>>
        tpu.wait_dma2 semaphore(%arg14 : memref<!tpu.dma_semaphore, #tpu.memory_space<semaphore_mem>>) src(%dma_wait3A_270 : memref<96xf32, #tpu.memory_space<hbm>>) dst(%arg8 : memref<96xf32, #tpu.memory_space<vmem>>)
      } else {
      }
      %ge3A_44 = arith.constant 1 : i32
      %ge3A_45 = arith.cmpi sge, %mul3A_29, %ge3A_44 : i32
      %convert_element_type3A_46 = arith.extui %ge3A_45 : i1 to i32
      %cond3A_47 = arith.constant 0 : i32
      %cond3A_48 = arith.cmpi ne, %convert_element_type3A_46, %cond3A_47 : i32
      scf.if %cond3A_48 {
        %dma_wait3A_263 = arith.constant 0 : i32
        %dma_wait3A_264 = arith.constant 0 : i32
        %dma_wait3A_265 = arith.constant 0 : i32
        %dma_wait3A_266 = tpu.memref_slice %arg6[%dma_wait3A_263, %dma_wait3A_264, %dma_wait3A_265] : memref<16x17408x128xf32, #tpu.memory_space<hbm>> -> memref<16x16x128xf32, #tpu.memory_space<hbm>>
        %dma_wait3A_267 = arith.constant 0 : i32
        %dma_wait3A_268 = arith.constant 0 : i32
        %dma_wait3A_269 = arith.constant 0 : i32
        %dma_wait3A_270 = tpu.memref_slice %arg6[%dma_wait3A_267, %dma_wait3A_268, %dma_wait3A_269] : memref<16x17408x128xf32, #tpu.memory_space<hbm>> -> memref<16x16x128xf32, #tpu.memory_space<hbm>>
        tpu.wait_dma2 semaphore(%arg15 : memref<!tpu.dma_semaphore, #tpu.memory_space<semaphore_mem>>) src(%dma_wait3A_270 : memref<16x16x128xf32, #tpu.memory_space<hbm>>) dst(%arg11 : memref<16x16x128xf32, #tpu.memory_space<vmem>>)
      } else {
      }
      %scan3A_49 = arith.constant 0 : i32
      %scan3A_50 = arith.constant 0 : i32
      %scan3A_51 = arith.constant 3 : i32
      %scan3A_52 = arith.addi %scan3A_50, %scan3A_51 : i32
      %scan3A_53 = arith.constant 1 : i32
      scf.for %scan3A_263 = %scan3A_50 to %scan3A_52 step %scan3A_53  : i32 {
        %mul3A_264 = arith.constant 16 : i32
        %mul3A_265 = arith.muli %scan3A_263, %mul3A_264 : i32
        %add3A_266 = vector.broadcast %mul3A_265 : i32 to vector<16xi32>
        %add3A_267 = arith.addi %add3A_266, %iota3A_35 : vector<16xi32>
        %mul3A_268 = arith.constant 21846 : i32
        %mul3A_269 = vector.broadcast %mul3A_268 : i32 to vector<16xi32>
        %mul3A_270 = arith.muli %add3A_267, %mul3A_269 : vector<16xi32>
        %shift_right_arithmetic3A = arith.constant 16 : i32
        %shift_right_arithmetic3A_271 = vector.broadcast %shift_right_arithmetic3A : i32 to vector<16xi32>
        %shift_right_arithmetic3A_272 = arith.shrsi %mul3A_270, %shift_right_arithmetic3A_271 : vector<16xi32>
        %mul3A_273 = arith.constant 3 : i32
        %mul3A_274 = vector.broadcast %mul3A_273 : i32 to vector<16xi32>
        %mul3A_275 = arith.muli %mul3A_274, %shift_right_arithmetic3A_272 : vector<16xi32>
        %sub3A_276 = arith.subi %add3A_267, %mul3A_275 : vector<16xi32>
        %mul3A_277 = arith.constant 2 : i32
        %mul3A_278 = vector.broadcast %mul3A_277 : i32 to vector<16xi32>
        %mul3A_279 = arith.muli %mul3A_278, %sub3A_276 : vector<16xi32>
        %mul3A_280 = arith.constant 2 : i32
        %mul3A_281 = vector.broadcast %mul3A_280 : i32 to vector<16xi32>
        %mul3A_282 = arith.muli %add3A_267, %mul3A_281 : vector<16xi32>
        %gather3A = tpu.vector_load_idx %arg8[%mul3A_282] : memref<96xf32, #tpu.memory_space<vmem>>[vector<16xi32>], vector<16xf32>,
        %mul3A_283 = arith.constant 2 : i32
        %mul3A_284 = vector.broadcast %mul3A_283 : i32 to vector<16xi32>
        %mul3A_285 = arith.muli %add3A_267, %mul3A_284 : vector<16xi32>
        %add3A_286 = arith.constant 1 : i32
        %add3A_287 = vector.broadcast %add3A_286 : i32 to vector<16xi32>
        %add3A_288 = arith.addi %mul3A_285, %add3A_287 : vector<16xi32>
        %gather3A_289 = tpu.vector_load_idx %arg8[%add3A_288] : memref<96xf32, #tpu.memory_space<vmem>>[vector<16xi32>], vector<16xf32>,
        %scan3A_290 = arith.constant 0 : i32
        %scan3A_291 = arith.constant 16 : i32
        %scan3A_292 = arith.addi %scan3A_290, %scan3A_291 : i32
        %scan3A_293 = arith.constant 1 : i32
        scf.for %scan3A_295 = %scan3A_290 to %scan3A_292 step %scan3A_293  : i32 {
          %broadcast_in_dim3A_296 = arith.constant 0 : i32
          %broadcast_in_dim3A_297 = vector.broadcast %broadcast_in_dim3A_296 : i32 to vector<16xi32>
          %add3A_298 = vector.broadcast %scan3A_295 : i32 to vector<16xi32>
          %add3A_299 = arith.addi %broadcast_in_dim3A_297, %add3A_298 : vector<16xi32>
          %mul3A_300 = arith.constant 16 : i32
          %mul3A_301 = vector.broadcast %mul3A_300 : i32 to vector<16xi32>
          %mul3A_302 = arith.muli %add3A_267, %mul3A_301 : vector<16xi32>
          %add3A_303 = vector.broadcast %scan3A_295 : i32 to vector<16xi32>
          %add3A_304 = arith.addi %mul3A_302, %add3A_303 : vector<16xi32>
          %gather3A_305 = tpu.vector_load_idx %arg7[%add3A_304] : memref<768xi32, #tpu.memory_space<vmem>>[vector<16xi32>], vector<16xi32>,
          %mul3A_306 = arith.constant 2 : i32
          %mul3A_307 = vector.broadcast %mul3A_306 : i32 to vector<16xi32>
          %mul3A_308 = arith.muli %gather3A_305, %mul3A_307 : vector<16xi32>
          %gather3A_309 = tpu.vector_load_idx %arg13[%mul3A_308] : memref<8192xf32, #tpu.memory_space<vmem>>[vector<16xi32>], vector<16xf32>,
          %mul3A_310 = arith.constant 2 : i32
          %mul3A_311 = vector.broadcast %mul3A_310 : i32 to vector<16xi32>
          %mul3A_312 = arith.muli %gather3A_305, %mul3A_311 : vector<16xi32>
          %add3A_313 = arith.constant 1 : i32
          %add3A_314 = vector.broadcast %add3A_313 : i32 to vector<16xi32>
          %add3A_315 = arith.addi %mul3A_312, %add3A_314 : vector<16xi32>
          %gather3A_316 = tpu.vector_load_idx %arg13[%add3A_315] : memref<8192xf32, #tpu.memory_space<vmem>>[vector<16xi32>], vector<16xf32>,
          %add3A_317 = arith.constant 96 : i32
          %add3A_318 = vector.broadcast %add3A_317 : i32 to vector<16xi32>
          %add3A_319 = arith.addi %add3A_318, %mul3A_279 : vector<16xi32>
          tpu.vector_store_idx %arg11[%add3A_299, %shift_right_arithmetic3A_272, %add3A_319], %gather3A_309 : memref<16x16x128xf32, #tpu.memory_space<vmem>>[vector<16xi32>, vector<16xi32>, vector<16xi32>], vector<16xf32>,
          %add3A_320 = arith.constant 97 : i32
          %add3A_321 = vector.broadcast %add3A_320 : i32 to vector<16xi32>
          %add3A_322 = arith.addi %add3A_321, %mul3A_279 : vector<16xi32>
          tpu.vector_store_idx %arg11[%add3A_299, %shift_right_arithmetic3A_272, %add3A_322], %gather3A_316 : memref<16x16x128xf32, #tpu.memory_space<vmem>>[vector<16xi32>, vector<16xi32>, vector<16xi32>], vector<16xf32>,
          %add3A_323 = arith.constant 102 : i32
          %add3A_324 = vector.broadcast %add3A_323 : i32 to vector<16xi32>
          %add3A_325 = arith.addi %add3A_324, %mul3A_279 : vector<16xi32>
          tpu.vector_store_idx %arg11[%add3A_299, %shift_right_arithmetic3A_272, %add3A_325], %gather3A : memref<16x16x128xf32, #tpu.memory_space<vmem>>[vector<16xi32>, vector<16xi32>, vector<16xi32>], vector<16xf32>,
          %add3A_326 = arith.constant 103 : i32
          %add3A_327 = vector.broadcast %add3A_326 : i32 to vector<16xi32>
          %add3A_328 = arith.addi %add3A_327, %mul3A_279 : vector<16xi32>
          tpu.vector_store_idx %arg11[%add3A_299, %shift_right_arithmetic3A_272, %add3A_328], %gather3A_289 : memref<16x16x128xf32, #tpu.memory_space<vmem>>[vector<16xi32>, vector<16xi32>, vector<16xi32>], vector<16xf32>,
        }
        %scan3A_294 = arith.constant 16 : i32
      }
      %scan3A_54 = arith.constant 3 : i32
      %scan3A_55 = arith.constant 0 : i32
      %scan3A_56 = arith.constant 0 : i32
      %scan3A_57 = arith.constant 24 : i32
      %scan3A_58 = arith.addi %scan3A_56, %scan3A_57 : i32
      %scan3A_59 = arith.constant 1 : i32
      scf.for %scan3A_263 = %scan3A_56 to %scan3A_58 step %scan3A_59  : i32 {
        %add3A_264 = arith.constant 0 : i32
        %add3A_265 = arith.addi %add3A_264, %scan3A_263 : i32
        %mul3A_266 = arith.constant 21846 : i32
        %mul3A_267 = arith.muli %add3A_265, %mul3A_266 : i32
        %shift_right_arithmetic3A = arith.constant 16 : i32
        %shift_right_arithmetic3A_268 = arith.shrsi %mul3A_267, %shift_right_arithmetic3A : i32
        %mul3A_269 = arith.constant 3 : i32
        %mul3A_270 = arith.muli %mul3A_269, %shift_right_arithmetic3A_268 : i32
        %sub3A_271 = arith.subi %add3A_265, %mul3A_270 : i32
        %mul3A_272 = arith.constant 32 : i32
        %mul3A_273 = arith.muli %mul3A_272, %sub3A_271 : i32
        %mul3A_274 = arith.constant 16 : i32
        %mul3A_275 = arith.muli %add3A_265, %mul3A_274 : i32
        %get3A = arith.index_cast %mul3A_275 : i32 to index
        %get3A_276 = tpu.vector_load %arg7[%get3A] {strides = array<i32>} : memref<768xi32, #tpu.memory_space<vmem>>, vector<16xi32>,
        %mul3A_277 = arith.constant 16 : i32
        %mul3A_278 = vector.broadcast %mul3A_277 : i32 to vector<16xi32>
        %mul3A_279 = arith.muli %get3A_276, %mul3A_278 : vector<16xi32>
        %slice3A = vector.extract_strided_slice %mul3A_279 {offsets = [0], sizes = [1], strides = [1]} : vector<16xi32> to vector<1xi32>
        %squeeze3A = vector.extract %slice3A[0] : i32 from vector<1xi32>
        %add3A_280 = vector.broadcast %squeeze3A : i32 to vector<16xi32>
        %add3A_281 = arith.addi %add3A_280, %iota3A_35 : vector<16xi32>
        %gather3A = tpu.vector_load_idx %arg12[%add3A_281] : memref<65536xi32, #tpu.memory_space<vmem>>[vector<16xi32>], vector<16xi32>,
        %shift_left3A = arith.constant 16 : i32
        %shift_left3A_282 = vector.broadcast %shift_left3A : i32 to vector<16xi32>
        %shift_left3A_283 = arith.shli %gather3A, %shift_left3A_282 : vector<16xi32>
        %bitcast3A = vector.bitcast %shift_left3A_283 : vector<16xi32> to vector<16xf32>
        %and3A_284 = arith.constant -65536 : i32
        %and3A_285 = vector.broadcast %and3A_284 : i32 to vector<16xi32>
        %and3A_286 = arith.andi %gather3A, %and3A_285 : vector<16xi32>
        %bitcast3A_287 = vector.bitcast %and3A_286 : vector<16xi32> to vector<16xf32>
        %swap3A = arith.constant 0 : i32
        %swap3A_288 = arith.index_cast %swap3A : i32 to index
        %swap3A_289 = arith.index_cast %shift_right_arithmetic3A_268 : i32 to index
        %swap3A_290 = arith.index_cast %mul3A_273 : i32 to index
        %swap3A_291 = tpu.vector_load %arg11[%swap3A_288, %swap3A_289, %swap3A_290] {strides = array<i32>} : memref<16x16x128xf32, #tpu.memory_space<vmem>>, vector<16xf32>,
        tpu.vector_store %arg11[%swap3A_288, %swap3A_289, %swap3A_290], %bitcast3A {strides = array<i32>} : memref<16x16x128xf32, #tpu.memory_space<vmem>>, vector<16xf32>,
        %add3A_292 = arith.constant 16 : i32
        %add3A_293 = arith.addi %mul3A_273, %add3A_292 : i32
        %swap3A_294 = arith.constant 0 : i32
        %swap3A_295 = arith.index_cast %swap3A_294 : i32 to index
        %swap3A_296 = arith.index_cast %shift_right_arithmetic3A_268 : i32 to index
        %swap3A_297 = arith.index_cast %add3A_293 : i32 to index
        %swap3A_298 = tpu.vector_load %arg11[%swap3A_295, %swap3A_296, %swap3A_297] {strides = array<i32>} : memref<16x16x128xf32, #tpu.memory_space<vmem>>, vector<16xf32>,
        tpu.vector_store %arg11[%swap3A_295, %swap3A_296, %swap3A_297], %bitcast3A_287 {strides = array<i32>} : memref<16x16x128xf32, #tpu.memory_space<vmem>>, vector<16xf32>,
        %slice3A_299 = vector.extract_strided_slice %mul3A_279 {offsets = [1], sizes = [1], strides = [1]} : vector<16xi32> to vector<1xi32>
        %squeeze3A_300 = vector.extract %slice3A_299[0] : i32 from vector<1xi32>
        %add3A_301 = vector.broadcast %squeeze3A_300 : i32 to vector<16xi32>
        %add3A_302 = arith.addi %add3A_301, %iota3A_35 : vector<16xi32>
        %gather3A_303 = tpu.vector_load_idx %arg12[%add3A_302] : memref<65536xi32, #tpu.memory_space<vmem>>[vector<16xi32>], vector<16xi32>,
        %shift_left3A_304 = arith.constant 16 : i32
        %shift_left3A_305 = vector.broadcast %shift_left3A_304 : i32 to vector<16xi32>
        %shift_left3A_306 = arith.shli %gather3A_303, %shift_left3A_305 : vector<16xi32>
        %bitcast3A_307 = vector.bitcast %shift_left3A_306 : vector<16xi32> to vector<16xf32>
        %and3A_308 = arith.constant -65536 : i32
        %and3A_309 = vector.broadcast %and3A_308 : i32 to vector<16xi32>
        %and3A_310 = arith.andi %gather3A_303, %and3A_309 : vector<16xi32>
        %bitcast3A_311 = vector.bitcast %and3A_310 : vector<16xi32> to vector<16xf32>
        %swap3A_312 = arith.constant 1 : i32
        %swap3A_313 = arith.index_cast %swap3A_312 : i32 to index
        %swap3A_314 = arith.index_cast %shift_right_arithmetic3A_268 : i32 to index
        %swap3A_315 = arith.index_cast %mul3A_273 : i32 to index
        %swap3A_316 = tpu.vector_load %arg11[%swap3A_313, %swap3A_314, %swap3A_315] {strides = array<i32>} : memref<16x16x128xf32, #tpu.memory_space<vmem>>, vector<16xf32>,
        tpu.vector_store %arg11[%swap3A_313, %swap3A_314, %swap3A_315], %bitcast3A_307 {strides = array<i32>} : memref<16x16x128xf32, #tpu.memory_space<vmem>>, vector<16xf32>,
        %add3A_317 = arith.constant 16 : i32
        %add3A_318 = arith.addi %mul3A_273, %add3A_317 : i32
        %swap3A_319 = arith.constant 1 : i32
        %swap3A_320 = arith.index_cast %swap3A_319 : i32 to index
        %swap3A_321 = arith.index_cast %shift_right_arithmetic3A_268 : i32 to index
        %swap3A_322 = arith.index_cast %add3A_318 : i32 to index
        %swap3A_323 = tpu.vector_load %arg11[%swap3A_320, %swap3A_321, %swap3A_322] {strides = array<i32>} : memref<16x16x128xf32, #tpu.memory_space<vmem>>, vector<16xf32>,
        tpu.vector_store %arg11[%swap3A_320, %swap3A_321, %swap3A_322], %bitcast3A_311 {strides = array<i32>} : memref<16x16x128xf32, #tpu.memory_space<vmem>>, vector<16xf32>,
        %slice3A_324 = vector.extract_strided_slice %mul3A_279 {offsets = [2], sizes = [1], strides = [1]} : vector<16xi32> to vector<1xi32>
        %squeeze3A_325 = vector.extract %slice3A_324[0] : i32 from vector<1xi32>
        %add3A_326 = vector.broadcast %squeeze3A_325 : i32 to vector<16xi32>
        %add3A_327 = arith.addi %add3A_326, %iota3A_35 : vector<16xi32>
        %gather3A_328 = tpu.vector_load_idx %arg12[%add3A_327] : memref<65536xi32, #tpu.memory_space<vmem>>[vector<16xi32>], vector<16xi32>,
        %shift_left3A_329 = arith.constant 16 : i32
        %shift_left3A_330 = vector.broadcast %shift_left3A_329 : i32 to vector<16xi32>
        %shift_left3A_331 = arith.shli %gather3A_328, %shift_left3A_330 : vector<16xi32>
        %bitcast3A_332 = vector.bitcast %shift_left3A_331 : vector<16xi32> to vector<16xf32>
        %and3A_333 = arith.constant -65536 : i32
        %and3A_334 = vector.broadcast %and3A_333 : i32 to vector<16xi32>
        %and3A_335 = arith.andi %gather3A_328, %and3A_334 : vector<16xi32>
        %bitcast3A_336 = vector.bitcast %and3A_335 : vector<16xi32> to vector<16xf32>
        %swap3A_337 = arith.constant 2 : i32
        %swap3A_338 = arith.index_cast %swap3A_337 : i32 to index
        %swap3A_339 = arith.index_cast %shift_right_arithmetic3A_268 : i32 to index
        %swap3A_340 = arith.index_cast %mul3A_273 : i32 to index
        %swap3A_341 = tpu.vector_load %arg11[%swap3A_338, %swap3A_339, %swap3A_340] {strides = array<i32>} : memref<16x16x128xf32, #tpu.memory_space<vmem>>, vector<16xf32>,
        tpu.vector_store %arg11[%swap3A_338, %swap3A_339, %swap3A_340], %bitcast3A_332 {strides = array<i32>} : memref<16x16x128xf32, #tpu.memory_space<vmem>>, vector<16xf32>,
        %add3A_342 = arith.constant 16 : i32
        %add3A_343 = arith.addi %mul3A_273, %add3A_342 : i32
        %swap3A_344 = arith.constant 2 : i32
        %swap3A_345 = arith.index_cast %swap3A_344 : i32 to index
        %swap3A_346 = arith.index_cast %shift_right_arithmetic3A_268 : i32 to index
        %swap3A_347 = arith.index_cast %add3A_343 : i32 to index
        %swap3A_348 = tpu.vector_load %arg11[%swap3A_345, %swap3A_346, %swap3A_347] {strides = array<i32>} : memref<16x16x128xf32, #tpu.memory_space<vmem>>, vector<16xf32>,
        tpu.vector_store %arg11[%swap3A_345, %swap3A_346, %swap3A_347], %bitcast3A_336 {strides = array<i32>} : memref<16x16x128xf32, #tpu.memory_space<vmem>>, vector<16xf32>,
        %slice3A_349 = vector.extract_strided_slice %mul3A_279 {offsets = [3], sizes = [1], strides = [1]} : vector<16xi32> to vector<1xi32>
        %squeeze3A_350 = vector.extract %slice3A_349[0] : i32 from vector<1xi32>
        %add3A_351 = vector.broadcast %squeeze3A_350 : i32 to vector<16xi32>
        %add3A_352 = arith.addi %add3A_351, %iota3A_35 : vector<16xi32>
        %gather3A_353 = tpu.vector_load_idx %arg12[%add3A_352] : memref<65536xi32, #tpu.memory_space<vmem>>[vector<16xi32>], vector<16xi32>,
        %shift_left3A_354 = arith.constant 16 : i32
        %shift_left3A_355 = vector.broadcast %shift_left3A_354 : i32 to vector<16xi32>
        %shift_left3A_356 = arith.shli %gather3A_353, %shift_left3A_355 : vector<16xi32>
        %bitcast3A_357 = vector.bitcast %shift_left3A_356 : vector<16xi32> to vector<16xf32>
        %and3A_358 = arith.constant -65536 : i32
        %and3A_359 = vector.broadcast %and3A_358 : i32 to vector<16xi32>
        %and3A_360 = arith.andi %gather3A_353, %and3A_359 : vector<16xi32>
        %bitcast3A_361 = vector.bitcast %and3A_360 : vector<16xi32> to vector<16xf32>
        %swap3A_362 = arith.constant 3 : i32
        %swap3A_363 = arith.index_cast %swap3A_362 : i32 to index
        %swap3A_364 = arith.index_cast %shift_right_arithmetic3A_268 : i32 to index
        %swap3A_365 = arith.index_cast %mul3A_273 : i32 to index
        %swap3A_366 = tpu.vector_load %arg11[%swap3A_363, %swap3A_364, %swap3A_365] {strides = array<i32>} : memref<16x16x128xf32, #tpu.memory_space<vmem>>, vector<16xf32>,
        tpu.vector_store %arg11[%swap3A_363, %swap3A_364, %swap3A_365], %bitcast3A_357 {strides = array<i32>} : memref<16x16x128xf32, #tpu.memory_space<vmem>>, vector<16xf32>,
        %add3A_367 = arith.constant 16 : i32
        %add3A_368 = arith.addi %mul3A_273, %add3A_367 : i32
        %swap3A_369 = arith.constant 3 : i32
        %swap3A_370 = arith.index_cast %swap3A_369 : i32 to index
        %swap3A_371 = arith.index_cast %shift_right_arithmetic3A_268 : i32 to index
        %swap3A_372 = arith.index_cast %add3A_368 : i32 to index
        %swap3A_373 = tpu.vector_load %arg11[%swap3A_370, %swap3A_371, %swap3A_372] {strides = array<i32>} : memref<16x16x128xf32, #tpu.memory_space<vmem>>, vector<16xf32>,
        tpu.vector_store %arg11[%swap3A_370, %swap3A_371, %swap3A_372], %bitcast3A_361 {strides = array<i32>} : memref<16x16x128xf32, #tpu.memory_space<vmem>>, vector<16xf32>,
        %slice3A_374 = vector.extract_strided_slice %mul3A_279 {offsets = [4], sizes = [1], strides = [1]} : vector<16xi32> to vector<1xi32>
        %squeeze3A_375 = vector.extract %slice3A_374[0] : i32 from vector<1xi32>
        %add3A_376 = vector.broadcast %squeeze3A_375 : i32 to vector<16xi32>
        %add3A_377 = arith.addi %add3A_376, %iota3A_35 : vector<16xi32>
        %gather3A_378 = tpu.vector_load_idx %arg12[%add3A_377] : memref<65536xi32, #tpu.memory_space<vmem>>[vector<16xi32>], vector<16xi32>,
        %shift_left3A_379 = arith.constant 16 : i32
        %shift_left3A_380 = vector.broadcast %shift_left3A_379 : i32 to vector<16xi32>
        %shift_left3A_381 = arith.shli %gather3A_378, %shift_left3A_380 : vector<16xi32>
        %bitcast3A_382 = vector.bitcast %shift_left3A_381 : vector<16xi32> to vector<16xf32>
        %and3A_383 = arith.constant -65536 : i32
        %and3A_384 = vector.broadcast %and3A_383 : i32 to vector<16xi32>
        %and3A_385 = arith.andi %gather3A_378, %and3A_384 : vector<16xi32>
        %bitcast3A_386 = vector.bitcast %and3A_385 : vector<16xi32> to vector<16xf32>
        %swap3A_387 = arith.constant 4 : i32
        %swap3A_388 = arith.index_cast %swap3A_387 : i32 to index
        %swap3A_389 = arith.index_cast %shift_right_arithmetic3A_268 : i32 to index
        %swap3A_390 = arith.index_cast %mul3A_273 : i32 to index
        %swap3A_391 = tpu.vector_load %arg11[%swap3A_388, %swap3A_389, %swap3A_390] {strides = array<i32>} : memref<16x16x128xf32, #tpu.memory_space<vmem>>, vector<16xf32>,
        tpu.vector_store %arg11[%swap3A_388, %swap3A_389, %swap3A_390], %bitcast3A_382 {strides = array<i32>} : memref<16x16x128xf32, #tpu.memory_space<vmem>>, vector<16xf32>,
        %add3A_392 = arith.constant 16 : i32
        %add3A_393 = arith.addi %mul3A_273, %add3A_392 : i32
        %swap3A_394 = arith.constant 4 : i32
        %swap3A_395 = arith.index_cast %swap3A_394 : i32 to index
        %swap3A_396 = arith.index_cast %shift_right_arithmetic3A_268 : i32 to index
        %swap3A_397 = arith.index_cast %add3A_393 : i32 to index
        %swap3A_398 = tpu.vector_load %arg11[%swap3A_395, %swap3A_396, %swap3A_397] {strides = array<i32>} : memref<16x16x128xf32, #tpu.memory_space<vmem>>, vector<16xf32>,
        tpu.vector_store %arg11[%swap3A_395, %swap3A_396, %swap3A_397], %bitcast3A_386 {strides = array<i32>} : memref<16x16x128xf32, #tpu.memory_space<vmem>>, vector<16xf32>,
        %slice3A_399 = vector.extract_strided_slice %mul3A_279 {offsets = [5], sizes = [1], strides = [1]} : vector<16xi32> to vector<1xi32>
        %squeeze3A_400 = vector.extract %slice3A_399[0] : i32 from vector<1xi32>
        %add3A_401 = vector.broadcast %squeeze3A_400 : i32 to vector<16xi32>
        %add3A_402 = arith.addi %add3A_401, %iota3A_35 : vector<16xi32>
        %gather3A_403 = tpu.vector_load_idx %arg12[%add3A_402] : memref<65536xi32, #tpu.memory_space<vmem>>[vector<16xi32>], vector<16xi32>,
        %shift_left3A_404 = arith.constant 16 : i32
        %shift_left3A_405 = vector.broadcast %shift_left3A_404 : i32 to vector<16xi32>
        %shift_left3A_406 = arith.shli %gather3A_403, %shift_left3A_405 : vector<16xi32>
        %bitcast3A_407 = vector.bitcast %shift_left3A_406 : vector<16xi32> to vector<16xf32>
        %and3A_408 = arith.constant -65536 : i32
        %and3A_409 = vector.broadcast %and3A_408 : i32 to vector<16xi32>
        %and3A_410 = arith.andi %gather3A_403, %and3A_409 : vector<16xi32>
        %bitcast3A_411 = vector.bitcast %and3A_410 : vector<16xi32> to vector<16xf32>
        %swap3A_412 = arith.constant 5 : i32
        %swap3A_413 = arith.index_cast %swap3A_412 : i32 to index
        %swap3A_414 = arith.index_cast %shift_right_arithmetic3A_268 : i32 to index
        %swap3A_415 = arith.index_cast %mul3A_273 : i32 to index
        %swap3A_416 = tpu.vector_load %arg11[%swap3A_413, %swap3A_414, %swap3A_415] {strides = array<i32>} : memref<16x16x128xf32, #tpu.memory_space<vmem>>, vector<16xf32>,
        tpu.vector_store %arg11[%swap3A_413, %swap3A_414, %swap3A_415], %bitcast3A_407 {strides = array<i32>} : memref<16x16x128xf32, #tpu.memory_space<vmem>>, vector<16xf32>,
        %add3A_417 = arith.constant 16 : i32
        %add3A_418 = arith.addi %mul3A_273, %add3A_417 : i32
        %swap3A_419 = arith.constant 5 : i32
        %swap3A_420 = arith.index_cast %swap3A_419 : i32 to index
        %swap3A_421 = arith.index_cast %shift_right_arithmetic3A_268 : i32 to index
        %swap3A_422 = arith.index_cast %add3A_418 : i32 to index
        %swap3A_423 = tpu.vector_load %arg11[%swap3A_420, %swap3A_421, %swap3A_422] {strides = array<i32>} : memref<16x16x128xf32, #tpu.memory_space<vmem>>, vector<16xf32>,
        tpu.vector_store %arg11[%swap3A_420, %swap3A_421, %swap3A_422], %bitcast3A_411 {strides = array<i32>} : memref<16x16x128xf32, #tpu.memory_space<vmem>>, vector<16xf32>,
        %slice3A_424 = vector.extract_strided_slice %mul3A_279 {offsets = [6], sizes = [1], strides = [1]} : vector<16xi32> to vector<1xi32>
        %squeeze3A_425 = vector.extract %slice3A_424[0] : i32 from vector<1xi32>
        %add3A_426 = vector.broadcast %squeeze3A_425 : i32 to vector<16xi32>
        %add3A_427 = arith.addi %add3A_426, %iota3A_35 : vector<16xi32>
        %gather3A_428 = tpu.vector_load_idx %arg12[%add3A_427] : memref<65536xi32, #tpu.memory_space<vmem>>[vector<16xi32>], vector<16xi32>,
        %shift_left3A_429 = arith.constant 16 : i32
        %shift_left3A_430 = vector.broadcast %shift_left3A_429 : i32 to vector<16xi32>
        %shift_left3A_431 = arith.shli %gather3A_428, %shift_left3A_430 : vector<16xi32>
        %bitcast3A_432 = vector.bitcast %shift_left3A_431 : vector<16xi32> to vector<16xf32>
        %and3A_433 = arith.constant -65536 : i32
        %and3A_434 = vector.broadcast %and3A_433 : i32 to vector<16xi32>
        %and3A_435 = arith.andi %gather3A_428, %and3A_434 : vector<16xi32>
        %bitcast3A_436 = vector.bitcast %and3A_435 : vector<16xi32> to vector<16xf32>
        %swap3A_437 = arith.constant 6 : i32
        %swap3A_438 = arith.index_cast %swap3A_437 : i32 to index
        %swap3A_439 = arith.index_cast %shift_right_arithmetic3A_268 : i32 to index
        %swap3A_440 = arith.index_cast %mul3A_273 : i32 to index
        %swap3A_441 = tpu.vector_load %arg11[%swap3A_438, %swap3A_439, %swap3A_440] {strides = array<i32>} : memref<16x16x128xf32, #tpu.memory_space<vmem>>, vector<16xf32>,
        tpu.vector_store %arg11[%swap3A_438, %swap3A_439, %swap3A_440], %bitcast3A_432 {strides = array<i32>} : memref<16x16x128xf32, #tpu.memory_space<vmem>>, vector<16xf32>,
        %add3A_442 = arith.constant 16 : i32
        %add3A_443 = arith.addi %mul3A_273, %add3A_442 : i32
        %swap3A_444 = arith.constant 6 : i32
        %swap3A_445 = arith.index_cast %swap3A_444 : i32 to index
        %swap3A_446 = arith.index_cast %shift_right_arithmetic3A_268 : i32 to index
        %swap3A_447 = arith.index_cast %add3A_443 : i32 to index
        %swap3A_448 = tpu.vector_load %arg11[%swap3A_445, %swap3A_446, %swap3A_447] {strides = array<i32>} : memref<16x16x128xf32, #tpu.memory_space<vmem>>, vector<16xf32>,
        tpu.vector_store %arg11[%swap3A_445, %swap3A_446, %swap3A_447], %bitcast3A_436 {strides = array<i32>} : memref<16x16x128xf32, #tpu.memory_space<vmem>>, vector<16xf32>,
        %slice3A_449 = vector.extract_strided_slice %mul3A_279 {offsets = [7], sizes = [1], strides = [1]} : vector<16xi32> to vector<1xi32>
        %squeeze3A_450 = vector.extract %slice3A_449[0] : i32 from vector<1xi32>
        %add3A_451 = vector.broadcast %squeeze3A_450 : i32 to vector<16xi32>
        %add3A_452 = arith.addi %add3A_451, %iota3A_35 : vector<16xi32>
        %gather3A_453 = tpu.vector_load_idx %arg12[%add3A_452] : memref<65536xi32, #tpu.memory_space<vmem>>[vector<16xi32>], vector<16xi32>,
        %shift_left3A_454 = arith.constant 16 : i32
        %shift_left3A_455 = vector.broadcast %shift_left3A_454 : i32 to vector<16xi32>
        %shift_left3A_456 = arith.shli %gather3A_453, %shift_left3A_455 : vector<16xi32>
        %bitcast3A_457 = vector.bitcast %shift_left3A_456 : vector<16xi32> to vector<16xf32>
        %and3A_458 = arith.constant -65536 : i32
        %and3A_459 = vector.broadcast %and3A_458 : i32 to vector<16xi32>
        %and3A_460 = arith.andi %gather3A_453, %and3A_459 : vector<16xi32>
        %bitcast3A_461 = vector.bitcast %and3A_460 : vector<16xi32> to vector<16xf32>
        %swap3A_462 = arith.constant 7 : i32
        %swap3A_463 = arith.index_cast %swap3A_462 : i32 to index
        %swap3A_464 = arith.index_cast %shift_right_arithmetic3A_268 : i32 to index
        %swap3A_465 = arith.index_cast %mul3A_273 : i32 to index
        %swap3A_466 = tpu.vector_load %arg11[%swap3A_463, %swap3A_464, %swap3A_465] {strides = array<i32>} : memref<16x16x128xf32, #tpu.memory_space<vmem>>, vector<16xf32>,
        tpu.vector_store %arg11[%swap3A_463, %swap3A_464, %swap3A_465], %bitcast3A_457 {strides = array<i32>} : memref<16x16x128xf32, #tpu.memory_space<vmem>>, vector<16xf32>,
        %add3A_467 = arith.constant 16 : i32
        %add3A_468 = arith.addi %mul3A_273, %add3A_467 : i32
        %swap3A_469 = arith.constant 7 : i32
        %swap3A_470 = arith.index_cast %swap3A_469 : i32 to index
        %swap3A_471 = arith.index_cast %shift_right_arithmetic3A_268 : i32 to index
        %swap3A_472 = arith.index_cast %add3A_468 : i32 to index
        %swap3A_473 = tpu.vector_load %arg11[%swap3A_470, %swap3A_471, %swap3A_472] {strides = array<i32>} : memref<16x16x128xf32, #tpu.memory_space<vmem>>, vector<16xf32>,
        tpu.vector_store %arg11[%swap3A_470, %swap3A_471, %swap3A_472], %bitcast3A_461 {strides = array<i32>} : memref<16x16x128xf32, #tpu.memory_space<vmem>>, vector<16xf32>,
        %slice3A_474 = vector.extract_strided_slice %mul3A_279 {offsets = [8], sizes = [1], strides = [1]} : vector<16xi32> to vector<1xi32>
        %squeeze3A_475 = vector.extract %slice3A_474[0] : i32 from vector<1xi32>
        %add3A_476 = vector.broadcast %squeeze3A_475 : i32 to vector<16xi32>
        %add3A_477 = arith.addi %add3A_476, %iota3A_35 : vector<16xi32>
        %gather3A_478 = tpu.vector_load_idx %arg12[%add3A_477] : memref<65536xi32, #tpu.memory_space<vmem>>[vector<16xi32>], vector<16xi32>,
        %shift_left3A_479 = arith.constant 16 : i32
        %shift_left3A_480 = vector.broadcast %shift_left3A_479 : i32 to vector<16xi32>
        %shift_left3A_481 = arith.shli %gather3A_478, %shift_left3A_480 : vector<16xi32>
        %bitcast3A_482 = vector.bitcast %shift_left3A_481 : vector<16xi32> to vector<16xf32>
        %and3A_483 = arith.constant -65536 : i32
        %and3A_484 = vector.broadcast %and3A_483 : i32 to vector<16xi32>
        %and3A_485 = arith.andi %gather3A_478, %and3A_484 : vector<16xi32>
        %bitcast3A_486 = vector.bitcast %and3A_485 : vector<16xi32> to vector<16xf32>
        %swap3A_487 = arith.constant 8 : i32
        %swap3A_488 = arith.index_cast %swap3A_487 : i32 to index
        %swap3A_489 = arith.index_cast %shift_right_arithmetic3A_268 : i32 to index
        %swap3A_490 = arith.index_cast %mul3A_273 : i32 to index
        %swap3A_491 = tpu.vector_load %arg11[%swap3A_488, %swap3A_489, %swap3A_490] {strides = array<i32>} : memref<16x16x128xf32, #tpu.memory_space<vmem>>, vector<16xf32>,
        tpu.vector_store %arg11[%swap3A_488, %swap3A_489, %swap3A_490], %bitcast3A_482 {strides = array<i32>} : memref<16x16x128xf32, #tpu.memory_space<vmem>>, vector<16xf32>,
        %add3A_492 = arith.constant 16 : i32
        %add3A_493 = arith.addi %mul3A_273, %add3A_492 : i32
        %swap3A_494 = arith.constant 8 : i32
        %swap3A_495 = arith.index_cast %swap3A_494 : i32 to index
        %swap3A_496 = arith.index_cast %shift_right_arithmetic3A_268 : i32 to index
        %swap3A_497 = arith.index_cast %add3A_493 : i32 to index
        %swap3A_498 = tpu.vector_load %arg11[%swap3A_495, %swap3A_496, %swap3A_497] {strides = array<i32>} : memref<16x16x128xf32, #tpu.memory_space<vmem>>, vector<16xf32>,
        tpu.vector_store %arg11[%swap3A_495, %swap3A_496, %swap3A_497], %bitcast3A_486 {strides = array<i32>} : memref<16x16x128xf32, #tpu.memory_space<vmem>>, vector<16xf32>,
        %slice3A_499 = vector.extract_strided_slice %mul3A_279 {offsets = [9], sizes = [1], strides = [1]} : vector<16xi32> to vector<1xi32>
        %squeeze3A_500 = vector.extract %slice3A_499[0] : i32 from vector<1xi32>
        %add3A_501 = vector.broadcast %squeeze3A_500 : i32 to vector<16xi32>
        %add3A_502 = arith.addi %add3A_501, %iota3A_35 : vector<16xi32>
        %gather3A_503 = tpu.vector_load_idx %arg12[%add3A_502] : memref<65536xi32, #tpu.memory_space<vmem>>[vector<16xi32>], vector<16xi32>,
        %shift_left3A_504 = arith.constant 16 : i32
        %shift_left3A_505 = vector.broadcast %shift_left3A_504 : i32 to vector<16xi32>
        %shift_left3A_506 = arith.shli %gather3A_503, %shift_left3A_505 : vector<16xi32>
        %bitcast3A_507 = vector.bitcast %shift_left3A_506 : vector<16xi32> to vector<16xf32>
        %and3A_508 = arith.constant -65536 : i32
        %and3A_509 = vector.broadcast %and3A_508 : i32 to vector<16xi32>
        %and3A_510 = arith.andi %gather3A_503, %and3A_509 : vector<16xi32>
        %bitcast3A_511 = vector.bitcast %and3A_510 : vector<16xi32> to vector<16xf32>
        %swap3A_512 = arith.constant 9 : i32
        %swap3A_513 = arith.index_cast %swap3A_512 : i32 to index
        %swap3A_514 = arith.index_cast %shift_right_arithmetic3A_268 : i32 to index
        %swap3A_515 = arith.index_cast %mul3A_273 : i32 to index
        %swap3A_516 = tpu.vector_load %arg11[%swap3A_513, %swap3A_514, %swap3A_515] {strides = array<i32>} : memref<16x16x128xf32, #tpu.memory_space<vmem>>, vector<16xf32>,
        tpu.vector_store %arg11[%swap3A_513, %swap3A_514, %swap3A_515], %bitcast3A_507 {strides = array<i32>} : memref<16x16x128xf32, #tpu.memory_space<vmem>>, vector<16xf32>,
        %add3A_517 = arith.constant 16 : i32
        %add3A_518 = arith.addi %mul3A_273, %add3A_517 : i32
        %swap3A_519 = arith.constant 9 : i32
        %swap3A_520 = arith.index_cast %swap3A_519 : i32 to index
        %swap3A_521 = arith.index_cast %shift_right_arithmetic3A_268 : i32 to index
        %swap3A_522 = arith.index_cast %add3A_518 : i32 to index
        %swap3A_523 = tpu.vector_load %arg11[%swap3A_520, %swap3A_521, %swap3A_522] {strides = array<i32>} : memref<16x16x128xf32, #tpu.memory_space<vmem>>, vector<16xf32>,
        tpu.vector_store %arg11[%swap3A_520, %swap3A_521, %swap3A_522], %bitcast3A_511 {strides = array<i32>} : memref<16x16x128xf32, #tpu.memory_space<vmem>>, vector<16xf32>,
        %slice3A_524 = vector.extract_strided_slice %mul3A_279 {offsets = [10], sizes = [1], strides = [1]} : vector<16xi32> to vector<1xi32>
        %squeeze3A_525 = vector.extract %slice3A_524[0] : i32 from vector<1xi32>
        %add3A_526 = vector.broadcast %squeeze3A_525 : i32 to vector<16xi32>
        %add3A_527 = arith.addi %add3A_526, %iota3A_35 : vector<16xi32>
        %gather3A_528 = tpu.vector_load_idx %arg12[%add3A_527] : memref<65536xi32, #tpu.memory_space<vmem>>[vector<16xi32>], vector<16xi32>,
        %shift_left3A_529 = arith.constant 16 : i32
        %shift_left3A_530 = vector.broadcast %shift_left3A_529 : i32 to vector<16xi32>
        %shift_left3A_531 = arith.shli %gather3A_528, %shift_left3A_530 : vector<16xi32>
        %bitcast3A_532 = vector.bitcast %shift_left3A_531 : vector<16xi32> to vector<16xf32>
        %and3A_533 = arith.constant -65536 : i32
        %and3A_534 = vector.broadcast %and3A_533 : i32 to vector<16xi32>
        %and3A_535 = arith.andi %gather3A_528, %and3A_534 : vector<16xi32>
        %bitcast3A_536 = vector.bitcast %and3A_535 : vector<16xi32> to vector<16xf32>
        %swap3A_537 = arith.constant 10 : i32
        %swap3A_538 = arith.index_cast %swap3A_537 : i32 to index
        %swap3A_539 = arith.index_cast %shift_right_arithmetic3A_268 : i32 to index
        %swap3A_540 = arith.index_cast %mul3A_273 : i32 to index
        %swap3A_541 = tpu.vector_load %arg11[%swap3A_538, %swap3A_539, %swap3A_540] {strides = array<i32>} : memref<16x16x128xf32, #tpu.memory_space<vmem>>, vector<16xf32>,
        tpu.vector_store %arg11[%swap3A_538, %swap3A_539, %swap3A_540], %bitcast3A_532 {strides = array<i32>} : memref<16x16x128xf32, #tpu.memory_space<vmem>>, vector<16xf32>,
        %add3A_542 = arith.constant 16 : i32
        %add3A_543 = arith.addi %mul3A_273, %add3A_542 : i32
        %swap3A_544 = arith.constant 10 : i32
        %swap3A_545 = arith.index_cast %swap3A_544 : i32 to index
        %swap3A_546 = arith.index_cast %shift_right_arithmetic3A_268 : i32 to index
        %swap3A_547 = arith.index_cast %add3A_543 : i32 to index
        %swap3A_548 = tpu.vector_load %arg11[%swap3A_545, %swap3A_546, %swap3A_547] {strides = array<i32>} : memref<16x16x128xf32, #tpu.memory_space<vmem>>, vector<16xf32>,
        tpu.vector_store %arg11[%swap3A_545, %swap3A_546, %swap3A_547], %bitcast3A_536 {strides = array<i32>} : memref<16x16x128xf32, #tpu.memory_space<vmem>>, vector<16xf32>,
        %slice3A_549 = vector.extract_strided_slice %mul3A_279 {offsets = [11], sizes = [1], strides = [1]} : vector<16xi32> to vector<1xi32>
        %squeeze3A_550 = vector.extract %slice3A_549[0] : i32 from vector<1xi32>
        %add3A_551 = vector.broadcast %squeeze3A_550 : i32 to vector<16xi32>
        %add3A_552 = arith.addi %add3A_551, %iota3A_35 : vector<16xi32>
        %gather3A_553 = tpu.vector_load_idx %arg12[%add3A_552] : memref<65536xi32, #tpu.memory_space<vmem>>[vector<16xi32>], vector<16xi32>,
        %shift_left3A_554 = arith.constant 16 : i32
        %shift_left3A_555 = vector.broadcast %shift_left3A_554 : i32 to vector<16xi32>
        %shift_left3A_556 = arith.shli %gather3A_553, %shift_left3A_555 : vector<16xi32>
        %bitcast3A_557 = vector.bitcast %shift_left3A_556 : vector<16xi32> to vector<16xf32>
        %and3A_558 = arith.constant -65536 : i32
        %and3A_559 = vector.broadcast %and3A_558 : i32 to vector<16xi32>
        %and3A_560 = arith.andi %gather3A_553, %and3A_559 : vector<16xi32>
        %bitcast3A_561 = vector.bitcast %and3A_560 : vector<16xi32> to vector<16xf32>
        %swap3A_562 = arith.constant 11 : i32
        %swap3A_563 = arith.index_cast %swap3A_562 : i32 to index
        %swap3A_564 = arith.index_cast %shift_right_arithmetic3A_268 : i32 to index
        %swap3A_565 = arith.index_cast %mul3A_273 : i32 to index
        %swap3A_566 = tpu.vector_load %arg11[%swap3A_563, %swap3A_564, %swap3A_565] {strides = array<i32>} : memref<16x16x128xf32, #tpu.memory_space<vmem>>, vector<16xf32>,
        tpu.vector_store %arg11[%swap3A_563, %swap3A_564, %swap3A_565], %bitcast3A_557 {strides = array<i32>} : memref<16x16x128xf32, #tpu.memory_space<vmem>>, vector<16xf32>,
        %add3A_567 = arith.constant 16 : i32
        %add3A_568 = arith.addi %mul3A_273, %add3A_567 : i32
        %swap3A_569 = arith.constant 11 : i32
        %swap3A_570 = arith.index_cast %swap3A_569 : i32 to index
        %swap3A_571 = arith.index_cast %shift_right_arithmetic3A_268 : i32 to index
        %swap3A_572 = arith.index_cast %add3A_568 : i32 to index
        %swap3A_573 = tpu.vector_load %arg11[%swap3A_570, %swap3A_571, %swap3A_572] {strides = array<i32>} : memref<16x16x128xf32, #tpu.memory_space<vmem>>, vector<16xf32>,
        tpu.vector_store %arg11[%swap3A_570, %swap3A_571, %swap3A_572], %bitcast3A_561 {strides = array<i32>} : memref<16x16x128xf32, #tpu.memory_space<vmem>>, vector<16xf32>,
        %slice3A_574 = vector.extract_strided_slice %mul3A_279 {offsets = [12], sizes = [1], strides = [1]} : vector<16xi32> to vector<1xi32>
        %squeeze3A_575 = vector.extract %slice3A_574[0] : i32 from vector<1xi32>
        %add3A_576 = vector.broadcast %squeeze3A_575 : i32 to vector<16xi32>
        %add3A_577 = arith.addi %add3A_576, %iota3A_35 : vector<16xi32>
        %gather3A_578 = tpu.vector_load_idx %arg12[%add3A_577] : memref<65536xi32, #tpu.memory_space<vmem>>[vector<16xi32>], vector<16xi32>,
        %shift_left3A_579 = arith.constant 16 : i32
        %shift_left3A_580 = vector.broadcast %shift_left3A_579 : i32 to vector<16xi32>
        %shift_left3A_581 = arith.shli %gather3A_578, %shift_left3A_580 : vector<16xi32>
        %bitcast3A_582 = vector.bitcast %shift_left3A_581 : vector<16xi32> to vector<16xf32>
        %and3A_583 = arith.constant -65536 : i32
        %and3A_584 = vector.broadcast %and3A_583 : i32 to vector<16xi32>
        %and3A_585 = arith.andi %gather3A_578, %and3A_584 : vector<16xi32>
        %bitcast3A_586 = vector.bitcast %and3A_585 : vector<16xi32> to vector<16xf32>
        %swap3A_587 = arith.constant 12 : i32
        %swap3A_588 = arith.index_cast %swap3A_587 : i32 to index
        %swap3A_589 = arith.index_cast %shift_right_arithmetic3A_268 : i32 to index
        %swap3A_590 = arith.index_cast %mul3A_273 : i32 to index
        %swap3A_591 = tpu.vector_load %arg11[%swap3A_588, %swap3A_589, %swap3A_590] {strides = array<i32>} : memref<16x16x128xf32, #tpu.memory_space<vmem>>, vector<16xf32>,
        tpu.vector_store %arg11[%swap3A_588, %swap3A_589, %swap3A_590], %bitcast3A_582 {strides = array<i32>} : memref<16x16x128xf32, #tpu.memory_space<vmem>>, vector<16xf32>,
        %add3A_592 = arith.constant 16 : i32
        %add3A_593 = arith.addi %mul3A_273, %add3A_592 : i32
        %swap3A_594 = arith.constant 12 : i32
        %swap3A_595 = arith.index_cast %swap3A_594 : i32 to index
        %swap3A_596 = arith.index_cast %shift_right_arithmetic3A_268 : i32 to index
        %swap3A_597 = arith.index_cast %add3A_593 : i32 to index
        %swap3A_598 = tpu.vector_load %arg11[%swap3A_595, %swap3A_596, %swap3A_597] {strides = array<i32>} : memref<16x16x128xf32, #tpu.memory_space<vmem>>, vector<16xf32>,
        tpu.vector_store %arg11[%swap3A_595, %swap3A_596, %swap3A_597], %bitcast3A_586 {strides = array<i32>} : memref<16x16x128xf32, #tpu.memory_space<vmem>>, vector<16xf32>,
        %slice3A_599 = vector.extract_strided_slice %mul3A_279 {offsets = [13], sizes = [1], strides = [1]} : vector<16xi32> to vector<1xi32>
        %squeeze3A_600 = vector.extract %slice3A_599[0] : i32 from vector<1xi32>
        %add3A_601 = vector.broadcast %squeeze3A_600 : i32 to vector<16xi32>
        %add3A_602 = arith.addi %add3A_601, %iota3A_35 : vector<16xi32>
        %gather3A_603 = tpu.vector_load_idx %arg12[%add3A_602] : memref<65536xi32, #tpu.memory_space<vmem>>[vector<16xi32>], vector<16xi32>,
        %shift_left3A_604 = arith.constant 16 : i32
        %shift_left3A_605 = vector.broadcast %shift_left3A_604 : i32 to vector<16xi32>
        %shift_left3A_606 = arith.shli %gather3A_603, %shift_left3A_605 : vector<16xi32>
        %bitcast3A_607 = vector.bitcast %shift_left3A_606 : vector<16xi32> to vector<16xf32>
        %and3A_608 = arith.constant -65536 : i32
        %and3A_609 = vector.broadcast %and3A_608 : i32 to vector<16xi32>
        %and3A_610 = arith.andi %gather3A_603, %and3A_609 : vector<16xi32>
        %bitcast3A_611 = vector.bitcast %and3A_610 : vector<16xi32> to vector<16xf32>
        %swap3A_612 = arith.constant 13 : i32
        %swap3A_613 = arith.index_cast %swap3A_612 : i32 to index
        %swap3A_614 = arith.index_cast %shift_right_arithmetic3A_268 : i32 to index
        %swap3A_615 = arith.index_cast %mul3A_273 : i32 to index
        %swap3A_616 = tpu.vector_load %arg11[%swap3A_613, %swap3A_614, %swap3A_615] {strides = array<i32>} : memref<16x16x128xf32, #tpu.memory_space<vmem>>, vector<16xf32>,
        tpu.vector_store %arg11[%swap3A_613, %swap3A_614, %swap3A_615], %bitcast3A_607 {strides = array<i32>} : memref<16x16x128xf32, #tpu.memory_space<vmem>>, vector<16xf32>,
        %add3A_617 = arith.constant 16 : i32
        %add3A_618 = arith.addi %mul3A_273, %add3A_617 : i32
        %swap3A_619 = arith.constant 13 : i32
        %swap3A_620 = arith.index_cast %swap3A_619 : i32 to index
        %swap3A_621 = arith.index_cast %shift_right_arithmetic3A_268 : i32 to index
        %swap3A_622 = arith.index_cast %add3A_618 : i32 to index
        %swap3A_623 = tpu.vector_load %arg11[%swap3A_620, %swap3A_621, %swap3A_622] {strides = array<i32>} : memref<16x16x128xf32, #tpu.memory_space<vmem>>, vector<16xf32>,
        tpu.vector_store %arg11[%swap3A_620, %swap3A_621, %swap3A_622], %bitcast3A_611 {strides = array<i32>} : memref<16x16x128xf32, #tpu.memory_space<vmem>>, vector<16xf32>,
        %slice3A_624 = vector.extract_strided_slice %mul3A_279 {offsets = [14], sizes = [1], strides = [1]} : vector<16xi32> to vector<1xi32>
        %squeeze3A_625 = vector.extract %slice3A_624[0] : i32 from vector<1xi32>
        %add3A_626 = vector.broadcast %squeeze3A_625 : i32 to vector<16xi32>
        %add3A_627 = arith.addi %add3A_626, %iota3A_35 : vector<16xi32>
        %gather3A_628 = tpu.vector_load_idx %arg12[%add3A_627] : memref<65536xi32, #tpu.memory_space<vmem>>[vector<16xi32>], vector<16xi32>,
        %shift_left3A_629 = arith.constant 16 : i32
        %shift_left3A_630 = vector.broadcast %shift_left3A_629 : i32 to vector<16xi32>
        %shift_left3A_631 = arith.shli %gather3A_628, %shift_left3A_630 : vector<16xi32>
        %bitcast3A_632 = vector.bitcast %shift_left3A_631 : vector<16xi32> to vector<16xf32>
        %and3A_633 = arith.constant -65536 : i32
        %and3A_634 = vector.broadcast %and3A_633 : i32 to vector<16xi32>
        %and3A_635 = arith.andi %gather3A_628, %and3A_634 : vector<16xi32>
        %bitcast3A_636 = vector.bitcast %and3A_635 : vector<16xi32> to vector<16xf32>
        %swap3A_637 = arith.constant 14 : i32
        %swap3A_638 = arith.index_cast %swap3A_637 : i32 to index
        %swap3A_639 = arith.index_cast %shift_right_arithmetic3A_268 : i32 to index
        %swap3A_640 = arith.index_cast %mul3A_273 : i32 to index
        %swap3A_641 = tpu.vector_load %arg11[%swap3A_638, %swap3A_639, %swap3A_640] {strides = array<i32>} : memref<16x16x128xf32, #tpu.memory_space<vmem>>, vector<16xf32>,
        tpu.vector_store %arg11[%swap3A_638, %swap3A_639, %swap3A_640], %bitcast3A_632 {strides = array<i32>} : memref<16x16x128xf32, #tpu.memory_space<vmem>>, vector<16xf32>,
        %add3A_642 = arith.constant 16 : i32
        %add3A_643 = arith.addi %mul3A_273, %add3A_642 : i32
        %swap3A_644 = arith.constant 14 : i32
        %swap3A_645 = arith.index_cast %swap3A_644 : i32 to index
        %swap3A_646 = arith.index_cast %shift_right_arithmetic3A_268 : i32 to index
        %swap3A_647 = arith.index_cast %add3A_643 : i32 to index
        %swap3A_648 = tpu.vector_load %arg11[%swap3A_645, %swap3A_646, %swap3A_647] {strides = array<i32>} : memref<16x16x128xf32, #tpu.memory_space<vmem>>, vector<16xf32>,
        tpu.vector_store %arg11[%swap3A_645, %swap3A_646, %swap3A_647], %bitcast3A_636 {strides = array<i32>} : memref<16x16x128xf32, #tpu.memory_space<vmem>>, vector<16xf32>,
        %slice3A_649 = vector.extract_strided_slice %mul3A_279 {offsets = [15], sizes = [1], strides = [1]} : vector<16xi32> to vector<1xi32>
        %squeeze3A_650 = vector.extract %slice3A_649[0] : i32 from vector<1xi32>
        %add3A_651 = vector.broadcast %squeeze3A_650 : i32 to vector<16xi32>
        %add3A_652 = arith.addi %add3A_651, %iota3A_35 : vector<16xi32>
        %gather3A_653 = tpu.vector_load_idx %arg12[%add3A_652] : memref<65536xi32, #tpu.memory_space<vmem>>[vector<16xi32>], vector<16xi32>,
        %shift_left3A_654 = arith.constant 16 : i32
        %shift_left3A_655 = vector.broadcast %shift_left3A_654 : i32 to vector<16xi32>
        %shift_left3A_656 = arith.shli %gather3A_653, %shift_left3A_655 : vector<16xi32>
        %bitcast3A_657 = vector.bitcast %shift_left3A_656 : vector<16xi32> to vector<16xf32>
        %and3A_658 = arith.constant -65536 : i32
        %and3A_659 = vector.broadcast %and3A_658 : i32 to vector<16xi32>
        %and3A_660 = arith.andi %gather3A_653, %and3A_659 : vector<16xi32>
        %bitcast3A_661 = vector.bitcast %and3A_660 : vector<16xi32> to vector<16xf32>
        %swap3A_662 = arith.constant 15 : i32
        %swap3A_663 = arith.index_cast %swap3A_662 : i32 to index
        %swap3A_664 = arith.index_cast %shift_right_arithmetic3A_268 : i32 to index
        %swap3A_665 = arith.index_cast %mul3A_273 : i32 to index
        %swap3A_666 = tpu.vector_load %arg11[%swap3A_663, %swap3A_664, %swap3A_665] {strides = array<i32>} : memref<16x16x128xf32, #tpu.memory_space<vmem>>, vector<16xf32>,
        tpu.vector_store %arg11[%swap3A_663, %swap3A_664, %swap3A_665], %bitcast3A_657 {strides = array<i32>} : memref<16x16x128xf32, #tpu.memory_space<vmem>>, vector<16xf32>,
        %add3A_667 = arith.constant 16 : i32
        %add3A_668 = arith.addi %mul3A_273, %add3A_667 : i32
        %swap3A_669 = arith.constant 15 : i32
        %swap3A_670 = arith.index_cast %swap3A_669 : i32 to index
        %swap3A_671 = arith.index_cast %shift_right_arithmetic3A_268 : i32 to index
        %swap3A_672 = arith.index_cast %add3A_668 : i32 to index
        %swap3A_673 = tpu.vector_load %arg11[%swap3A_670, %swap3A_671, %swap3A_672] {strides = array<i32>} : memref<16x16x128xf32, #tpu.memory_space<vmem>>, vector<16xf32>,
        tpu.vector_store %arg11[%swap3A_670, %swap3A_671, %swap3A_672], %bitcast3A_661 {strides = array<i32>} : memref<16x16x128xf32, #tpu.memory_space<vmem>>, vector<16xf32>,
      }
      %scan3A_60 = arith.constant 24 : i32
      %jit3A = arith.constant 3 : i32
      %div3A = arith.divsi %add3A_34, %jit3A : i32
      %sign3A = arith.constant 0 : i32
      %sign3A_61 = arith.cmpi sgt, %add3A_34, %sign3A : i32
      %sign3A_62 = arith.extui %sign3A_61 : i1 to i32
      %sign3A_63 = arith.constant 0 : i32
      %sign3A_64 = arith.cmpi slt, %add3A_34, %sign3A_63 : i32
      %sign3A_65 = arith.extui %sign3A_64 : i1 to i32
      %sign3A_66 = arith.subi %sign3A_62, %sign3A_65 : i32
      %sign3A_67 = arith.constant 0 : i32
      %sign3A_68 = arith.cmpi sgt, %jit3A, %sign3A_67 : i32
      %sign3A_69 = arith.extui %sign3A_68 : i1 to i32
      %sign3A_70 = arith.constant 0 : i32
      %sign3A_71 = arith.cmpi slt, %jit3A, %sign3A_70 : i32
      %sign3A_72 = arith.extui %sign3A_71 : i1 to i32
      %sign3A_73 = arith.subi %sign3A_69, %sign3A_72 : i32
      %ne3A = arith.cmpi ne, %sign3A_66, %sign3A_73 : i32
      %rem3A = arith.remsi %add3A_34, %jit3A : i32
      %ne3A_74 = arith.constant 0 : i32
      %ne3A_75 = arith.cmpi ne, %rem3A, %ne3A_74 : i32
      %and3A = arith.andi %ne3A, %ne3A_75 : i1
      %sub3A = arith.constant 1 : i32
      %sub3A_76 = arith.subi %div3A, %sub3A : i32
      %select_n3A = arith.select %and3A, %sub3A_76, %div3A : i32
      %add3A_77 = arith.constant 0 : i32
      %add3A_78 = arith.addi %select_n3A, %add3A_77 : i32
      %dma_start3A = arith.constant 0 : i32
      %dma_start3A_79 = arith.constant 0 : i32
      %dma_start3A_80 = arith.constant 0 : i32
      %dma_start3A_81 = tpu.memref_slice %arg11[%dma_start3A, %dma_start3A_79, %dma_start3A_80] : memref<16x16x128xf32, #tpu.memory_space<vmem>> -> memref<16x8x128xf32, #tpu.memory_space<vmem>>
      %dma_start3A_82 = arith.constant 0 : i32
      %dma_start3A_83 = arith.constant 0 : i32
      %dma_start3A_84 = tpu.memref_slice %arg6[%dma_start3A_82, %add3A_78, %dma_start3A_83] : memref<16x17408x128xf32, #tpu.memory_space<hbm>> -> memref<16x8x128xf32, #tpu.memory_space<hbm>>
      %dma_start3A_85 = arith.constant 0 : i32
      %dma_start3A_86 = arith.constant 0 : i32
      %dma_start3A_87 = tpu.memref_slice %arg6[%dma_start3A_85, %add3A_78, %dma_start3A_86] : memref<16x17408x128xf32, #tpu.memory_space<hbm>> -> memref<16x8x128xf32, #tpu.memory_space<hbm>>
      %dma_start3A_88 = arith.constant 0 : i32
      %dma_start3A_89 = arith.constant 0 : i32
      %dma_start3A_90 = arith.constant 0 : i32
      %dma_start3A_91 = tpu.memref_slice %arg11[%dma_start3A_88, %dma_start3A_89, %dma_start3A_90] : memref<16x16x128xf32, #tpu.memory_space<vmem>> -> memref<16x8x128xf32, #tpu.memory_space<vmem>>
      tpu.enqueue_dma source(%dma_start3A_91 : memref<16x8x128xf32, #tpu.memory_space<vmem>>) target(%dma_start3A_87 : memref<16x8x128xf32, #tpu.memory_space<hbm>>) target_semaphore(%arg15 : memref<!tpu.dma_semaphore, #tpu.memory_space<semaphore_mem>>)
      %scan3A_92 = arith.constant 0 : i32
      %scan3A_93 = arith.constant 0 : i32
      %scan3A_94 = arith.constant 24 : i32
      %scan3A_95 = arith.addi %scan3A_93, %scan3A_94 : i32
      %scan3A_96 = arith.constant 1 : i32
      scf.for %scan3A_263 = %scan3A_93 to %scan3A_95 step %scan3A_96  : i32 {
        %add3A_264 = arith.constant 24 : i32
        %add3A_265 = arith.addi %add3A_264, %scan3A_263 : i32
        %mul3A_266 = arith.constant 21846 : i32
        %mul3A_267 = arith.muli %add3A_265, %mul3A_266 : i32
        %shift_right_arithmetic3A = arith.constant 16 : i32
        %shift_right_arithmetic3A_268 = arith.shrsi %mul3A_267, %shift_right_arithmetic3A : i32
        %mul3A_269 = arith.constant 3 : i32
        %mul3A_270 = arith.muli %mul3A_269, %shift_right_arithmetic3A_268 : i32
        %sub3A_271 = arith.subi %add3A_265, %mul3A_270 : i32
        %mul3A_272 = arith.constant 32 : i32
        %mul3A_273 = arith.muli %mul3A_272, %sub3A_271 : i32
        %mul3A_274 = arith.constant 16 : i32
        %mul3A_275 = arith.muli %add3A_265, %mul3A_274 : i32
        %get3A = arith.index_cast %mul3A_275 : i32 to index
        %get3A_276 = tpu.vector_load %arg7[%get3A] {strides = array<i32>} : memref<768xi32, #tpu.memory_space<vmem>>, vector<16xi32>,
        %mul3A_277 = arith.constant 16 : i32
        %mul3A_278 = vector.broadcast %mul3A_277 : i32 to vector<16xi32>
        %mul3A_279 = arith.muli %get3A_276, %mul3A_278 : vector<16xi32>
        %slice3A = vector.extract_strided_slice %mul3A_279 {offsets = [0], sizes = [1], strides = [1]} : vector<16xi32> to vector<1xi32>
        %squeeze3A = vector.extract %slice3A[0] : i32 from vector<1xi32>
        %add3A_280 = vector.broadcast %squeeze3A : i32 to vector<16xi32>
        %add3A_281 = arith.addi %add3A_280, %iota3A_35 : vector<16xi32>
        %gather3A = tpu.vector_load_idx %arg12[%add3A_281] : memref<65536xi32, #tpu.memory_space<vmem>>[vector<16xi32>], vector<16xi32>,
        %shift_left3A = arith.constant 16 : i32
        %shift_left3A_282 = vector.broadcast %shift_left3A : i32 to vector<16xi32>
        %shift_left3A_283 = arith.shli %gather3A, %shift_left3A_282 : vector<16xi32>
        %bitcast3A = vector.bitcast %shift_left3A_283 : vector<16xi32> to vector<16xf32>
        %and3A_284 = arith.constant -65536 : i32
        %and3A_285 = vector.broadcast %and3A_284 : i32 to vector<16xi32>
        %and3A_286 = arith.andi %gather3A, %and3A_285 : vector<16xi32>
        %bitcast3A_287 = vector.bitcast %and3A_286 : vector<16xi32> to vector<16xf32>
        %swap3A = arith.constant 0 : i32
        %swap3A_288 = arith.index_cast %swap3A : i32 to index
        %swap3A_289 = arith.index_cast %shift_right_arithmetic3A_268 : i32 to index
        %swap3A_290 = arith.index_cast %mul3A_273 : i32 to index
        %swap3A_291 = tpu.vector_load %arg11[%swap3A_288, %swap3A_289, %swap3A_290] {strides = array<i32>} : memref<16x16x128xf32, #tpu.memory_space<vmem>>, vector<16xf32>,
        tpu.vector_store %arg11[%swap3A_288, %swap3A_289, %swap3A_290], %bitcast3A {strides = array<i32>} : memref<16x16x128xf32, #tpu.memory_space<vmem>>, vector<16xf32>,
        %add3A_292 = arith.constant 16 : i32
        %add3A_293 = arith.addi %mul3A_273, %add3A_292 : i32
        %swap3A_294 = arith.constant 0 : i32
        %swap3A_295 = arith.index_cast %swap3A_294 : i32 to index
        %swap3A_296 = arith.index_cast %shift_right_arithmetic3A_268 : i32 to index
        %swap3A_297 = arith.index_cast %add3A_293 : i32 to index
        %swap3A_298 = tpu.vector_load %arg11[%swap3A_295, %swap3A_296, %swap3A_297] {strides = array<i32>} : memref<16x16x128xf32, #tpu.memory_space<vmem>>, vector<16xf32>,
        tpu.vector_store %arg11[%swap3A_295, %swap3A_296, %swap3A_297], %bitcast3A_287 {strides = array<i32>} : memref<16x16x128xf32, #tpu.memory_space<vmem>>, vector<16xf32>,
        %slice3A_299 = vector.extract_strided_slice %mul3A_279 {offsets = [1], sizes = [1], strides = [1]} : vector<16xi32> to vector<1xi32>
        %squeeze3A_300 = vector.extract %slice3A_299[0] : i32 from vector<1xi32>
        %add3A_301 = vector.broadcast %squeeze3A_300 : i32 to vector<16xi32>
        %add3A_302 = arith.addi %add3A_301, %iota3A_35 : vector<16xi32>
        %gather3A_303 = tpu.vector_load_idx %arg12[%add3A_302] : memref<65536xi32, #tpu.memory_space<vmem>>[vector<16xi32>], vector<16xi32>,
        %shift_left3A_304 = arith.constant 16 : i32
        %shift_left3A_305 = vector.broadcast %shift_left3A_304 : i32 to vector<16xi32>
        %shift_left3A_306 = arith.shli %gather3A_303, %shift_left3A_305 : vector<16xi32>
        %bitcast3A_307 = vector.bitcast %shift_left3A_306 : vector<16xi32> to vector<16xf32>
        %and3A_308 = arith.constant -65536 : i32
        %and3A_309 = vector.broadcast %and3A_308 : i32 to vector<16xi32>
        %and3A_310 = arith.andi %gather3A_303, %and3A_309 : vector<16xi32>
        %bitcast3A_311 = vector.bitcast %and3A_310 : vector<16xi32> to vector<16xf32>
        %swap3A_312 = arith.constant 1 : i32
        %swap3A_313 = arith.index_cast %swap3A_312 : i32 to index
        %swap3A_314 = arith.index_cast %shift_right_arithmetic3A_268 : i32 to index
        %swap3A_315 = arith.index_cast %mul3A_273 : i32 to index
        %swap3A_316 = tpu.vector_load %arg11[%swap3A_313, %swap3A_314, %swap3A_315] {strides = array<i32>} : memref<16x16x128xf32, #tpu.memory_space<vmem>>, vector<16xf32>,
        tpu.vector_store %arg11[%swap3A_313, %swap3A_314, %swap3A_315], %bitcast3A_307 {strides = array<i32>} : memref<16x16x128xf32, #tpu.memory_space<vmem>>, vector<16xf32>,
        %add3A_317 = arith.constant 16 : i32
        %add3A_318 = arith.addi %mul3A_273, %add3A_317 : i32
        %swap3A_319 = arith.constant 1 : i32
        %swap3A_320 = arith.index_cast %swap3A_319 : i32 to index
        %swap3A_321 = arith.index_cast %shift_right_arithmetic3A_268 : i32 to index
        %swap3A_322 = arith.index_cast %add3A_318 : i32 to index
        %swap3A_323 = tpu.vector_load %arg11[%swap3A_320, %swap3A_321, %swap3A_322] {strides = array<i32>} : memref<16x16x128xf32, #tpu.memory_space<vmem>>, vector<16xf32>,
        tpu.vector_store %arg11[%swap3A_320, %swap3A_321, %swap3A_322], %bitcast3A_311 {strides = array<i32>} : memref<16x16x128xf32, #tpu.memory_space<vmem>>, vector<16xf32>,
        %slice3A_324 = vector.extract_strided_slice %mul3A_279 {offsets = [2], sizes = [1], strides = [1]} : vector<16xi32> to vector<1xi32>
        %squeeze3A_325 = vector.extract %slice3A_324[0] : i32 from vector<1xi32>
        %add3A_326 = vector.broadcast %squeeze3A_325 : i32 to vector<16xi32>
        %add3A_327 = arith.addi %add3A_326, %iota3A_35 : vector<16xi32>
        %gather3A_328 = tpu.vector_load_idx %arg12[%add3A_327] : memref<65536xi32, #tpu.memory_space<vmem>>[vector<16xi32>], vector<16xi32>,
        %shift_left3A_329 = arith.constant 16 : i32
        %shift_left3A_330 = vector.broadcast %shift_left3A_329 : i32 to vector<16xi32>
        %shift_left3A_331 = arith.shli %gather3A_328, %shift_left3A_330 : vector<16xi32>
        %bitcast3A_332 = vector.bitcast %shift_left3A_331 : vector<16xi32> to vector<16xf32>
        %and3A_333 = arith.constant -65536 : i32
        %and3A_334 = vector.broadcast %and3A_333 : i32 to vector<16xi32>
        %and3A_335 = arith.andi %gather3A_328, %and3A_334 : vector<16xi32>
        %bitcast3A_336 = vector.bitcast %and3A_335 : vector<16xi32> to vector<16xf32>
        %swap3A_337 = arith.constant 2 : i32
        %swap3A_338 = arith.index_cast %swap3A_337 : i32 to index
        %swap3A_339 = arith.index_cast %shift_right_arithmetic3A_268 : i32 to index
        %swap3A_340 = arith.index_cast %mul3A_273 : i32 to index
        %swap3A_341 = tpu.vector_load %arg11[%swap3A_338, %swap3A_339, %swap3A_340] {strides = array<i32>} : memref<16x16x128xf32, #tpu.memory_space<vmem>>, vector<16xf32>,
        tpu.vector_store %arg11[%swap3A_338, %swap3A_339, %swap3A_340], %bitcast3A_332 {strides = array<i32>} : memref<16x16x128xf32, #tpu.memory_space<vmem>>, vector<16xf32>,
        %add3A_342 = arith.constant 16 : i32
        %add3A_343 = arith.addi %mul3A_273, %add3A_342 : i32
        %swap3A_344 = arith.constant 2 : i32
        %swap3A_345 = arith.index_cast %swap3A_344 : i32 to index
        %swap3A_346 = arith.index_cast %shift_right_arithmetic3A_268 : i32 to index
        %swap3A_347 = arith.index_cast %add3A_343 : i32 to index
        %swap3A_348 = tpu.vector_load %arg11[%swap3A_345, %swap3A_346, %swap3A_347] {strides = array<i32>} : memref<16x16x128xf32, #tpu.memory_space<vmem>>, vector<16xf32>,
        tpu.vector_store %arg11[%swap3A_345, %swap3A_346, %swap3A_347], %bitcast3A_336 {strides = array<i32>} : memref<16x16x128xf32, #tpu.memory_space<vmem>>, vector<16xf32>,
        %slice3A_349 = vector.extract_strided_slice %mul3A_279 {offsets = [3], sizes = [1], strides = [1]} : vector<16xi32> to vector<1xi32>
        %squeeze3A_350 = vector.extract %slice3A_349[0] : i32 from vector<1xi32>
        %add3A_351 = vector.broadcast %squeeze3A_350 : i32 to vector<16xi32>
        %add3A_352 = arith.addi %add3A_351, %iota3A_35 : vector<16xi32>
        %gather3A_353 = tpu.vector_load_idx %arg12[%add3A_352] : memref<65536xi32, #tpu.memory_space<vmem>>[vector<16xi32>], vector<16xi32>,
        %shift_left3A_354 = arith.constant 16 : i32
        %shift_left3A_355 = vector.broadcast %shift_left3A_354 : i32 to vector<16xi32>
        %shift_left3A_356 = arith.shli %gather3A_353, %shift_left3A_355 : vector<16xi32>
        %bitcast3A_357 = vector.bitcast %shift_left3A_356 : vector<16xi32> to vector<16xf32>
        %and3A_358 = arith.constant -65536 : i32
        %and3A_359 = vector.broadcast %and3A_358 : i32 to vector<16xi32>
        %and3A_360 = arith.andi %gather3A_353, %and3A_359 : vector<16xi32>
        %bitcast3A_361 = vector.bitcast %and3A_360 : vector<16xi32> to vector<16xf32>
        %swap3A_362 = arith.constant 3 : i32
        %swap3A_363 = arith.index_cast %swap3A_362 : i32 to index
        %swap3A_364 = arith.index_cast %shift_right_arithmetic3A_268 : i32 to index
        %swap3A_365 = arith.index_cast %mul3A_273 : i32 to index
        %swap3A_366 = tpu.vector_load %arg11[%swap3A_363, %swap3A_364, %swap3A_365] {strides = array<i32>} : memref<16x16x128xf32, #tpu.memory_space<vmem>>, vector<16xf32>,
        tpu.vector_store %arg11[%swap3A_363, %swap3A_364, %swap3A_365], %bitcast3A_357 {strides = array<i32>} : memref<16x16x128xf32, #tpu.memory_space<vmem>>, vector<16xf32>,
        %add3A_367 = arith.constant 16 : i32
        %add3A_368 = arith.addi %mul3A_273, %add3A_367 : i32
        %swap3A_369 = arith.constant 3 : i32
        %swap3A_370 = arith.index_cast %swap3A_369 : i32 to index
        %swap3A_371 = arith.index_cast %shift_right_arithmetic3A_268 : i32 to index
        %swap3A_372 = arith.index_cast %add3A_368 : i32 to index
        %swap3A_373 = tpu.vector_load %arg11[%swap3A_370, %swap3A_371, %swap3A_372] {strides = array<i32>} : memref<16x16x128xf32, #tpu.memory_space<vmem>>, vector<16xf32>,
        tpu.vector_store %arg11[%swap3A_370, %swap3A_371, %swap3A_372], %bitcast3A_361 {strides = array<i32>} : memref<16x16x128xf32, #tpu.memory_space<vmem>>, vector<16xf32>,
        %slice3A_374 = vector.extract_strided_slice %mul3A_279 {offsets = [4], sizes = [1], strides = [1]} : vector<16xi32> to vector<1xi32>
        %squeeze3A_375 = vector.extract %slice3A_374[0] : i32 from vector<1xi32>
        %add3A_376 = vector.broadcast %squeeze3A_375 : i32 to vector<16xi32>
        %add3A_377 = arith.addi %add3A_376, %iota3A_35 : vector<16xi32>
        %gather3A_378 = tpu.vector_load_idx %arg12[%add3A_377] : memref<65536xi32, #tpu.memory_space<vmem>>[vector<16xi32>], vector<16xi32>,
        %shift_left3A_379 = arith.constant 16 : i32
        %shift_left3A_380 = vector.broadcast %shift_left3A_379 : i32 to vector<16xi32>
        %shift_left3A_381 = arith.shli %gather3A_378, %shift_left3A_380 : vector<16xi32>
        %bitcast3A_382 = vector.bitcast %shift_left3A_381 : vector<16xi32> to vector<16xf32>
        %and3A_383 = arith.constant -65536 : i32
        %and3A_384 = vector.broadcast %and3A_383 : i32 to vector<16xi32>
        %and3A_385 = arith.andi %gather3A_378, %and3A_384 : vector<16xi32>
        %bitcast3A_386 = vector.bitcast %and3A_385 : vector<16xi32> to vector<16xf32>
        %swap3A_387 = arith.constant 4 : i32
        %swap3A_388 = arith.index_cast %swap3A_387 : i32 to index
        %swap3A_389 = arith.index_cast %shift_right_arithmetic3A_268 : i32 to index
        %swap3A_390 = arith.index_cast %mul3A_273 : i32 to index
        %swap3A_391 = tpu.vector_load %arg11[%swap3A_388, %swap3A_389, %swap3A_390] {strides = array<i32>} : memref<16x16x128xf32, #tpu.memory_space<vmem>>, vector<16xf32>,
        tpu.vector_store %arg11[%swap3A_388, %swap3A_389, %swap3A_390], %bitcast3A_382 {strides = array<i32>} : memref<16x16x128xf32, #tpu.memory_space<vmem>>, vector<16xf32>,
        %add3A_392 = arith.constant 16 : i32
        %add3A_393 = arith.addi %mul3A_273, %add3A_392 : i32
        %swap3A_394 = arith.constant 4 : i32
        %swap3A_395 = arith.index_cast %swap3A_394 : i32 to index
        %swap3A_396 = arith.index_cast %shift_right_arithmetic3A_268 : i32 to index
        %swap3A_397 = arith.index_cast %add3A_393 : i32 to index
        %swap3A_398 = tpu.vector_load %arg11[%swap3A_395, %swap3A_396, %swap3A_397] {strides = array<i32>} : memref<16x16x128xf32, #tpu.memory_space<vmem>>, vector<16xf32>,
        tpu.vector_store %arg11[%swap3A_395, %swap3A_396, %swap3A_397], %bitcast3A_386 {strides = array<i32>} : memref<16x16x128xf32, #tpu.memory_space<vmem>>, vector<16xf32>,
        %slice3A_399 = vector.extract_strided_slice %mul3A_279 {offsets = [5], sizes = [1], strides = [1]} : vector<16xi32> to vector<1xi32>
        %squeeze3A_400 = vector.extract %slice3A_399[0] : i32 from vector<1xi32>
        %add3A_401 = vector.broadcast %squeeze3A_400 : i32 to vector<16xi32>
        %add3A_402 = arith.addi %add3A_401, %iota3A_35 : vector<16xi32>
        %gather3A_403 = tpu.vector_load_idx %arg12[%add3A_402] : memref<65536xi32, #tpu.memory_space<vmem>>[vector<16xi32>], vector<16xi32>,
        %shift_left3A_404 = arith.constant 16 : i32
        %shift_left3A_405 = vector.broadcast %shift_left3A_404 : i32 to vector<16xi32>
        %shift_left3A_406 = arith.shli %gather3A_403, %shift_left3A_405 : vector<16xi32>
        %bitcast3A_407 = vector.bitcast %shift_left3A_406 : vector<16xi32> to vector<16xf32>
        %and3A_408 = arith.constant -65536 : i32
        %and3A_409 = vector.broadcast %and3A_408 : i32 to vector<16xi32>
        %and3A_410 = arith.andi %gather3A_403, %and3A_409 : vector<16xi32>
        %bitcast3A_411 = vector.bitcast %and3A_410 : vector<16xi32> to vector<16xf32>
        %swap3A_412 = arith.constant 5 : i32
        %swap3A_413 = arith.index_cast %swap3A_412 : i32 to index
        %swap3A_414 = arith.index_cast %shift_right_arithmetic3A_268 : i32 to index
        %swap3A_415 = arith.index_cast %mul3A_273 : i32 to index
        %swap3A_416 = tpu.vector_load %arg11[%swap3A_413, %swap3A_414, %swap3A_415] {strides = array<i32>} : memref<16x16x128xf32, #tpu.memory_space<vmem>>, vector<16xf32>,
        tpu.vector_store %arg11[%swap3A_413, %swap3A_414, %swap3A_415], %bitcast3A_407 {strides = array<i32>} : memref<16x16x128xf32, #tpu.memory_space<vmem>>, vector<16xf32>,
        %add3A_417 = arith.constant 16 : i32
        %add3A_418 = arith.addi %mul3A_273, %add3A_417 : i32
        %swap3A_419 = arith.constant 5 : i32
        %swap3A_420 = arith.index_cast %swap3A_419 : i32 to index
        %swap3A_421 = arith.index_cast %shift_right_arithmetic3A_268 : i32 to index
        %swap3A_422 = arith.index_cast %add3A_418 : i32 to index
        %swap3A_423 = tpu.vector_load %arg11[%swap3A_420, %swap3A_421, %swap3A_422] {strides = array<i32>} : memref<16x16x128xf32, #tpu.memory_space<vmem>>, vector<16xf32>,
        tpu.vector_store %arg11[%swap3A_420, %swap3A_421, %swap3A_422], %bitcast3A_411 {strides = array<i32>} : memref<16x16x128xf32, #tpu.memory_space<vmem>>, vector<16xf32>,
        %slice3A_424 = vector.extract_strided_slice %mul3A_279 {offsets = [6], sizes = [1], strides = [1]} : vector<16xi32> to vector<1xi32>
        %squeeze3A_425 = vector.extract %slice3A_424[0] : i32 from vector<1xi32>
        %add3A_426 = vector.broadcast %squeeze3A_425 : i32 to vector<16xi32>
        %add3A_427 = arith.addi %add3A_426, %iota3A_35 : vector<16xi32>
        %gather3A_428 = tpu.vector_load_idx %arg12[%add3A_427] : memref<65536xi32, #tpu.memory_space<vmem>>[vector<16xi32>], vector<16xi32>,
        %shift_left3A_429 = arith.constant 16 : i32
        %shift_left3A_430 = vector.broadcast %shift_left3A_429 : i32 to vector<16xi32>
        %shift_left3A_431 = arith.shli %gather3A_428, %shift_left3A_430 : vector<16xi32>
        %bitcast3A_432 = vector.bitcast %shift_left3A_431 : vector<16xi32> to vector<16xf32>
        %and3A_433 = arith.constant -65536 : i32
        %and3A_434 = vector.broadcast %and3A_433 : i32 to vector<16xi32>
        %and3A_435 = arith.andi %gather3A_428, %and3A_434 : vector<16xi32>
        %bitcast3A_436 = vector.bitcast %and3A_435 : vector<16xi32> to vector<16xf32>
        %swap3A_437 = arith.constant 6 : i32
        %swap3A_438 = arith.index_cast %swap3A_437 : i32 to index
        %swap3A_439 = arith.index_cast %shift_right_arithmetic3A_268 : i32 to index
        %swap3A_440 = arith.index_cast %mul3A_273 : i32 to index
        %swap3A_441 = tpu.vector_load %arg11[%swap3A_438, %swap3A_439, %swap3A_440] {strides = array<i32>} : memref<16x16x128xf32, #tpu.memory_space<vmem>>, vector<16xf32>,
        tpu.vector_store %arg11[%swap3A_438, %swap3A_439, %swap3A_440], %bitcast3A_432 {strides = array<i32>} : memref<16x16x128xf32, #tpu.memory_space<vmem>>, vector<16xf32>,
        %add3A_442 = arith.constant 16 : i32
        %add3A_443 = arith.addi %mul3A_273, %add3A_442 : i32
        %swap3A_444 = arith.constant 6 : i32
        %swap3A_445 = arith.index_cast %swap3A_444 : i32 to index
        %swap3A_446 = arith.index_cast %shift_right_arithmetic3A_268 : i32 to index
        %swap3A_447 = arith.index_cast %add3A_443 : i32 to index
        %swap3A_448 = tpu.vector_load %arg11[%swap3A_445, %swap3A_446, %swap3A_447] {strides = array<i32>} : memref<16x16x128xf32, #tpu.memory_space<vmem>>, vector<16xf32>,
        tpu.vector_store %arg11[%swap3A_445, %swap3A_446, %swap3A_447], %bitcast3A_436 {strides = array<i32>} : memref<16x16x128xf32, #tpu.memory_space<vmem>>, vector<16xf32>,
        %slice3A_449 = vector.extract_strided_slice %mul3A_279 {offsets = [7], sizes = [1], strides = [1]} : vector<16xi32> to vector<1xi32>
        %squeeze3A_450 = vector.extract %slice3A_449[0] : i32 from vector<1xi32>
        %add3A_451 = vector.broadcast %squeeze3A_450 : i32 to vector<16xi32>
        %add3A_452 = arith.addi %add3A_451, %iota3A_35 : vector<16xi32>
        %gather3A_453 = tpu.vector_load_idx %arg12[%add3A_452] : memref<65536xi32, #tpu.memory_space<vmem>>[vector<16xi32>], vector<16xi32>,
        %shift_left3A_454 = arith.constant 16 : i32
        %shift_left3A_455 = vector.broadcast %shift_left3A_454 : i32 to vector<16xi32>
        %shift_left3A_456 = arith.shli %gather3A_453, %shift_left3A_455 : vector<16xi32>
        %bitcast3A_457 = vector.bitcast %shift_left3A_456 : vector<16xi32> to vector<16xf32>
        %and3A_458 = arith.constant -65536 : i32
        %and3A_459 = vector.broadcast %and3A_458 : i32 to vector<16xi32>
        %and3A_460 = arith.andi %gather3A_453, %and3A_459 : vector<16xi32>
        %bitcast3A_461 = vector.bitcast %and3A_460 : vector<16xi32> to vector<16xf32>
        %swap3A_462 = arith.constant 7 : i32
        %swap3A_463 = arith.index_cast %swap3A_462 : i32 to index
        %swap3A_464 = arith.index_cast %shift_right_arithmetic3A_268 : i32 to index
        %swap3A_465 = arith.index_cast %mul3A_273 : i32 to index
        %swap3A_466 = tpu.vector_load %arg11[%swap3A_463, %swap3A_464, %swap3A_465] {strides = array<i32>} : memref<16x16x128xf32, #tpu.memory_space<vmem>>, vector<16xf32>,
        tpu.vector_store %arg11[%swap3A_463, %swap3A_464, %swap3A_465], %bitcast3A_457 {strides = array<i32>} : memref<16x16x128xf32, #tpu.memory_space<vmem>>, vector<16xf32>,
        %add3A_467 = arith.constant 16 : i32
        %add3A_468 = arith.addi %mul3A_273, %add3A_467 : i32
        %swap3A_469 = arith.constant 7 : i32
        %swap3A_470 = arith.index_cast %swap3A_469 : i32 to index
        %swap3A_471 = arith.index_cast %shift_right_arithmetic3A_268 : i32 to index
        %swap3A_472 = arith.index_cast %add3A_468 : i32 to index
        %swap3A_473 = tpu.vector_load %arg11[%swap3A_470, %swap3A_471, %swap3A_472] {strides = array<i32>} : memref<16x16x128xf32, #tpu.memory_space<vmem>>, vector<16xf32>,
        tpu.vector_store %arg11[%swap3A_470, %swap3A_471, %swap3A_472], %bitcast3A_461 {strides = array<i32>} : memref<16x16x128xf32, #tpu.memory_space<vmem>>, vector<16xf32>,
        %slice3A_474 = vector.extract_strided_slice %mul3A_279 {offsets = [8], sizes = [1], strides = [1]} : vector<16xi32> to vector<1xi32>
        %squeeze3A_475 = vector.extract %slice3A_474[0] : i32 from vector<1xi32>
        %add3A_476 = vector.broadcast %squeeze3A_475 : i32 to vector<16xi32>
        %add3A_477 = arith.addi %add3A_476, %iota3A_35 : vector<16xi32>
        %gather3A_478 = tpu.vector_load_idx %arg12[%add3A_477] : memref<65536xi32, #tpu.memory_space<vmem>>[vector<16xi32>], vector<16xi32>,
        %shift_left3A_479 = arith.constant 16 : i32
        %shift_left3A_480 = vector.broadcast %shift_left3A_479 : i32 to vector<16xi32>
        %shift_left3A_481 = arith.shli %gather3A_478, %shift_left3A_480 : vector<16xi32>
        %bitcast3A_482 = vector.bitcast %shift_left3A_481 : vector<16xi32> to vector<16xf32>
        %and3A_483 = arith.constant -65536 : i32
        %and3A_484 = vector.broadcast %and3A_483 : i32 to vector<16xi32>
        %and3A_485 = arith.andi %gather3A_478, %and3A_484 : vector<16xi32>
        %bitcast3A_486 = vector.bitcast %and3A_485 : vector<16xi32> to vector<16xf32>
        %swap3A_487 = arith.constant 8 : i32
        %swap3A_488 = arith.index_cast %swap3A_487 : i32 to index
        %swap3A_489 = arith.index_cast %shift_right_arithmetic3A_268 : i32 to index
        %swap3A_490 = arith.index_cast %mul3A_273 : i32 to index
        %swap3A_491 = tpu.vector_load %arg11[%swap3A_488, %swap3A_489, %swap3A_490] {strides = array<i32>} : memref<16x16x128xf32, #tpu.memory_space<vmem>>, vector<16xf32>,
        tpu.vector_store %arg11[%swap3A_488, %swap3A_489, %swap3A_490], %bitcast3A_482 {strides = array<i32>} : memref<16x16x128xf32, #tpu.memory_space<vmem>>, vector<16xf32>,
        %add3A_492 = arith.constant 16 : i32
        %add3A_493 = arith.addi %mul3A_273, %add3A_492 : i32
        %swap3A_494 = arith.constant 8 : i32
        %swap3A_495 = arith.index_cast %swap3A_494 : i32 to index
        %swap3A_496 = arith.index_cast %shift_right_arithmetic3A_268 : i32 to index
        %swap3A_497 = arith.index_cast %add3A_493 : i32 to index
        %swap3A_498 = tpu.vector_load %arg11[%swap3A_495, %swap3A_496, %swap3A_497] {strides = array<i32>} : memref<16x16x128xf32, #tpu.memory_space<vmem>>, vector<16xf32>,
        tpu.vector_store %arg11[%swap3A_495, %swap3A_496, %swap3A_497], %bitcast3A_486 {strides = array<i32>} : memref<16x16x128xf32, #tpu.memory_space<vmem>>, vector<16xf32>,
        %slice3A_499 = vector.extract_strided_slice %mul3A_279 {offsets = [9], sizes = [1], strides = [1]} : vector<16xi32> to vector<1xi32>
        %squeeze3A_500 = vector.extract %slice3A_499[0] : i32 from vector<1xi32>
        %add3A_501 = vector.broadcast %squeeze3A_500 : i32 to vector<16xi32>
        %add3A_502 = arith.addi %add3A_501, %iota3A_35 : vector<16xi32>
        %gather3A_503 = tpu.vector_load_idx %arg12[%add3A_502] : memref<65536xi32, #tpu.memory_space<vmem>>[vector<16xi32>], vector<16xi32>,
        %shift_left3A_504 = arith.constant 16 : i32
        %shift_left3A_505 = vector.broadcast %shift_left3A_504 : i32 to vector<16xi32>
        %shift_left3A_506 = arith.shli %gather3A_503, %shift_left3A_505 : vector<16xi32>
        %bitcast3A_507 = vector.bitcast %shift_left3A_506 : vector<16xi32> to vector<16xf32>
        %and3A_508 = arith.constant -65536 : i32
        %and3A_509 = vector.broadcast %and3A_508 : i32 to vector<16xi32>
        %and3A_510 = arith.andi %gather3A_503, %and3A_509 : vector<16xi32>
        %bitcast3A_511 = vector.bitcast %and3A_510 : vector<16xi32> to vector<16xf32>
        %swap3A_512 = arith.constant 9 : i32
        %swap3A_513 = arith.index_cast %swap3A_512 : i32 to index
        %swap3A_514 = arith.index_cast %shift_right_arithmetic3A_268 : i32 to index
        %swap3A_515 = arith.index_cast %mul3A_273 : i32 to index
        %swap3A_516 = tpu.vector_load %arg11[%swap3A_513, %swap3A_514, %swap3A_515] {strides = array<i32>} : memref<16x16x128xf32, #tpu.memory_space<vmem>>, vector<16xf32>,
        tpu.vector_store %arg11[%swap3A_513, %swap3A_514, %swap3A_515], %bitcast3A_507 {strides = array<i32>} : memref<16x16x128xf32, #tpu.memory_space<vmem>>, vector<16xf32>,
        %add3A_517 = arith.constant 16 : i32
        %add3A_518 = arith.addi %mul3A_273, %add3A_517 : i32
        %swap3A_519 = arith.constant 9 : i32
        %swap3A_520 = arith.index_cast %swap3A_519 : i32 to index
        %swap3A_521 = arith.index_cast %shift_right_arithmetic3A_268 : i32 to index
        %swap3A_522 = arith.index_cast %add3A_518 : i32 to index
        %swap3A_523 = tpu.vector_load %arg11[%swap3A_520, %swap3A_521, %swap3A_522] {strides = array<i32>} : memref<16x16x128xf32, #tpu.memory_space<vmem>>, vector<16xf32>,
        tpu.vector_store %arg11[%swap3A_520, %swap3A_521, %swap3A_522], %bitcast3A_511 {strides = array<i32>} : memref<16x16x128xf32, #tpu.memory_space<vmem>>, vector<16xf32>,
        %slice3A_524 = vector.extract_strided_slice %mul3A_279 {offsets = [10], sizes = [1], strides = [1]} : vector<16xi32> to vector<1xi32>
        %squeeze3A_525 = vector.extract %slice3A_524[0] : i32 from vector<1xi32>
        %add3A_526 = vector.broadcast %squeeze3A_525 : i32 to vector<16xi32>
        %add3A_527 = arith.addi %add3A_526, %iota3A_35 : vector<16xi32>
        %gather3A_528 = tpu.vector_load_idx %arg12[%add3A_527] : memref<65536xi32, #tpu.memory_space<vmem>>[vector<16xi32>], vector<16xi32>,
        %shift_left3A_529 = arith.constant 16 : i32
        %shift_left3A_530 = vector.broadcast %shift_left3A_529 : i32 to vector<16xi32>
        %shift_left3A_531 = arith.shli %gather3A_528, %shift_left3A_530 : vector<16xi32>
        %bitcast3A_532 = vector.bitcast %shift_left3A_531 : vector<16xi32> to vector<16xf32>
        %and3A_533 = arith.constant -65536 : i32
        %and3A_534 = vector.broadcast %and3A_533 : i32 to vector<16xi32>
        %and3A_535 = arith.andi %gather3A_528, %and3A_534 : vector<16xi32>
        %bitcast3A_536 = vector.bitcast %and3A_535 : vector<16xi32> to vector<16xf32>
        %swap3A_537 = arith.constant 10 : i32
        %swap3A_538 = arith.index_cast %swap3A_537 : i32 to index
        %swap3A_539 = arith.index_cast %shift_right_arithmetic3A_268 : i32 to index
        %swap3A_540 = arith.index_cast %mul3A_273 : i32 to index
        %swap3A_541 = tpu.vector_load %arg11[%swap3A_538, %swap3A_539, %swap3A_540] {strides = array<i32>} : memref<16x16x128xf32, #tpu.memory_space<vmem>>, vector<16xf32>,
        tpu.vector_store %arg11[%swap3A_538, %swap3A_539, %swap3A_540], %bitcast3A_532 {strides = array<i32>} : memref<16x16x128xf32, #tpu.memory_space<vmem>>, vector<16xf32>,
        %add3A_542 = arith.constant 16 : i32
        %add3A_543 = arith.addi %mul3A_273, %add3A_542 : i32
        %swap3A_544 = arith.constant 10 : i32
        %swap3A_545 = arith.index_cast %swap3A_544 : i32 to index
        %swap3A_546 = arith.index_cast %shift_right_arithmetic3A_268 : i32 to index
        %swap3A_547 = arith.index_cast %add3A_543 : i32 to index
        %swap3A_548 = tpu.vector_load %arg11[%swap3A_545, %swap3A_546, %swap3A_547] {strides = array<i32>} : memref<16x16x128xf32, #tpu.memory_space<vmem>>, vector<16xf32>,
        tpu.vector_store %arg11[%swap3A_545, %swap3A_546, %swap3A_547], %bitcast3A_536 {strides = array<i32>} : memref<16x16x128xf32, #tpu.memory_space<vmem>>, vector<16xf32>,
        %slice3A_549 = vector.extract_strided_slice %mul3A_279 {offsets = [11], sizes = [1], strides = [1]} : vector<16xi32> to vector<1xi32>
        %squeeze3A_550 = vector.extract %slice3A_549[0] : i32 from vector<1xi32>
        %add3A_551 = vector.broadcast %squeeze3A_550 : i32 to vector<16xi32>
        %add3A_552 = arith.addi %add3A_551, %iota3A_35 : vector<16xi32>
        %gather3A_553 = tpu.vector_load_idx %arg12[%add3A_552] : memref<65536xi32, #tpu.memory_space<vmem>>[vector<16xi32>], vector<16xi32>,
        %shift_left3A_554 = arith.constant 16 : i32
        %shift_left3A_555 = vector.broadcast %shift_left3A_554 : i32 to vector<16xi32>
        %shift_left3A_556 = arith.shli %gather3A_553, %shift_left3A_555 : vector<16xi32>
        %bitcast3A_557 = vector.bitcast %shift_left3A_556 : vector<16xi32> to vector<16xf32>
        %and3A_558 = arith.constant -65536 : i32
        %and3A_559 = vector.broadcast %and3A_558 : i32 to vector<16xi32>
        %and3A_560 = arith.andi %gather3A_553, %and3A_559 : vector<16xi32>
        %bitcast3A_561 = vector.bitcast %and3A_560 : vector<16xi32> to vector<16xf32>
        %swap3A_562 = arith.constant 11 : i32
        %swap3A_563 = arith.index_cast %swap3A_562 : i32 to index
        %swap3A_564 = arith.index_cast %shift_right_arithmetic3A_268 : i32 to index
        %swap3A_565 = arith.index_cast %mul3A_273 : i32 to index
        %swap3A_566 = tpu.vector_load %arg11[%swap3A_563, %swap3A_564, %swap3A_565] {strides = array<i32>} : memref<16x16x128xf32, #tpu.memory_space<vmem>>, vector<16xf32>,
        tpu.vector_store %arg11[%swap3A_563, %swap3A_564, %swap3A_565], %bitcast3A_557 {strides = array<i32>} : memref<16x16x128xf32, #tpu.memory_space<vmem>>, vector<16xf32>,
        %add3A_567 = arith.constant 16 : i32
        %add3A_568 = arith.addi %mul3A_273, %add3A_567 : i32
        %swap3A_569 = arith.constant 11 : i32
        %swap3A_570 = arith.index_cast %swap3A_569 : i32 to index
        %swap3A_571 = arith.index_cast %shift_right_arithmetic3A_268 : i32 to index
        %swap3A_572 = arith.index_cast %add3A_568 : i32 to index
        %swap3A_573 = tpu.vector_load %arg11[%swap3A_570, %swap3A_571, %swap3A_572] {strides = array<i32>} : memref<16x16x128xf32, #tpu.memory_space<vmem>>, vector<16xf32>,
        tpu.vector_store %arg11[%swap3A_570, %swap3A_571, %swap3A_572], %bitcast3A_561 {strides = array<i32>} : memref<16x16x128xf32, #tpu.memory_space<vmem>>, vector<16xf32>,
        %slice3A_574 = vector.extract_strided_slice %mul3A_279 {offsets = [12], sizes = [1], strides = [1]} : vector<16xi32> to vector<1xi32>
        %squeeze3A_575 = vector.extract %slice3A_574[0] : i32 from vector<1xi32>
        %add3A_576 = vector.broadcast %squeeze3A_575 : i32 to vector<16xi32>
        %add3A_577 = arith.addi %add3A_576, %iota3A_35 : vector<16xi32>
        %gather3A_578 = tpu.vector_load_idx %arg12[%add3A_577] : memref<65536xi32, #tpu.memory_space<vmem>>[vector<16xi32>], vector<16xi32>,
        %shift_left3A_579 = arith.constant 16 : i32
        %shift_left3A_580 = vector.broadcast %shift_left3A_579 : i32 to vector<16xi32>
        %shift_left3A_581 = arith.shli %gather3A_578, %shift_left3A_580 : vector<16xi32>
        %bitcast3A_582 = vector.bitcast %shift_left3A_581 : vector<16xi32> to vector<16xf32>
        %and3A_583 = arith.constant -65536 : i32
        %and3A_584 = vector.broadcast %and3A_583 : i32 to vector<16xi32>
        %and3A_585 = arith.andi %gather3A_578, %and3A_584 : vector<16xi32>
        %bitcast3A_586 = vector.bitcast %and3A_585 : vector<16xi32> to vector<16xf32>
        %swap3A_587 = arith.constant 12 : i32
        %swap3A_588 = arith.index_cast %swap3A_587 : i32 to index
        %swap3A_589 = arith.index_cast %shift_right_arithmetic3A_268 : i32 to index
        %swap3A_590 = arith.index_cast %mul3A_273 : i32 to index
        %swap3A_591 = tpu.vector_load %arg11[%swap3A_588, %swap3A_589, %swap3A_590] {strides = array<i32>} : memref<16x16x128xf32, #tpu.memory_space<vmem>>, vector<16xf32>,
        tpu.vector_store %arg11[%swap3A_588, %swap3A_589, %swap3A_590], %bitcast3A_582 {strides = array<i32>} : memref<16x16x128xf32, #tpu.memory_space<vmem>>, vector<16xf32>,
        %add3A_592 = arith.constant 16 : i32
        %add3A_593 = arith.addi %mul3A_273, %add3A_592 : i32
        %swap3A_594 = arith.constant 12 : i32
        %swap3A_595 = arith.index_cast %swap3A_594 : i32 to index
        %swap3A_596 = arith.index_cast %shift_right_arithmetic3A_268 : i32 to index
        %swap3A_597 = arith.index_cast %add3A_593 : i32 to index
        %swap3A_598 = tpu.vector_load %arg11[%swap3A_595, %swap3A_596, %swap3A_597] {strides = array<i32>} : memref<16x16x128xf32, #tpu.memory_space<vmem>>, vector<16xf32>,
        tpu.vector_store %arg11[%swap3A_595, %swap3A_596, %swap3A_597], %bitcast3A_586 {strides = array<i32>} : memref<16x16x128xf32, #tpu.memory_space<vmem>>, vector<16xf32>,
        %slice3A_599 = vector.extract_strided_slice %mul3A_279 {offsets = [13], sizes = [1], strides = [1]} : vector<16xi32> to vector<1xi32>
        %squeeze3A_600 = vector.extract %slice3A_599[0] : i32 from vector<1xi32>
        %add3A_601 = vector.broadcast %squeeze3A_600 : i32 to vector<16xi32>
        %add3A_602 = arith.addi %add3A_601, %iota3A_35 : vector<16xi32>
        %gather3A_603 = tpu.vector_load_idx %arg12[%add3A_602] : memref<65536xi32, #tpu.memory_space<vmem>>[vector<16xi32>], vector<16xi32>,
        %shift_left3A_604 = arith.constant 16 : i32
        %shift_left3A_605 = vector.broadcast %shift_left3A_604 : i32 to vector<16xi32>
        %shift_left3A_606 = arith.shli %gather3A_603, %shift_left3A_605 : vector<16xi32>
        %bitcast3A_607 = vector.bitcast %shift_left3A_606 : vector<16xi32> to vector<16xf32>
        %and3A_608 = arith.constant -65536 : i32
        %and3A_609 = vector.broadcast %and3A_608 : i32 to vector<16xi32>
        %and3A_610 = arith.andi %gather3A_603, %and3A_609 : vector<16xi32>
        %bitcast3A_611 = vector.bitcast %and3A_610 : vector<16xi32> to vector<16xf32>
        %swap3A_612 = arith.constant 13 : i32
        %swap3A_613 = arith.index_cast %swap3A_612 : i32 to index
        %swap3A_614 = arith.index_cast %shift_right_arithmetic3A_268 : i32 to index
        %swap3A_615 = arith.index_cast %mul3A_273 : i32 to index
        %swap3A_616 = tpu.vector_load %arg11[%swap3A_613, %swap3A_614, %swap3A_615] {strides = array<i32>} : memref<16x16x128xf32, #tpu.memory_space<vmem>>, vector<16xf32>,
        tpu.vector_store %arg11[%swap3A_613, %swap3A_614, %swap3A_615], %bitcast3A_607 {strides = array<i32>} : memref<16x16x128xf32, #tpu.memory_space<vmem>>, vector<16xf32>,
        %add3A_617 = arith.constant 16 : i32
        %add3A_618 = arith.addi %mul3A_273, %add3A_617 : i32
        %swap3A_619 = arith.constant 13 : i32
        %swap3A_620 = arith.index_cast %swap3A_619 : i32 to index
        %swap3A_621 = arith.index_cast %shift_right_arithmetic3A_268 : i32 to index
        %swap3A_622 = arith.index_cast %add3A_618 : i32 to index
        %swap3A_623 = tpu.vector_load %arg11[%swap3A_620, %swap3A_621, %swap3A_622] {strides = array<i32>} : memref<16x16x128xf32, #tpu.memory_space<vmem>>, vector<16xf32>,
        tpu.vector_store %arg11[%swap3A_620, %swap3A_621, %swap3A_622], %bitcast3A_611 {strides = array<i32>} : memref<16x16x128xf32, #tpu.memory_space<vmem>>, vector<16xf32>,
        %slice3A_624 = vector.extract_strided_slice %mul3A_279 {offsets = [14], sizes = [1], strides = [1]} : vector<16xi32> to vector<1xi32>
        %squeeze3A_625 = vector.extract %slice3A_624[0] : i32 from vector<1xi32>
        %add3A_626 = vector.broadcast %squeeze3A_625 : i32 to vector<16xi32>
        %add3A_627 = arith.addi %add3A_626, %iota3A_35 : vector<16xi32>
        %gather3A_628 = tpu.vector_load_idx %arg12[%add3A_627] : memref<65536xi32, #tpu.memory_space<vmem>>[vector<16xi32>], vector<16xi32>,
        %shift_left3A_629 = arith.constant 16 : i32
        %shift_left3A_630 = vector.broadcast %shift_left3A_629 : i32 to vector<16xi32>
        %shift_left3A_631 = arith.shli %gather3A_628, %shift_left3A_630 : vector<16xi32>
        %bitcast3A_632 = vector.bitcast %shift_left3A_631 : vector<16xi32> to vector<16xf32>
        %and3A_633 = arith.constant -65536 : i32
        %and3A_634 = vector.broadcast %and3A_633 : i32 to vector<16xi32>
        %and3A_635 = arith.andi %gather3A_628, %and3A_634 : vector<16xi32>
        %bitcast3A_636 = vector.bitcast %and3A_635 : vector<16xi32> to vector<16xf32>
        %swap3A_637 = arith.constant 14 : i32
        %swap3A_638 = arith.index_cast %swap3A_637 : i32 to index
        %swap3A_639 = arith.index_cast %shift_right_arithmetic3A_268 : i32 to index
        %swap3A_640 = arith.index_cast %mul3A_273 : i32 to index
        %swap3A_641 = tpu.vector_load %arg11[%swap3A_638, %swap3A_639, %swap3A_640] {strides = array<i32>} : memref<16x16x128xf32, #tpu.memory_space<vmem>>, vector<16xf32>,
        tpu.vector_store %arg11[%swap3A_638, %swap3A_639, %swap3A_640], %bitcast3A_632 {strides = array<i32>} : memref<16x16x128xf32, #tpu.memory_space<vmem>>, vector<16xf32>,
        %add3A_642 = arith.constant 16 : i32
        %add3A_643 = arith.addi %mul3A_273, %add3A_642 : i32
        %swap3A_644 = arith.constant 14 : i32
        %swap3A_645 = arith.index_cast %swap3A_644 : i32 to index
        %swap3A_646 = arith.index_cast %shift_right_arithmetic3A_268 : i32 to index
        %swap3A_647 = arith.index_cast %add3A_643 : i32 to index
        %swap3A_648 = tpu.vector_load %arg11[%swap3A_645, %swap3A_646, %swap3A_647] {strides = array<i32>} : memref<16x16x128xf32, #tpu.memory_space<vmem>>, vector<16xf32>,
        tpu.vector_store %arg11[%swap3A_645, %swap3A_646, %swap3A_647], %bitcast3A_636 {strides = array<i32>} : memref<16x16x128xf32, #tpu.memory_space<vmem>>, vector<16xf32>,
        %slice3A_649 = vector.extract_strided_slice %mul3A_279 {offsets = [15], sizes = [1], strides = [1]} : vector<16xi32> to vector<1xi32>
        %squeeze3A_650 = vector.extract %slice3A_649[0] : i32 from vector<1xi32>
        %add3A_651 = vector.broadcast %squeeze3A_650 : i32 to vector<16xi32>
        %add3A_652 = arith.addi %add3A_651, %iota3A_35 : vector<16xi32>
        %gather3A_653 = tpu.vector_load_idx %arg12[%add3A_652] : memref<65536xi32, #tpu.memory_space<vmem>>[vector<16xi32>], vector<16xi32>,
        %shift_left3A_654 = arith.constant 16 : i32
        %shift_left3A_655 = vector.broadcast %shift_left3A_654 : i32 to vector<16xi32>
        %shift_left3A_656 = arith.shli %gather3A_653, %shift_left3A_655 : vector<16xi32>
        %bitcast3A_657 = vector.bitcast %shift_left3A_656 : vector<16xi32> to vector<16xf32>
        %and3A_658 = arith.constant -65536 : i32
        %and3A_659 = vector.broadcast %and3A_658 : i32 to vector<16xi32>
        %and3A_660 = arith.andi %gather3A_653, %and3A_659 : vector<16xi32>
        %bitcast3A_661 = vector.bitcast %and3A_660 : vector<16xi32> to vector<16xf32>
        %swap3A_662 = arith.constant 15 : i32
        %swap3A_663 = arith.index_cast %swap3A_662 : i32 to index
        %swap3A_664 = arith.index_cast %shift_right_arithmetic3A_268 : i32 to index
        %swap3A_665 = arith.index_cast %mul3A_273 : i32 to index
        %swap3A_666 = tpu.vector_load %arg11[%swap3A_663, %swap3A_664, %swap3A_665] {strides = array<i32>} : memref<16x16x128xf32, #tpu.memory_space<vmem>>, vector<16xf32>,
        tpu.vector_store %arg11[%swap3A_663, %swap3A_664, %swap3A_665], %bitcast3A_657 {strides = array<i32>} : memref<16x16x128xf32, #tpu.memory_space<vmem>>, vector<16xf32>,
        %add3A_667 = arith.constant 16 : i32
        %add3A_668 = arith.addi %mul3A_273, %add3A_667 : i32
        %swap3A_669 = arith.constant 15 : i32
        %swap3A_670 = arith.index_cast %swap3A_669 : i32 to index
        %swap3A_671 = arith.index_cast %shift_right_arithmetic3A_268 : i32 to index
        %swap3A_672 = arith.index_cast %add3A_668 : i32 to index
        %swap3A_673 = tpu.vector_load %arg11[%swap3A_670, %swap3A_671, %swap3A_672] {strides = array<i32>} : memref<16x16x128xf32, #tpu.memory_space<vmem>>, vector<16xf32>,
        tpu.vector_store %arg11[%swap3A_670, %swap3A_671, %swap3A_672], %bitcast3A_661 {strides = array<i32>} : memref<16x16x128xf32, #tpu.memory_space<vmem>>, vector<16xf32>,
      }
      %scan3A_97 = arith.constant 24 : i32
      %jit3A_98 = arith.constant 3 : i32
      %div3A_99 = arith.divsi %add3A_34, %jit3A_98 : i32
      %sign3A_100 = arith.constant 0 : i32
      %sign3A_101 = arith.cmpi sgt, %add3A_34, %sign3A_100 : i32
      %sign3A_102 = arith.extui %sign3A_101 : i1 to i32
      %sign3A_103 = arith.constant 0 : i32
      %sign3A_104 = arith.cmpi slt, %add3A_34, %sign3A_103 : i32
      %sign3A_105 = arith.extui %sign3A_104 : i1 to i32
      %sign3A_106 = arith.subi %sign3A_102, %sign3A_105 : i32
      %sign3A_107 = arith.constant 0 : i32
      %sign3A_108 = arith.cmpi sgt, %jit3A_98, %sign3A_107 : i32
      %sign3A_109 = arith.extui %sign3A_108 : i1 to i32
      %sign3A_110 = arith.constant 0 : i32
      %sign3A_111 = arith.cmpi slt, %jit3A_98, %sign3A_110 : i32
      %sign3A_112 = arith.extui %sign3A_111 : i1 to i32
      %sign3A_113 = arith.subi %sign3A_109, %sign3A_112 : i32
      %ne3A_114 = arith.cmpi ne, %sign3A_106, %sign3A_113 : i32
      %rem3A_115 = arith.remsi %add3A_34, %jit3A_98 : i32
      %ne3A_116 = arith.constant 0 : i32
      %ne3A_117 = arith.cmpi ne, %rem3A_115, %ne3A_116 : i32
      %and3A_118 = arith.andi %ne3A_114, %ne3A_117 : i1
      %sub3A_119 = arith.constant 1 : i32
      %sub3A_120 = arith.subi %div3A_99, %sub3A_119 : i32
      %select_n3A_121 = arith.select %and3A_118, %sub3A_120, %div3A_99 : i32
      %add3A_122 = arith.constant 8 : i32
      %add3A_123 = arith.addi %select_n3A_121, %add3A_122 : i32
      %dma_start3A_124 = arith.constant 0 : i32
      %dma_start3A_125 = arith.constant 8 : i32
      %dma_start3A_126 = arith.constant 0 : i32
      %dma_start3A_127 = tpu.memref_slice %arg11[%dma_start3A_124, %dma_start3A_125, %dma_start3A_126] : memref<16x16x128xf32, #tpu.memory_space<vmem>> -> memref<16x8x128xf32, #tpu.memory_space<vmem>>
      %dma_start3A_128 = arith.constant 0 : i32
      %dma_start3A_129 = arith.constant 0 : i32
      %dma_start3A_130 = tpu.memref_slice %arg6[%dma_start3A_128, %add3A_123, %dma_start3A_129] : memref<16x17408x128xf32, #tpu.memory_space<hbm>> -> memref<16x8x128xf32, #tpu.memory_space<hbm>>
      %dma_start3A_131 = arith.constant 0 : i32
      %dma_start3A_132 = arith.constant 0 : i32
      %dma_start3A_133 = tpu.memref_slice %arg6[%dma_start3A_131, %add3A_123, %dma_start3A_132] : memref<16x17408x128xf32, #tpu.memory_space<hbm>> -> memref<16x8x128xf32, #tpu.memory_space<hbm>>
      %dma_start3A_134 = arith.constant 0 : i32
      %dma_start3A_135 = arith.constant 8 : i32
      %dma_start3A_136 = arith.constant 0 : i32
      %dma_start3A_137 = tpu.memref_slice %arg11[%dma_start3A_134, %dma_start3A_135, %dma_start3A_136] : memref<16x16x128xf32, #tpu.memory_space<vmem>> -> memref<16x8x128xf32, #tpu.memory_space<vmem>>
      tpu.enqueue_dma source(%dma_start3A_137 : memref<16x8x128xf32, #tpu.memory_space<vmem>>) target(%dma_start3A_133 : memref<16x8x128xf32, #tpu.memory_space<hbm>>) target_semaphore(%arg15 : memref<!tpu.dma_semaphore, #tpu.memory_space<semaphore_mem>>)
      %mul3A_138 = arith.constant 2 : i32
      %mul3A_139 = arith.muli %mul3A_138, %scan3A_27 : i32
      %add3A_140 = arith.constant 1 : i32
      %add3A_141 = arith.addi %mul3A_139, %add3A_140 : i32
      %mul3A_142 = arith.constant 1632 : i32
      %mul3A_143 = arith.muli %add3A, %mul3A_142 : i32
      %mul3A_144 = arith.constant 48 : i32
      %mul3A_145 = arith.muli %add3A_141, %mul3A_144 : i32
      %add3A_146 = arith.addi %mul3A_143, %mul3A_145 : i32
      %iota3A_147 = tpu.iota {dimensions = array<i32: 0>} : vector<16xi32>
      %add3A_148 = arith.constant 1 : i32
      %add3A_149 = arith.addi %add3A_141, %add3A_148 : i32
      %lt3A_150 = arith.constant 34 : i32
      %lt3A_151 = arith.cmpi slt, %add3A_149, %lt3A_150 : i32
      %convert_element_type3A_152 = arith.extui %lt3A_151 : i1 to i32
      %cond3A_153 = arith.constant 0 : i32
      %cond3A_154 = arith.cmpi ne, %convert_element_type3A_152, %cond3A_153 : i32
      scf.if %cond3A_154 {
        %add3A_263 = arith.constant 48 : i32
        %add3A_264 = arith.addi %add3A_146, %add3A_263 : i32
        %min3A_265 = arith.constant 49952 : i32
        %min3A_266 = arith.minsi %add3A_264, %min3A_265 : i32
        %mul3A_267 = arith.constant 16 : i32
        %mul3A_268 = arith.muli %min3A_266, %mul3A_267 : i32
        %dma_start3A_269 = tpu.memref_slice %arg2[%mul3A_268] : memref<800000xi32, #tpu.memory_space<hbm>> -> memref<768xi32, #tpu.memory_space<hbm>>
        %dma_start3A_270 = tpu.memref_slice %arg2[%mul3A_268] : memref<800000xi32, #tpu.memory_space<hbm>> -> memref<768xi32, #tpu.memory_space<hbm>>
        tpu.enqueue_dma source(%dma_start3A_270 : memref<768xi32, #tpu.memory_space<hbm>>) target(%arg7 : memref<768xi32, #tpu.memory_space<vmem>>) target_semaphore(%arg14 : memref<!tpu.dma_semaphore, #tpu.memory_space<semaphore_mem>>)
        %mul3A_271 = arith.constant 2 : i32
        %mul3A_272 = arith.muli %min3A_266, %mul3A_271 : i32
        %dma_start3A_273 = tpu.memref_slice %arg5[%mul3A_272] : memref<100000xf32, #tpu.memory_space<hbm>> -> memref<96xf32, #tpu.memory_space<hbm>>
        %dma_start3A_274 = tpu.memref_slice %arg5[%mul3A_272] : memref<100000xf32, #tpu.memory_space<hbm>> -> memref<96xf32, #tpu.memory_space<hbm>>
        tpu.enqueue_dma source(%dma_start3A_274 : memref<96xf32, #tpu.memory_space<hbm>>) target(%arg8 : memref<96xf32, #tpu.memory_space<vmem>>) target_semaphore(%arg14 : memref<!tpu.dma_semaphore, #tpu.memory_space<semaphore_mem>>)
      } else {
      }
      %ge3A_155 = arith.constant 1 : i32
      %ge3A_156 = arith.cmpi sge, %add3A_141, %ge3A_155 : i32
      %convert_element_type3A_157 = arith.extui %ge3A_156 : i1 to i32
      %cond3A_158 = arith.constant 0 : i32
      %cond3A_159 = arith.cmpi ne, %convert_element_type3A_157, %cond3A_158 : i32
      scf.if %cond3A_159 {
        %dma_wait3A_263 = arith.constant 0 : i32
        %dma_wait3A_264 = tpu.memref_slice %arg2[%dma_wait3A_263] : memref<800000xi32, #tpu.memory_space<hbm>> -> memref<768xi32, #tpu.memory_space<hbm>>
        %dma_wait3A_265 = arith.constant 0 : i32
        %dma_wait3A_266 = tpu.memref_slice %arg2[%dma_wait3A_265] : memref<800000xi32, #tpu.memory_space<hbm>> -> memref<768xi32, #tpu.memory_space<hbm>>
        tpu.wait_dma2 semaphore(%arg14 : memref<!tpu.dma_semaphore, #tpu.memory_space<semaphore_mem>>) src(%dma_wait3A_266 : memref<768xi32, #tpu.memory_space<hbm>>) dst(%arg9 : memref<768xi32, #tpu.memory_space<vmem>>)
        %dma_wait3A_267 = arith.constant 0 : i32
        %dma_wait3A_268 = tpu.memref_slice %arg5[%dma_wait3A_267] : memref<100000xf32, #tpu.memory_space<hbm>> -> memref<96xf32, #tpu.memory_space<hbm>>
        %dma_wait3A_269 = arith.constant 0 : i32
        %dma_wait3A_270 = tpu.memref_slice %arg5[%dma_wait3A_269] : memref<100000xf32, #tpu.memory_space<hbm>> -> memref<96xf32, #tpu.memory_space<hbm>>
        tpu.wait_dma2 semaphore(%arg14 : memref<!tpu.dma_semaphore, #tpu.memory_space<semaphore_mem>>) src(%dma_wait3A_270 : memref<96xf32, #tpu.memory_space<hbm>>) dst(%arg10 : memref<96xf32, #tpu.memory_space<vmem>>)
      } else {
      }
      %ge3A_160 = arith.constant 1 : i32
      %ge3A_161 = arith.cmpi sge, %add3A_141, %ge3A_160 : i32
      %convert_element_type3A_162 = arith.extui %ge3A_161 : i1 to i32
      %cond3A_163 = arith.constant 0 : i32
      %cond3A_164 = arith.cmpi ne, %convert_element_type3A_162, %cond3A_163 : i32
      scf.if %cond3A_164 {
        %dma_wait3A_263 = arith.constant 0 : i32
        %dma_wait3A_264 = arith.constant 0 : i32
        %dma_wait3A_265 = arith.constant 0 : i32
        %dma_wait3A_266 = tpu.memref_slice %arg6[%dma_wait3A_263, %dma_wait3A_264, %dma_wait3A_265] : memref<16x17408x128xf32, #tpu.memory_space<hbm>> -> memref<16x16x128xf32, #tpu.memory_space<hbm>>
        %dma_wait3A_267 = arith.constant 0 : i32
        %dma_wait3A_268 = arith.constant 0 : i32
        %dma_wait3A_269 = arith.constant 0 : i32
        %dma_wait3A_270 = tpu.memref_slice %arg6[%dma_wait3A_267, %dma_wait3A_268, %dma_wait3A_269] : memref<16x17408x128xf32, #tpu.memory_space<hbm>> -> memref<16x16x128xf32, #tpu.memory_space<hbm>>
        tpu.wait_dma2 semaphore(%arg15 : memref<!tpu.dma_semaphore, #tpu.memory_space<semaphore_mem>>) src(%dma_wait3A_270 : memref<16x16x128xf32, #tpu.memory_space<hbm>>) dst(%arg11 : memref<16x16x128xf32, #tpu.memory_space<vmem>>)
      } else {
      }
      %scan3A_165 = arith.constant 0 : i32
      %scan3A_166 = arith.constant 0 : i32
      %scan3A_167 = arith.constant 3 : i32
      %scan3A_168 = arith.addi %scan3A_166, %scan3A_167 : i32
      %scan3A_169 = arith.constant 1 : i32
      scf.for %scan3A_263 = %scan3A_166 to %scan3A_168 step %scan3A_169  : i32 {
        %mul3A_264 = arith.constant 16 : i32
        %mul3A_265 = arith.muli %scan3A_263, %mul3A_264 : i32
        %add3A_266 = vector.broadcast %mul3A_265 : i32 to vector<16xi32>
        %add3A_267 = arith.addi %add3A_266, %iota3A_147 : vector<16xi32>
        %mul3A_268 = arith.constant 21846 : i32
        %mul3A_269 = vector.broadcast %mul3A_268 : i32 to vector<16xi32>
        %mul3A_270 = arith.muli %add3A_267, %mul3A_269 : vector<16xi32>
        %shift_right_arithmetic3A = arith.constant 16 : i32
        %shift_right_arithmetic3A_271 = vector.broadcast %shift_right_arithmetic3A : i32 to vector<16xi32>
        %shift_right_arithmetic3A_272 = arith.shrsi %mul3A_270, %shift_right_arithmetic3A_271 : vector<16xi32>
        %mul3A_273 = arith.constant 3 : i32
        %mul3A_274 = vector.broadcast %mul3A_273 : i32 to vector<16xi32>
        %mul3A_275 = arith.muli %mul3A_274, %shift_right_arithmetic3A_272 : vector<16xi32>
        %sub3A_276 = arith.subi %add3A_267, %mul3A_275 : vector<16xi32>
        %mul3A_277 = arith.constant 2 : i32
        %mul3A_278 = vector.broadcast %mul3A_277 : i32 to vector<16xi32>
        %mul3A_279 = arith.muli %mul3A_278, %sub3A_276 : vector<16xi32>
        %mul3A_280 = arith.constant 2 : i32
        %mul3A_281 = vector.broadcast %mul3A_280 : i32 to vector<16xi32>
        %mul3A_282 = arith.muli %add3A_267, %mul3A_281 : vector<16xi32>
        %gather3A = tpu.vector_load_idx %arg10[%mul3A_282] : memref<96xf32, #tpu.memory_space<vmem>>[vector<16xi32>], vector<16xf32>,
        %mul3A_283 = arith.constant 2 : i32
        %mul3A_284 = vector.broadcast %mul3A_283 : i32 to vector<16xi32>
        %mul3A_285 = arith.muli %add3A_267, %mul3A_284 : vector<16xi32>
        %add3A_286 = arith.constant 1 : i32
        %add3A_287 = vector.broadcast %add3A_286 : i32 to vector<16xi32>
        %add3A_288 = arith.addi %mul3A_285, %add3A_287 : vector<16xi32>
        %gather3A_289 = tpu.vector_load_idx %arg10[%add3A_288] : memref<96xf32, #tpu.memory_space<vmem>>[vector<16xi32>], vector<16xf32>,
        %scan3A_290 = arith.constant 0 : i32
        %scan3A_291 = arith.constant 16 : i32
        %scan3A_292 = arith.addi %scan3A_290, %scan3A_291 : i32
        %scan3A_293 = arith.constant 1 : i32
        scf.for %scan3A_295 = %scan3A_290 to %scan3A_292 step %scan3A_293  : i32 {
          %broadcast_in_dim3A_296 = arith.constant 0 : i32
          %broadcast_in_dim3A_297 = vector.broadcast %broadcast_in_dim3A_296 : i32 to vector<16xi32>
          %add3A_298 = vector.broadcast %scan3A_295 : i32 to vector<16xi32>
          %add3A_299 = arith.addi %broadcast_in_dim3A_297, %add3A_298 : vector<16xi32>
          %mul3A_300 = arith.constant 16 : i32
          %mul3A_301 = vector.broadcast %mul3A_300 : i32 to vector<16xi32>
          %mul3A_302 = arith.muli %add3A_267, %mul3A_301 : vector<16xi32>
          %add3A_303 = vector.broadcast %scan3A_295 : i32 to vector<16xi32>
          %add3A_304 = arith.addi %mul3A_302, %add3A_303 : vector<16xi32>
          %gather3A_305 = tpu.vector_load_idx %arg9[%add3A_304] : memref<768xi32, #tpu.memory_space<vmem>>[vector<16xi32>], vector<16xi32>,
          %mul3A_306 = arith.constant 2 : i32
          %mul3A_307 = vector.broadcast %mul3A_306 : i32 to vector<16xi32>
          %mul3A_308 = arith.muli %gather3A_305, %mul3A_307 : vector<16xi32>
          %gather3A_309 = tpu.vector_load_idx %arg13[%mul3A_308] : memref<8192xf32, #tpu.memory_space<vmem>>[vector<16xi32>], vector<16xf32>,
          %mul3A_310 = arith.constant 2 : i32
          %mul3A_311 = vector.broadcast %mul3A_310 : i32 to vector<16xi32>
          %mul3A_312 = arith.muli %gather3A_305, %mul3A_311 : vector<16xi32>
          %add3A_313 = arith.constant 1 : i32
          %add3A_314 = vector.broadcast %add3A_313 : i32 to vector<16xi32>
          %add3A_315 = arith.addi %mul3A_312, %add3A_314 : vector<16xi32>
          %gather3A_316 = tpu.vector_load_idx %arg13[%add3A_315] : memref<8192xf32, #tpu.memory_space<vmem>>[vector<16xi32>], vector<16xf32>,
          %add3A_317 = arith.constant 96 : i32
          %add3A_318 = vector.broadcast %add3A_317 : i32 to vector<16xi32>
          %add3A_319 = arith.addi %add3A_318, %mul3A_279 : vector<16xi32>
          tpu.vector_store_idx %arg11[%add3A_299, %shift_right_arithmetic3A_272, %add3A_319], %gather3A_309 : memref<16x16x128xf32, #tpu.memory_space<vmem>>[vector<16xi32>, vector<16xi32>, vector<16xi32>], vector<16xf32>,
          %add3A_320 = arith.constant 97 : i32
          %add3A_321 = vector.broadcast %add3A_320 : i32 to vector<16xi32>
          %add3A_322 = arith.addi %add3A_321, %mul3A_279 : vector<16xi32>
          tpu.vector_store_idx %arg11[%add3A_299, %shift_right_arithmetic3A_272, %add3A_322], %gather3A_316 : memref<16x16x128xf32, #tpu.memory_space<vmem>>[vector<16xi32>, vector<16xi32>, vector<16xi32>], vector<16xf32>,
          %add3A_323 = arith.constant 102 : i32
          %add3A_324 = vector.broadcast %add3A_323 : i32 to vector<16xi32>
          %add3A_325 = arith.addi %add3A_324, %mul3A_279 : vector<16xi32>
          tpu.vector_store_idx %arg11[%add3A_299, %shift_right_arithmetic3A_272, %add3A_325], %gather3A : memref<16x16x128xf32, #tpu.memory_space<vmem>>[vector<16xi32>, vector<16xi32>, vector<16xi32>], vector<16xf32>,
          %add3A_326 = arith.constant 103 : i32
          %add3A_327 = vector.broadcast %add3A_326 : i32 to vector<16xi32>
          %add3A_328 = arith.addi %add3A_327, %mul3A_279 : vector<16xi32>
          tpu.vector_store_idx %arg11[%add3A_299, %shift_right_arithmetic3A_272, %add3A_328], %gather3A_289 : memref<16x16x128xf32, #tpu.memory_space<vmem>>[vector<16xi32>, vector<16xi32>, vector<16xi32>], vector<16xf32>,
        }
        %scan3A_294 = arith.constant 16 : i32
      }
      %scan3A_170 = arith.constant 3 : i32
      %scan3A_171 = arith.constant 0 : i32
      %scan3A_172 = arith.constant 0 : i32
      %scan3A_173 = arith.constant 24 : i32
      %scan3A_174 = arith.addi %scan3A_172, %scan3A_173 : i32
      %scan3A_175 = arith.constant 1 : i32
      scf.for %scan3A_263 = %scan3A_172 to %scan3A_174 step %scan3A_175  : i32 {
        %add3A_264 = arith.constant 0 : i32
        %add3A_265 = arith.addi %add3A_264, %scan3A_263 : i32
        %mul3A_266 = arith.constant 21846 : i32
        %mul3A_267 = arith.muli %add3A_265, %mul3A_266 : i32
        %shift_right_arithmetic3A = arith.constant 16 : i32
        %shift_right_arithmetic3A_268 = arith.shrsi %mul3A_267, %shift_right_arithmetic3A : i32
        %mul3A_269 = arith.constant 3 : i32
        %mul3A_270 = arith.muli %mul3A_269, %shift_right_arithmetic3A_268 : i32
        %sub3A_271 = arith.subi %add3A_265, %mul3A_270 : i32
        %mul3A_272 = arith.constant 32 : i32
        %mul3A_273 = arith.muli %mul3A_272, %sub3A_271 : i32
        %mul3A_274 = arith.constant 16 : i32
        %mul3A_275 = arith.muli %add3A_265, %mul3A_274 : i32
        %get3A = arith.index_cast %mul3A_275 : i32 to index
        %get3A_276 = tpu.vector_load %arg9[%get3A] {strides = array<i32>} : memref<768xi32, #tpu.memory_space<vmem>>, vector<16xi32>,
        %mul3A_277 = arith.constant 16 : i32
        %mul3A_278 = vector.broadcast %mul3A_277 : i32 to vector<16xi32>
        %mul3A_279 = arith.muli %get3A_276, %mul3A_278 : vector<16xi32>
        %slice3A = vector.extract_strided_slice %mul3A_279 {offsets = [0], sizes = [1], strides = [1]} : vector<16xi32> to vector<1xi32>
        %squeeze3A = vector.extract %slice3A[0] : i32 from vector<1xi32>
        %add3A_280 = vector.broadcast %squeeze3A : i32 to vector<16xi32>
        %add3A_281 = arith.addi %add3A_280, %iota3A_147 : vector<16xi32>
        %gather3A = tpu.vector_load_idx %arg12[%add3A_281] : memref<65536xi32, #tpu.memory_space<vmem>>[vector<16xi32>], vector<16xi32>,
        %shift_left3A = arith.constant 16 : i32
        %shift_left3A_282 = vector.broadcast %shift_left3A : i32 to vector<16xi32>
        %shift_left3A_283 = arith.shli %gather3A, %shift_left3A_282 : vector<16xi32>
        %bitcast3A = vector.bitcast %shift_left3A_283 : vector<16xi32> to vector<16xf32>
        %and3A_284 = arith.constant -65536 : i32
        %and3A_285 = vector.broadcast %and3A_284 : i32 to vector<16xi32>
        %and3A_286 = arith.andi %gather3A, %and3A_285 : vector<16xi32>
        %bitcast3A_287 = vector.bitcast %and3A_286 : vector<16xi32> to vector<16xf32>
        %swap3A = arith.constant 0 : i32
        %swap3A_288 = arith.index_cast %swap3A : i32 to index
        %swap3A_289 = arith.index_cast %shift_right_arithmetic3A_268 : i32 to index
        %swap3A_290 = arith.index_cast %mul3A_273 : i32 to index
        %swap3A_291 = tpu.vector_load %arg11[%swap3A_288, %swap3A_289, %swap3A_290] {strides = array<i32>} : memref<16x16x128xf32, #tpu.memory_space<vmem>>, vector<16xf32>,
        tpu.vector_store %arg11[%swap3A_288, %swap3A_289, %swap3A_290], %bitcast3A {strides = array<i32>} : memref<16x16x128xf32, #tpu.memory_space<vmem>>, vector<16xf32>,
        %add3A_292 = arith.constant 16 : i32
        %add3A_293 = arith.addi %mul3A_273, %add3A_292 : i32
        %swap3A_294 = arith.constant 0 : i32
        %swap3A_295 = arith.index_cast %swap3A_294 : i32 to index
        %swap3A_296 = arith.index_cast %shift_right_arithmetic3A_268 : i32 to index
        %swap3A_297 = arith.index_cast %add3A_293 : i32 to index
        %swap3A_298 = tpu.vector_load %arg11[%swap3A_295, %swap3A_296, %swap3A_297] {strides = array<i32>} : memref<16x16x128xf32, #tpu.memory_space<vmem>>, vector<16xf32>,
        tpu.vector_store %arg11[%swap3A_295, %swap3A_296, %swap3A_297], %bitcast3A_287 {strides = array<i32>} : memref<16x16x128xf32, #tpu.memory_space<vmem>>, vector<16xf32>,
        %slice3A_299 = vector.extract_strided_slice %mul3A_279 {offsets = [1], sizes = [1], strides = [1]} : vector<16xi32> to vector<1xi32>
        %squeeze3A_300 = vector.extract %slice3A_299[0] : i32 from vector<1xi32>
        %add3A_301 = vector.broadcast %squeeze3A_300 : i32 to vector<16xi32>
        %add3A_302 = arith.addi %add3A_301, %iota3A_147 : vector<16xi32>
        %gather3A_303 = tpu.vector_load_idx %arg12[%add3A_302] : memref<65536xi32, #tpu.memory_space<vmem>>[vector<16xi32>], vector<16xi32>,
        %shift_left3A_304 = arith.constant 16 : i32
        %shift_left3A_305 = vector.broadcast %shift_left3A_304 : i32 to vector<16xi32>
        %shift_left3A_306 = arith.shli %gather3A_303, %shift_left3A_305 : vector<16xi32>
        %bitcast3A_307 = vector.bitcast %shift_left3A_306 : vector<16xi32> to vector<16xf32>
        %and3A_308 = arith.constant -65536 : i32
        %and3A_309 = vector.broadcast %and3A_308 : i32 to vector<16xi32>
        %and3A_310 = arith.andi %gather3A_303, %and3A_309 : vector<16xi32>
        %bitcast3A_311 = vector.bitcast %and3A_310 : vector<16xi32> to vector<16xf32>
        %swap3A_312 = arith.constant 1 : i32
        %swap3A_313 = arith.index_cast %swap3A_312 : i32 to index
        %swap3A_314 = arith.index_cast %shift_right_arithmetic3A_268 : i32 to index
        %swap3A_315 = arith.index_cast %mul3A_273 : i32 to index
        %swap3A_316 = tpu.vector_load %arg11[%swap3A_313, %swap3A_314, %swap3A_315] {strides = array<i32>} : memref<16x16x128xf32, #tpu.memory_space<vmem>>, vector<16xf32>,
        tpu.vector_store %arg11[%swap3A_313, %swap3A_314, %swap3A_315], %bitcast3A_307 {strides = array<i32>} : memref<16x16x128xf32, #tpu.memory_space<vmem>>, vector<16xf32>,
        %add3A_317 = arith.constant 16 : i32
        %add3A_318 = arith.addi %mul3A_273, %add3A_317 : i32
        %swap3A_319 = arith.constant 1 : i32
        %swap3A_320 = arith.index_cast %swap3A_319 : i32 to index
        %swap3A_321 = arith.index_cast %shift_right_arithmetic3A_268 : i32 to index
        %swap3A_322 = arith.index_cast %add3A_318 : i32 to index
        %swap3A_323 = tpu.vector_load %arg11[%swap3A_320, %swap3A_321, %swap3A_322] {strides = array<i32>} : memref<16x16x128xf32, #tpu.memory_space<vmem>>, vector<16xf32>,
        tpu.vector_store %arg11[%swap3A_320, %swap3A_321, %swap3A_322], %bitcast3A_311 {strides = array<i32>} : memref<16x16x128xf32, #tpu.memory_space<vmem>>, vector<16xf32>,
        %slice3A_324 = vector.extract_strided_slice %mul3A_279 {offsets = [2], sizes = [1], strides = [1]} : vector<16xi32> to vector<1xi32>
        %squeeze3A_325 = vector.extract %slice3A_324[0] : i32 from vector<1xi32>
        %add3A_326 = vector.broadcast %squeeze3A_325 : i32 to vector<16xi32>
        %add3A_327 = arith.addi %add3A_326, %iota3A_147 : vector<16xi32>
        %gather3A_328 = tpu.vector_load_idx %arg12[%add3A_327] : memref<65536xi32, #tpu.memory_space<vmem>>[vector<16xi32>], vector<16xi32>,
        %shift_left3A_329 = arith.constant 16 : i32
        %shift_left3A_330 = vector.broadcast %shift_left3A_329 : i32 to vector<16xi32>
        %shift_left3A_331 = arith.shli %gather3A_328, %shift_left3A_330 : vector<16xi32>
        %bitcast3A_332 = vector.bitcast %shift_left3A_331 : vector<16xi32> to vector<16xf32>
        %and3A_333 = arith.constant -65536 : i32
        %and3A_334 = vector.broadcast %and3A_333 : i32 to vector<16xi32>
        %and3A_335 = arith.andi %gather3A_328, %and3A_334 : vector<16xi32>
        %bitcast3A_336 = vector.bitcast %and3A_335 : vector<16xi32> to vector<16xf32>
        %swap3A_337 = arith.constant 2 : i32
        %swap3A_338 = arith.index_cast %swap3A_337 : i32 to index
        %swap3A_339 = arith.index_cast %shift_right_arithmetic3A_268 : i32 to index
        %swap3A_340 = arith.index_cast %mul3A_273 : i32 to index
        %swap3A_341 = tpu.vector_load %arg11[%swap3A_338, %swap3A_339, %swap3A_340] {strides = array<i32>} : memref<16x16x128xf32, #tpu.memory_space<vmem>>, vector<16xf32>,
        tpu.vector_store %arg11[%swap3A_338, %swap3A_339, %swap3A_340], %bitcast3A_332 {strides = array<i32>} : memref<16x16x128xf32, #tpu.memory_space<vmem>>, vector<16xf32>,
        %add3A_342 = arith.constant 16 : i32
        %add3A_343 = arith.addi %mul3A_273, %add3A_342 : i32
        %swap3A_344 = arith.constant 2 : i32
        %swap3A_345 = arith.index_cast %swap3A_344 : i32 to index
        %swap3A_346 = arith.index_cast %shift_right_arithmetic3A_268 : i32 to index
        %swap3A_347 = arith.index_cast %add3A_343 : i32 to index
        %swap3A_348 = tpu.vector_load %arg11[%swap3A_345, %swap3A_346, %swap3A_347] {strides = array<i32>} : memref<16x16x128xf32, #tpu.memory_space<vmem>>, vector<16xf32>,
        tpu.vector_store %arg11[%swap3A_345, %swap3A_346, %swap3A_347], %bitcast3A_336 {strides = array<i32>} : memref<16x16x128xf32, #tpu.memory_space<vmem>>, vector<16xf32>,
        %slice3A_349 = vector.extract_strided_slice %mul3A_279 {offsets = [3], sizes = [1], strides = [1]} : vector<16xi32> to vector<1xi32>
        %squeeze3A_350 = vector.extract %slice3A_349[0] : i32 from vector<1xi32>
        %add3A_351 = vector.broadcast %squeeze3A_350 : i32 to vector<16xi32>
        %add3A_352 = arith.addi %add3A_351, %iota3A_147 : vector<16xi32>
        %gather3A_353 = tpu.vector_load_idx %arg12[%add3A_352] : memref<65536xi32, #tpu.memory_space<vmem>>[vector<16xi32>], vector<16xi32>,
        %shift_left3A_354 = arith.constant 16 : i32
        %shift_left3A_355 = vector.broadcast %shift_left3A_354 : i32 to vector<16xi32>
        %shift_left3A_356 = arith.shli %gather3A_353, %shift_left3A_355 : vector<16xi32>
        %bitcast3A_357 = vector.bitcast %shift_left3A_356 : vector<16xi32> to vector<16xf32>
        %and3A_358 = arith.constant -65536 : i32
        %and3A_359 = vector.broadcast %and3A_358 : i32 to vector<16xi32>
        %and3A_360 = arith.andi %gather3A_353, %and3A_359 : vector<16xi32>
        %bitcast3A_361 = vector.bitcast %and3A_360 : vector<16xi32> to vector<16xf32>
        %swap3A_362 = arith.constant 3 : i32
        %swap3A_363 = arith.index_cast %swap3A_362 : i32 to index
        %swap3A_364 = arith.index_cast %shift_right_arithmetic3A_268 : i32 to index
        %swap3A_365 = arith.index_cast %mul3A_273 : i32 to index
        %swap3A_366 = tpu.vector_load %arg11[%swap3A_363, %swap3A_364, %swap3A_365] {strides = array<i32>} : memref<16x16x128xf32, #tpu.memory_space<vmem>>, vector<16xf32>,
        tpu.vector_store %arg11[%swap3A_363, %swap3A_364, %swap3A_365], %bitcast3A_357 {strides = array<i32>} : memref<16x16x128xf32, #tpu.memory_space<vmem>>, vector<16xf32>,
        %add3A_367 = arith.constant 16 : i32
        %add3A_368 = arith.addi %mul3A_273, %add3A_367 : i32
        %swap3A_369 = arith.constant 3 : i32
        %swap3A_370 = arith.index_cast %swap3A_369 : i32 to index
        %swap3A_371 = arith.index_cast %shift_right_arithmetic3A_268 : i32 to index
        %swap3A_372 = arith.index_cast %add3A_368 : i32 to index
        %swap3A_373 = tpu.vector_load %arg11[%swap3A_370, %swap3A_371, %swap3A_372] {strides = array<i32>} : memref<16x16x128xf32, #tpu.memory_space<vmem>>, vector<16xf32>,
        tpu.vector_store %arg11[%swap3A_370, %swap3A_371, %swap3A_372], %bitcast3A_361 {strides = array<i32>} : memref<16x16x128xf32, #tpu.memory_space<vmem>>, vector<16xf32>,
        %slice3A_374 = vector.extract_strided_slice %mul3A_279 {offsets = [4], sizes = [1], strides = [1]} : vector<16xi32> to vector<1xi32>
        %squeeze3A_375 = vector.extract %slice3A_374[0] : i32 from vector<1xi32>
        %add3A_376 = vector.broadcast %squeeze3A_375 : i32 to vector<16xi32>
        %add3A_377 = arith.addi %add3A_376, %iota3A_147 : vector<16xi32>
        %gather3A_378 = tpu.vector_load_idx %arg12[%add3A_377] : memref<65536xi32, #tpu.memory_space<vmem>>[vector<16xi32>], vector<16xi32>,
        %shift_left3A_379 = arith.constant 16 : i32
        %shift_left3A_380 = vector.broadcast %shift_left3A_379 : i32 to vector<16xi32>
        %shift_left3A_381 = arith.shli %gather3A_378, %shift_left3A_380 : vector<16xi32>
        %bitcast3A_382 = vector.bitcast %shift_left3A_381 : vector<16xi32> to vector<16xf32>
        %and3A_383 = arith.constant -65536 : i32
        %and3A_384 = vector.broadcast %and3A_383 : i32 to vector<16xi32>
        %and3A_385 = arith.andi %gather3A_378, %and3A_384 : vector<16xi32>
        %bitcast3A_386 = vector.bitcast %and3A_385 : vector<16xi32> to vector<16xf32>
        %swap3A_387 = arith.constant 4 : i32
        %swap3A_388 = arith.index_cast %swap3A_387 : i32 to index
        %swap3A_389 = arith.index_cast %shift_right_arithmetic3A_268 : i32 to index
        %swap3A_390 = arith.index_cast %mul3A_273 : i32 to index
        %swap3A_391 = tpu.vector_load %arg11[%swap3A_388, %swap3A_389, %swap3A_390] {strides = array<i32>} : memref<16x16x128xf32, #tpu.memory_space<vmem>>, vector<16xf32>,
        tpu.vector_store %arg11[%swap3A_388, %swap3A_389, %swap3A_390], %bitcast3A_382 {strides = array<i32>} : memref<16x16x128xf32, #tpu.memory_space<vmem>>, vector<16xf32>,
        %add3A_392 = arith.constant 16 : i32
        %add3A_393 = arith.addi %mul3A_273, %add3A_392 : i32
        %swap3A_394 = arith.constant 4 : i32
        %swap3A_395 = arith.index_cast %swap3A_394 : i32 to index
        %swap3A_396 = arith.index_cast %shift_right_arithmetic3A_268 : i32 to index
        %swap3A_397 = arith.index_cast %add3A_393 : i32 to index
        %swap3A_398 = tpu.vector_load %arg11[%swap3A_395, %swap3A_396, %swap3A_397] {strides = array<i32>} : memref<16x16x128xf32, #tpu.memory_space<vmem>>, vector<16xf32>,
        tpu.vector_store %arg11[%swap3A_395, %swap3A_396, %swap3A_397], %bitcast3A_386 {strides = array<i32>} : memref<16x16x128xf32, #tpu.memory_space<vmem>>, vector<16xf32>,
        %slice3A_399 = vector.extract_strided_slice %mul3A_279 {offsets = [5], sizes = [1], strides = [1]} : vector<16xi32> to vector<1xi32>
        %squeeze3A_400 = vector.extract %slice3A_399[0] : i32 from vector<1xi32>
        %add3A_401 = vector.broadcast %squeeze3A_400 : i32 to vector<16xi32>
        %add3A_402 = arith.addi %add3A_401, %iota3A_147 : vector<16xi32>
        %gather3A_403 = tpu.vector_load_idx %arg12[%add3A_402] : memref<65536xi32, #tpu.memory_space<vmem>>[vector<16xi32>], vector<16xi32>,
        %shift_left3A_404 = arith.constant 16 : i32
        %shift_left3A_405 = vector.broadcast %shift_left3A_404 : i32 to vector<16xi32>
        %shift_left3A_406 = arith.shli %gather3A_403, %shift_left3A_405 : vector<16xi32>
        %bitcast3A_407 = vector.bitcast %shift_left3A_406 : vector<16xi32> to vector<16xf32>
        %and3A_408 = arith.constant -65536 : i32
        %and3A_409 = vector.broadcast %and3A_408 : i32 to vector<16xi32>
        %and3A_410 = arith.andi %gather3A_403, %and3A_409 : vector<16xi32>
        %bitcast3A_411 = vector.bitcast %and3A_410 : vector<16xi32> to vector<16xf32>
        %swap3A_412 = arith.constant 5 : i32
        %swap3A_413 = arith.index_cast %swap3A_412 : i32 to index
        %swap3A_414 = arith.index_cast %shift_right_arithmetic3A_268 : i32 to index
        %swap3A_415 = arith.index_cast %mul3A_273 : i32 to index
        %swap3A_416 = tpu.vector_load %arg11[%swap3A_413, %swap3A_414, %swap3A_415] {strides = array<i32>} : memref<16x16x128xf32, #tpu.memory_space<vmem>>, vector<16xf32>,
        tpu.vector_store %arg11[%swap3A_413, %swap3A_414, %swap3A_415], %bitcast3A_407 {strides = array<i32>} : memref<16x16x128xf32, #tpu.memory_space<vmem>>, vector<16xf32>,
        %add3A_417 = arith.constant 16 : i32
        %add3A_418 = arith.addi %mul3A_273, %add3A_417 : i32
        %swap3A_419 = arith.constant 5 : i32
        %swap3A_420 = arith.index_cast %swap3A_419 : i32 to index
        %swap3A_421 = arith.index_cast %shift_right_arithmetic3A_268 : i32 to index
        %swap3A_422 = arith.index_cast %add3A_418 : i32 to index
        %swap3A_423 = tpu.vector_load %arg11[%swap3A_420, %swap3A_421, %swap3A_422] {strides = array<i32>} : memref<16x16x128xf32, #tpu.memory_space<vmem>>, vector<16xf32>,
        tpu.vector_store %arg11[%swap3A_420, %swap3A_421, %swap3A_422], %bitcast3A_411 {strides = array<i32>} : memref<16x16x128xf32, #tpu.memory_space<vmem>>, vector<16xf32>,
        %slice3A_424 = vector.extract_strided_slice %mul3A_279 {offsets = [6], sizes = [1], strides = [1]} : vector<16xi32> to vector<1xi32>
        %squeeze3A_425 = vector.extract %slice3A_424[0] : i32 from vector<1xi32>
        %add3A_426 = vector.broadcast %squeeze3A_425 : i32 to vector<16xi32>
        %add3A_427 = arith.addi %add3A_426, %iota3A_147 : vector<16xi32>
        %gather3A_428 = tpu.vector_load_idx %arg12[%add3A_427] : memref<65536xi32, #tpu.memory_space<vmem>>[vector<16xi32>], vector<16xi32>,
        %shift_left3A_429 = arith.constant 16 : i32
        %shift_left3A_430 = vector.broadcast %shift_left3A_429 : i32 to vector<16xi32>
        %shift_left3A_431 = arith.shli %gather3A_428, %shift_left3A_430 : vector<16xi32>
        %bitcast3A_432 = vector.bitcast %shift_left3A_431 : vector<16xi32> to vector<16xf32>
        %and3A_433 = arith.constant -65536 : i32
        %and3A_434 = vector.broadcast %and3A_433 : i32 to vector<16xi32>
        %and3A_435 = arith.andi %gather3A_428, %and3A_434 : vector<16xi32>
        %bitcast3A_436 = vector.bitcast %and3A_435 : vector<16xi32> to vector<16xf32>
        %swap3A_437 = arith.constant 6 : i32
        %swap3A_438 = arith.index_cast %swap3A_437 : i32 to index
        %swap3A_439 = arith.index_cast %shift_right_arithmetic3A_268 : i32 to index
        %swap3A_440 = arith.index_cast %mul3A_273 : i32 to index
        %swap3A_441 = tpu.vector_load %arg11[%swap3A_438, %swap3A_439, %swap3A_440] {strides = array<i32>} : memref<16x16x128xf32, #tpu.memory_space<vmem>>, vector<16xf32>,
        tpu.vector_store %arg11[%swap3A_438, %swap3A_439, %swap3A_440], %bitcast3A_432 {strides = array<i32>} : memref<16x16x128xf32, #tpu.memory_space<vmem>>, vector<16xf32>,
        %add3A_442 = arith.constant 16 : i32
        %add3A_443 = arith.addi %mul3A_273, %add3A_442 : i32
        %swap3A_444 = arith.constant 6 : i32
        %swap3A_445 = arith.index_cast %swap3A_444 : i32 to index
        %swap3A_446 = arith.index_cast %shift_right_arithmetic3A_268 : i32 to index
        %swap3A_447 = arith.index_cast %add3A_443 : i32 to index
        %swap3A_448 = tpu.vector_load %arg11[%swap3A_445, %swap3A_446, %swap3A_447] {strides = array<i32>} : memref<16x16x128xf32, #tpu.memory_space<vmem>>, vector<16xf32>,
        tpu.vector_store %arg11[%swap3A_445, %swap3A_446, %swap3A_447], %bitcast3A_436 {strides = array<i32>} : memref<16x16x128xf32, #tpu.memory_space<vmem>>, vector<16xf32>,
        %slice3A_449 = vector.extract_strided_slice %mul3A_279 {offsets = [7], sizes = [1], strides = [1]} : vector<16xi32> to vector<1xi32>
        %squeeze3A_450 = vector.extract %slice3A_449[0] : i32 from vector<1xi32>
        %add3A_451 = vector.broadcast %squeeze3A_450 : i32 to vector<16xi32>
        %add3A_452 = arith.addi %add3A_451, %iota3A_147 : vector<16xi32>
        %gather3A_453 = tpu.vector_load_idx %arg12[%add3A_452] : memref<65536xi32, #tpu.memory_space<vmem>>[vector<16xi32>], vector<16xi32>,
        %shift_left3A_454 = arith.constant 16 : i32
        %shift_left3A_455 = vector.broadcast %shift_left3A_454 : i32 to vector<16xi32>
        %shift_left3A_456 = arith.shli %gather3A_453, %shift_left3A_455 : vector<16xi32>
        %bitcast3A_457 = vector.bitcast %shift_left3A_456 : vector<16xi32> to vector<16xf32>
        %and3A_458 = arith.constant -65536 : i32
        %and3A_459 = vector.broadcast %and3A_458 : i32 to vector<16xi32>
        %and3A_460 = arith.andi %gather3A_453, %and3A_459 : vector<16xi32>
        %bitcast3A_461 = vector.bitcast %and3A_460 : vector<16xi32> to vector<16xf32>
        %swap3A_462 = arith.constant 7 : i32
        %swap3A_463 = arith.index_cast %swap3A_462 : i32 to index
        %swap3A_464 = arith.index_cast %shift_right_arithmetic3A_268 : i32 to index
        %swap3A_465 = arith.index_cast %mul3A_273 : i32 to index
        %swap3A_466 = tpu.vector_load %arg11[%swap3A_463, %swap3A_464, %swap3A_465] {strides = array<i32>} : memref<16x16x128xf32, #tpu.memory_space<vmem>>, vector<16xf32>,
        tpu.vector_store %arg11[%swap3A_463, %swap3A_464, %swap3A_465], %bitcast3A_457 {strides = array<i32>} : memref<16x16x128xf32, #tpu.memory_space<vmem>>, vector<16xf32>,
        %add3A_467 = arith.constant 16 : i32
        %add3A_468 = arith.addi %mul3A_273, %add3A_467 : i32
        %swap3A_469 = arith.constant 7 : i32
        %swap3A_470 = arith.index_cast %swap3A_469 : i32 to index
        %swap3A_471 = arith.index_cast %shift_right_arithmetic3A_268 : i32 to index
        %swap3A_472 = arith.index_cast %add3A_468 : i32 to index
        %swap3A_473 = tpu.vector_load %arg11[%swap3A_470, %swap3A_471, %swap3A_472] {strides = array<i32>} : memref<16x16x128xf32, #tpu.memory_space<vmem>>, vector<16xf32>,
        tpu.vector_store %arg11[%swap3A_470, %swap3A_471, %swap3A_472], %bitcast3A_461 {strides = array<i32>} : memref<16x16x128xf32, #tpu.memory_space<vmem>>, vector<16xf32>,
        %slice3A_474 = vector.extract_strided_slice %mul3A_279 {offsets = [8], sizes = [1], strides = [1]} : vector<16xi32> to vector<1xi32>
        %squeeze3A_475 = vector.extract %slice3A_474[0] : i32 from vector<1xi32>
        %add3A_476 = vector.broadcast %squeeze3A_475 : i32 to vector<16xi32>
        %add3A_477 = arith.addi %add3A_476, %iota3A_147 : vector<16xi32>
        %gather3A_478 = tpu.vector_load_idx %arg12[%add3A_477] : memref<65536xi32, #tpu.memory_space<vmem>>[vector<16xi32>], vector<16xi32>,
        %shift_left3A_479 = arith.constant 16 : i32
        %shift_left3A_480 = vector.broadcast %shift_left3A_479 : i32 to vector<16xi32>
        %shift_left3A_481 = arith.shli %gather3A_478, %shift_left3A_480 : vector<16xi32>
        %bitcast3A_482 = vector.bitcast %shift_left3A_481 : vector<16xi32> to vector<16xf32>
        %and3A_483 = arith.constant -65536 : i32
        %and3A_484 = vector.broadcast %and3A_483 : i32 to vector<16xi32>
        %and3A_485 = arith.andi %gather3A_478, %and3A_484 : vector<16xi32>
        %bitcast3A_486 = vector.bitcast %and3A_485 : vector<16xi32> to vector<16xf32>
        %swap3A_487 = arith.constant 8 : i32
        %swap3A_488 = arith.index_cast %swap3A_487 : i32 to index
        %swap3A_489 = arith.index_cast %shift_right_arithmetic3A_268 : i32 to index
        %swap3A_490 = arith.index_cast %mul3A_273 : i32 to index
        %swap3A_491 = tpu.vector_load %arg11[%swap3A_488, %swap3A_489, %swap3A_490] {strides = array<i32>} : memref<16x16x128xf32, #tpu.memory_space<vmem>>, vector<16xf32>,
        tpu.vector_store %arg11[%swap3A_488, %swap3A_489, %swap3A_490], %bitcast3A_482 {strides = array<i32>} : memref<16x16x128xf32, #tpu.memory_space<vmem>>, vector<16xf32>,
        %add3A_492 = arith.constant 16 : i32
        %add3A_493 = arith.addi %mul3A_273, %add3A_492 : i32
        %swap3A_494 = arith.constant 8 : i32
        %swap3A_495 = arith.index_cast %swap3A_494 : i32 to index
        %swap3A_496 = arith.index_cast %shift_right_arithmetic3A_268 : i32 to index
        %swap3A_497 = arith.index_cast %add3A_493 : i32 to index
        %swap3A_498 = tpu.vector_load %arg11[%swap3A_495, %swap3A_496, %swap3A_497] {strides = array<i32>} : memref<16x16x128xf32, #tpu.memory_space<vmem>>, vector<16xf32>,
        tpu.vector_store %arg11[%swap3A_495, %swap3A_496, %swap3A_497], %bitcast3A_486 {strides = array<i32>} : memref<16x16x128xf32, #tpu.memory_space<vmem>>, vector<16xf32>,
        %slice3A_499 = vector.extract_strided_slice %mul3A_279 {offsets = [9], sizes = [1], strides = [1]} : vector<16xi32> to vector<1xi32>
        %squeeze3A_500 = vector.extract %slice3A_499[0] : i32 from vector<1xi32>
        %add3A_501 = vector.broadcast %squeeze3A_500 : i32 to vector<16xi32>
        %add3A_502 = arith.addi %add3A_501, %iota3A_147 : vector<16xi32>
        %gather3A_503 = tpu.vector_load_idx %arg12[%add3A_502] : memref<65536xi32, #tpu.memory_space<vmem>>[vector<16xi32>], vector<16xi32>,
        %shift_left3A_504 = arith.constant 16 : i32
        %shift_left3A_505 = vector.broadcast %shift_left3A_504 : i32 to vector<16xi32>
        %shift_left3A_506 = arith.shli %gather3A_503, %shift_left3A_505 : vector<16xi32>
        %bitcast3A_507 = vector.bitcast %shift_left3A_506 : vector<16xi32> to vector<16xf32>
        %and3A_508 = arith.constant -65536 : i32
        %and3A_509 = vector.broadcast %and3A_508 : i32 to vector<16xi32>
        %and3A_510 = arith.andi %gather3A_503, %and3A_509 : vector<16xi32>
        %bitcast3A_511 = vector.bitcast %and3A_510 : vector<16xi32> to vector<16xf32>
        %swap3A_512 = arith.constant 9 : i32
        %swap3A_513 = arith.index_cast %swap3A_512 : i32 to index
        %swap3A_514 = arith.index_cast %shift_right_arithmetic3A_268 : i32 to index
        %swap3A_515 = arith.index_cast %mul3A_273 : i32 to index
        %swap3A_516 = tpu.vector_load %arg11[%swap3A_513, %swap3A_514, %swap3A_515] {strides = array<i32>} : memref<16x16x128xf32, #tpu.memory_space<vmem>>, vector<16xf32>,
        tpu.vector_store %arg11[%swap3A_513, %swap3A_514, %swap3A_515], %bitcast3A_507 {strides = array<i32>} : memref<16x16x128xf32, #tpu.memory_space<vmem>>, vector<16xf32>,
        %add3A_517 = arith.constant 16 : i32
        %add3A_518 = arith.addi %mul3A_273, %add3A_517 : i32
        %swap3A_519 = arith.constant 9 : i32
        %swap3A_520 = arith.index_cast %swap3A_519 : i32 to index
        %swap3A_521 = arith.index_cast %shift_right_arithmetic3A_268 : i32 to index
        %swap3A_522 = arith.index_cast %add3A_518 : i32 to index
        %swap3A_523 = tpu.vector_load %arg11[%swap3A_520, %swap3A_521, %swap3A_522] {strides = array<i32>} : memref<16x16x128xf32, #tpu.memory_space<vmem>>, vector<16xf32>,
        tpu.vector_store %arg11[%swap3A_520, %swap3A_521, %swap3A_522], %bitcast3A_511 {strides = array<i32>} : memref<16x16x128xf32, #tpu.memory_space<vmem>>, vector<16xf32>,
        %slice3A_524 = vector.extract_strided_slice %mul3A_279 {offsets = [10], sizes = [1], strides = [1]} : vector<16xi32> to vector<1xi32>
        %squeeze3A_525 = vector.extract %slice3A_524[0] : i32 from vector<1xi32>
        %add3A_526 = vector.broadcast %squeeze3A_525 : i32 to vector<16xi32>
        %add3A_527 = arith.addi %add3A_526, %iota3A_147 : vector<16xi32>
        %gather3A_528 = tpu.vector_load_idx %arg12[%add3A_527] : memref<65536xi32, #tpu.memory_space<vmem>>[vector<16xi32>], vector<16xi32>,
        %shift_left3A_529 = arith.constant 16 : i32
        %shift_left3A_530 = vector.broadcast %shift_left3A_529 : i32 to vector<16xi32>
        %shift_left3A_531 = arith.shli %gather3A_528, %shift_left3A_530 : vector<16xi32>
        %bitcast3A_532 = vector.bitcast %shift_left3A_531 : vector<16xi32> to vector<16xf32>
        %and3A_533 = arith.constant -65536 : i32
        %and3A_534 = vector.broadcast %and3A_533 : i32 to vector<16xi32>
        %and3A_535 = arith.andi %gather3A_528, %and3A_534 : vector<16xi32>
        %bitcast3A_536 = vector.bitcast %and3A_535 : vector<16xi32> to vector<16xf32>
        %swap3A_537 = arith.constant 10 : i32
        %swap3A_538 = arith.index_cast %swap3A_537 : i32 to index
        %swap3A_539 = arith.index_cast %shift_right_arithmetic3A_268 : i32 to index
        %swap3A_540 = arith.index_cast %mul3A_273 : i32 to index
        %swap3A_541 = tpu.vector_load %arg11[%swap3A_538, %swap3A_539, %swap3A_540] {strides = array<i32>} : memref<16x16x128xf32, #tpu.memory_space<vmem>>, vector<16xf32>,
        tpu.vector_store %arg11[%swap3A_538, %swap3A_539, %swap3A_540], %bitcast3A_532 {strides = array<i32>} : memref<16x16x128xf32, #tpu.memory_space<vmem>>, vector<16xf32>,
        %add3A_542 = arith.constant 16 : i32
        %add3A_543 = arith.addi %mul3A_273, %add3A_542 : i32
        %swap3A_544 = arith.constant 10 : i32
        %swap3A_545 = arith.index_cast %swap3A_544 : i32 to index
        %swap3A_546 = arith.index_cast %shift_right_arithmetic3A_268 : i32 to index
        %swap3A_547 = arith.index_cast %add3A_543 : i32 to index
        %swap3A_548 = tpu.vector_load %arg11[%swap3A_545, %swap3A_546, %swap3A_547] {strides = array<i32>} : memref<16x16x128xf32, #tpu.memory_space<vmem>>, vector<16xf32>,
        tpu.vector_store %arg11[%swap3A_545, %swap3A_546, %swap3A_547], %bitcast3A_536 {strides = array<i32>} : memref<16x16x128xf32, #tpu.memory_space<vmem>>, vector<16xf32>,
        %slice3A_549 = vector.extract_strided_slice %mul3A_279 {offsets = [11], sizes = [1], strides = [1]} : vector<16xi32> to vector<1xi32>
        %squeeze3A_550 = vector.extract %slice3A_549[0] : i32 from vector<1xi32>
        %add3A_551 = vector.broadcast %squeeze3A_550 : i32 to vector<16xi32>
        %add3A_552 = arith.addi %add3A_551, %iota3A_147 : vector<16xi32>
        %gather3A_553 = tpu.vector_load_idx %arg12[%add3A_552] : memref<65536xi32, #tpu.memory_space<vmem>>[vector<16xi32>], vector<16xi32>,
        %shift_left3A_554 = arith.constant 16 : i32
        %shift_left3A_555 = vector.broadcast %shift_left3A_554 : i32 to vector<16xi32>
        %shift_left3A_556 = arith.shli %gather3A_553, %shift_left3A_555 : vector<16xi32>
        %bitcast3A_557 = vector.bitcast %shift_left3A_556 : vector<16xi32> to vector<16xf32>
        %and3A_558 = arith.constant -65536 : i32
        %and3A_559 = vector.broadcast %and3A_558 : i32 to vector<16xi32>
        %and3A_560 = arith.andi %gather3A_553, %and3A_559 : vector<16xi32>
        %bitcast3A_561 = vector.bitcast %and3A_560 : vector<16xi32> to vector<16xf32>
        %swap3A_562 = arith.constant 11 : i32
        %swap3A_563 = arith.index_cast %swap3A_562 : i32 to index
        %swap3A_564 = arith.index_cast %shift_right_arithmetic3A_268 : i32 to index
        %swap3A_565 = arith.index_cast %mul3A_273 : i32 to index
        %swap3A_566 = tpu.vector_load %arg11[%swap3A_563, %swap3A_564, %swap3A_565] {strides = array<i32>} : memref<16x16x128xf32, #tpu.memory_space<vmem>>, vector<16xf32>,
        tpu.vector_store %arg11[%swap3A_563, %swap3A_564, %swap3A_565], %bitcast3A_557 {strides = array<i32>} : memref<16x16x128xf32, #tpu.memory_space<vmem>>, vector<16xf32>,
        %add3A_567 = arith.constant 16 : i32
        %add3A_568 = arith.addi %mul3A_273, %add3A_567 : i32
        %swap3A_569 = arith.constant 11 : i32
        %swap3A_570 = arith.index_cast %swap3A_569 : i32 to index
        %swap3A_571 = arith.index_cast %shift_right_arithmetic3A_268 : i32 to index
        %swap3A_572 = arith.index_cast %add3A_568 : i32 to index
        %swap3A_573 = tpu.vector_load %arg11[%swap3A_570, %swap3A_571, %swap3A_572] {strides = array<i32>} : memref<16x16x128xf32, #tpu.memory_space<vmem>>, vector<16xf32>,
        tpu.vector_store %arg11[%swap3A_570, %swap3A_571, %swap3A_572], %bitcast3A_561 {strides = array<i32>} : memref<16x16x128xf32, #tpu.memory_space<vmem>>, vector<16xf32>,
        %slice3A_574 = vector.extract_strided_slice %mul3A_279 {offsets = [12], sizes = [1], strides = [1]} : vector<16xi32> to vector<1xi32>
        %squeeze3A_575 = vector.extract %slice3A_574[0] : i32 from vector<1xi32>
        %add3A_576 = vector.broadcast %squeeze3A_575 : i32 to vector<16xi32>
        %add3A_577 = arith.addi %add3A_576, %iota3A_147 : vector<16xi32>
        %gather3A_578 = tpu.vector_load_idx %arg12[%add3A_577] : memref<65536xi32, #tpu.memory_space<vmem>>[vector<16xi32>], vector<16xi32>,
        %shift_left3A_579 = arith.constant 16 : i32
        %shift_left3A_580 = vector.broadcast %shift_left3A_579 : i32 to vector<16xi32>
        %shift_left3A_581 = arith.shli %gather3A_578, %shift_left3A_580 : vector<16xi32>
        %bitcast3A_582 = vector.bitcast %shift_left3A_581 : vector<16xi32> to vector<16xf32>
        %and3A_583 = arith.constant -65536 : i32
        %and3A_584 = vector.broadcast %and3A_583 : i32 to vector<16xi32>
        %and3A_585 = arith.andi %gather3A_578, %and3A_584 : vector<16xi32>
        %bitcast3A_586 = vector.bitcast %and3A_585 : vector<16xi32> to vector<16xf32>
        %swap3A_587 = arith.constant 12 : i32
        %swap3A_588 = arith.index_cast %swap3A_587 : i32 to index
        %swap3A_589 = arith.index_cast %shift_right_arithmetic3A_268 : i32 to index
        %swap3A_590 = arith.index_cast %mul3A_273 : i32 to index
        %swap3A_591 = tpu.vector_load %arg11[%swap3A_588, %swap3A_589, %swap3A_590] {strides = array<i32>} : memref<16x16x128xf32, #tpu.memory_space<vmem>>, vector<16xf32>,
        tpu.vector_store %arg11[%swap3A_588, %swap3A_589, %swap3A_590], %bitcast3A_582 {strides = array<i32>} : memref<16x16x128xf32, #tpu.memory_space<vmem>>, vector<16xf32>,
        %add3A_592 = arith.constant 16 : i32
        %add3A_593 = arith.addi %mul3A_273, %add3A_592 : i32
        %swap3A_594 = arith.constant 12 : i32
        %swap3A_595 = arith.index_cast %swap3A_594 : i32 to index
        %swap3A_596 = arith.index_cast %shift_right_arithmetic3A_268 : i32 to index
        %swap3A_597 = arith.index_cast %add3A_593 : i32 to index
        %swap3A_598 = tpu.vector_load %arg11[%swap3A_595, %swap3A_596, %swap3A_597] {strides = array<i32>} : memref<16x16x128xf32, #tpu.memory_space<vmem>>, vector<16xf32>,
        tpu.vector_store %arg11[%swap3A_595, %swap3A_596, %swap3A_597], %bitcast3A_586 {strides = array<i32>} : memref<16x16x128xf32, #tpu.memory_space<vmem>>, vector<16xf32>,
        %slice3A_599 = vector.extract_strided_slice %mul3A_279 {offsets = [13], sizes = [1], strides = [1]} : vector<16xi32> to vector<1xi32>
        %squeeze3A_600 = vector.extract %slice3A_599[0] : i32 from vector<1xi32>
        %add3A_601 = vector.broadcast %squeeze3A_600 : i32 to vector<16xi32>
        %add3A_602 = arith.addi %add3A_601, %iota3A_147 : vector<16xi32>
        %gather3A_603 = tpu.vector_load_idx %arg12[%add3A_602] : memref<65536xi32, #tpu.memory_space<vmem>>[vector<16xi32>], vector<16xi32>,
        %shift_left3A_604 = arith.constant 16 : i32
        %shift_left3A_605 = vector.broadcast %shift_left3A_604 : i32 to vector<16xi32>
        %shift_left3A_606 = arith.shli %gather3A_603, %shift_left3A_605 : vector<16xi32>
        %bitcast3A_607 = vector.bitcast %shift_left3A_606 : vector<16xi32> to vector<16xf32>
        %and3A_608 = arith.constant -65536 : i32
        %and3A_609 = vector.broadcast %and3A_608 : i32 to vector<16xi32>
        %and3A_610 = arith.andi %gather3A_603, %and3A_609 : vector<16xi32>
        %bitcast3A_611 = vector.bitcast %and3A_610 : vector<16xi32> to vector<16xf32>
        %swap3A_612 = arith.constant 13 : i32
        %swap3A_613 = arith.index_cast %swap3A_612 : i32 to index
        %swap3A_614 = arith.index_cast %shift_right_arithmetic3A_268 : i32 to index
        %swap3A_615 = arith.index_cast %mul3A_273 : i32 to index
        %swap3A_616 = tpu.vector_load %arg11[%swap3A_613, %swap3A_614, %swap3A_615] {strides = array<i32>} : memref<16x16x128xf32, #tpu.memory_space<vmem>>, vector<16xf32>,
        tpu.vector_store %arg11[%swap3A_613, %swap3A_614, %swap3A_615], %bitcast3A_607 {strides = array<i32>} : memref<16x16x128xf32, #tpu.memory_space<vmem>>, vector<16xf32>,
        %add3A_617 = arith.constant 16 : i32
        %add3A_618 = arith.addi %mul3A_273, %add3A_617 : i32
        %swap3A_619 = arith.constant 13 : i32
        %swap3A_620 = arith.index_cast %swap3A_619 : i32 to index
        %swap3A_621 = arith.index_cast %shift_right_arithmetic3A_268 : i32 to index
        %swap3A_622 = arith.index_cast %add3A_618 : i32 to index
        %swap3A_623 = tpu.vector_load %arg11[%swap3A_620, %swap3A_621, %swap3A_622] {strides = array<i32>} : memref<16x16x128xf32, #tpu.memory_space<vmem>>, vector<16xf32>,
        tpu.vector_store %arg11[%swap3A_620, %swap3A_621, %swap3A_622], %bitcast3A_611 {strides = array<i32>} : memref<16x16x128xf32, #tpu.memory_space<vmem>>, vector<16xf32>,
        %slice3A_624 = vector.extract_strided_slice %mul3A_279 {offsets = [14], sizes = [1], strides = [1]} : vector<16xi32> to vector<1xi32>
        %squeeze3A_625 = vector.extract %slice3A_624[0] : i32 from vector<1xi32>
        %add3A_626 = vector.broadcast %squeeze3A_625 : i32 to vector<16xi32>
        %add3A_627 = arith.addi %add3A_626, %iota3A_147 : vector<16xi32>
        %gather3A_628 = tpu.vector_load_idx %arg12[%add3A_627] : memref<65536xi32, #tpu.memory_space<vmem>>[vector<16xi32>], vector<16xi32>,
        %shift_left3A_629 = arith.constant 16 : i32
        %shift_left3A_630 = vector.broadcast %shift_left3A_629 : i32 to vector<16xi32>
        %shift_left3A_631 = arith.shli %gather3A_628, %shift_left3A_630 : vector<16xi32>
        %bitcast3A_632 = vector.bitcast %shift_left3A_631 : vector<16xi32> to vector<16xf32>
        %and3A_633 = arith.constant -65536 : i32
        %and3A_634 = vector.broadcast %and3A_633 : i32 to vector<16xi32>
        %and3A_635 = arith.andi %gather3A_628, %and3A_634 : vector<16xi32>
        %bitcast3A_636 = vector.bitcast %and3A_635 : vector<16xi32> to vector<16xf32>
        %swap3A_637 = arith.constant 14 : i32
        %swap3A_638 = arith.index_cast %swap3A_637 : i32 to index
        %swap3A_639 = arith.index_cast %shift_right_arithmetic3A_268 : i32 to index
        %swap3A_640 = arith.index_cast %mul3A_273 : i32 to index
        %swap3A_641 = tpu.vector_load %arg11[%swap3A_638, %swap3A_639, %swap3A_640] {strides = array<i32>} : memref<16x16x128xf32, #tpu.memory_space<vmem>>, vector<16xf32>,
        tpu.vector_store %arg11[%swap3A_638, %swap3A_639, %swap3A_640], %bitcast3A_632 {strides = array<i32>} : memref<16x16x128xf32, #tpu.memory_space<vmem>>, vector<16xf32>,
        %add3A_642 = arith.constant 16 : i32
        %add3A_643 = arith.addi %mul3A_273, %add3A_642 : i32
        %swap3A_644 = arith.constant 14 : i32
        %swap3A_645 = arith.index_cast %swap3A_644 : i32 to index
        %swap3A_646 = arith.index_cast %shift_right_arithmetic3A_268 : i32 to index
        %swap3A_647 = arith.index_cast %add3A_643 : i32 to index
        %swap3A_648 = tpu.vector_load %arg11[%swap3A_645, %swap3A_646, %swap3A_647] {strides = array<i32>} : memref<16x16x128xf32, #tpu.memory_space<vmem>>, vector<16xf32>,
        tpu.vector_store %arg11[%swap3A_645, %swap3A_646, %swap3A_647], %bitcast3A_636 {strides = array<i32>} : memref<16x16x128xf32, #tpu.memory_space<vmem>>, vector<16xf32>,
        %slice3A_649 = vector.extract_strided_slice %mul3A_279 {offsets = [15], sizes = [1], strides = [1]} : vector<16xi32> to vector<1xi32>
        %squeeze3A_650 = vector.extract %slice3A_649[0] : i32 from vector<1xi32>
        %add3A_651 = vector.broadcast %squeeze3A_650 : i32 to vector<16xi32>
        %add3A_652 = arith.addi %add3A_651, %iota3A_147 : vector<16xi32>
        %gather3A_653 = tpu.vector_load_idx %arg12[%add3A_652] : memref<65536xi32, #tpu.memory_space<vmem>>[vector<16xi32>], vector<16xi32>,
        %shift_left3A_654 = arith.constant 16 : i32
        %shift_left3A_655 = vector.broadcast %shift_left3A_654 : i32 to vector<16xi32>
        %shift_left3A_656 = arith.shli %gather3A_653, %shift_left3A_655 : vector<16xi32>
        %bitcast3A_657 = vector.bitcast %shift_left3A_656 : vector<16xi32> to vector<16xf32>
        %and3A_658 = arith.constant -65536 : i32
        %and3A_659 = vector.broadcast %and3A_658 : i32 to vector<16xi32>
        %and3A_660 = arith.andi %gather3A_653, %and3A_659 : vector<16xi32>
        %bitcast3A_661 = vector.bitcast %and3A_660 : vector<16xi32> to vector<16xf32>
        %swap3A_662 = arith.constant 15 : i32
        %swap3A_663 = arith.index_cast %swap3A_662 : i32 to index
        %swap3A_664 = arith.index_cast %shift_right_arithmetic3A_268 : i32 to index
        %swap3A_665 = arith.index_cast %mul3A_273 : i32 to index
        %swap3A_666 = tpu.vector_load %arg11[%swap3A_663, %swap3A_664, %swap3A_665] {strides = array<i32>} : memref<16x16x128xf32, #tpu.memory_space<vmem>>, vector<16xf32>,
        tpu.vector_store %arg11[%swap3A_663, %swap3A_664, %swap3A_665], %bitcast3A_657 {strides = array<i32>} : memref<16x16x128xf32, #tpu.memory_space<vmem>>, vector<16xf32>,
        %add3A_667 = arith.constant 16 : i32
        %add3A_668 = arith.addi %mul3A_273, %add3A_667 : i32
        %swap3A_669 = arith.constant 15 : i32
        %swap3A_670 = arith.index_cast %swap3A_669 : i32 to index
        %swap3A_671 = arith.index_cast %shift_right_arithmetic3A_268 : i32 to index
        %swap3A_672 = arith.index_cast %add3A_668 : i32 to index
        %swap3A_673 = tpu.vector_load %arg11[%swap3A_670, %swap3A_671, %swap3A_672] {strides = array<i32>} : memref<16x16x128xf32, #tpu.memory_space<vmem>>, vector<16xf32>,
        tpu.vector_store %arg11[%swap3A_670, %swap3A_671, %swap3A_672], %bitcast3A_661 {strides = array<i32>} : memref<16x16x128xf32, #tpu.memory_space<vmem>>, vector<16xf32>,
      }
      %scan3A_176 = arith.constant 24 : i32
      %jit3A_177 = arith.constant 3 : i32
      %div3A_178 = arith.divsi %add3A_146, %jit3A_177 : i32
      %sign3A_179 = arith.constant 0 : i32
      %sign3A_180 = arith.cmpi sgt, %add3A_146, %sign3A_179 : i32
      %sign3A_181 = arith.extui %sign3A_180 : i1 to i32
      %sign3A_182 = arith.constant 0 : i32
      %sign3A_183 = arith.cmpi slt, %add3A_146, %sign3A_182 : i32
      %sign3A_184 = arith.extui %sign3A_183 : i1 to i32
      %sign3A_185 = arith.subi %sign3A_181, %sign3A_184 : i32
      %sign3A_186 = arith.constant 0 : i32
      %sign3A_187 = arith.cmpi sgt, %jit3A_177, %sign3A_186 : i32
      %sign3A_188 = arith.extui %sign3A_187 : i1 to i32
      %sign3A_189 = arith.constant 0 : i32
      %sign3A_190 = arith.cmpi slt, %jit3A_177, %sign3A_189 : i32
      %sign3A_191 = arith.extui %sign3A_190 : i1 to i32
      %sign3A_192 = arith.subi %sign3A_188, %sign3A_191 : i32
      %ne3A_193 = arith.cmpi ne, %sign3A_185, %sign3A_192 : i32
      %rem3A_194 = arith.remsi %add3A_146, %jit3A_177 : i32
      %ne3A_195 = arith.constant 0 : i32
      %ne3A_196 = arith.cmpi ne, %rem3A_194, %ne3A_195 : i32
      %and3A_197 = arith.andi %ne3A_193, %ne3A_196 : i1
      %sub3A_198 = arith.constant 1 : i32
      %sub3A_199 = arith.subi %div3A_178, %sub3A_198 : i32
      %select_n3A_200 = arith.select %and3A_197, %sub3A_199, %div3A_178 : i32
      %add3A_201 = arith.constant 0 : i32
      %add3A_202 = arith.addi %select_n3A_200, %add3A_201 : i32
      %dma_start3A_203 = arith.constant 0 : i32
      %dma_start3A_204 = arith.constant 0 : i32
      %dma_start3A_205 = arith.constant 0 : i32
      %dma_start3A_206 = tpu.memref_slice %arg11[%dma_start3A_203, %dma_start3A_204, %dma_start3A_205] : memref<16x16x128xf32, #tpu.memory_space<vmem>> -> memref<16x8x128xf32, #tpu.memory_space<vmem>>
      %dma_start3A_207 = arith.constant 0 : i32
      %dma_start3A_208 = arith.constant 0 : i32
      %dma_start3A_209 = tpu.memref_slice %arg6[%dma_start3A_207, %add3A_202, %dma_start3A_208] : memref<16x17408x128xf32, #tpu.memory_space<hbm>> -> memref<16x8x128xf32, #tpu.memory_space<hbm>>
      %dma_start3A_210 = arith.constant 0 : i32
      %dma_start3A_211 = arith.constant 0 : i32
      %dma_start3A_212 = tpu.memref_slice %arg6[%dma_start3A_210, %add3A_202, %dma_start3A_211] : memref<16x17408x128xf32, #tpu.memory_space<hbm>> -> memref<16x8x128xf32, #tpu.memory_space<hbm>>
      %dma_start3A_213 = arith.constant 0 : i32
      %dma_start3A_214 = arith.constant 0 : i32
      %dma_start3A_215 = arith.constant 0 : i32
      %dma_start3A_216 = tpu.memref_slice %arg11[%dma_start3A_213, %dma_start3A_214, %dma_start3A_215] : memref<16x16x128xf32, #tpu.memory_space<vmem>> -> memref<16x8x128xf32, #tpu.memory_space<vmem>>
      tpu.enqueue_dma source(%dma_start3A_216 : memref<16x8x128xf32, #tpu.memory_space<vmem>>) target(%dma_start3A_212 : memref<16x8x128xf32, #tpu.memory_space<hbm>>) target_semaphore(%arg15 : memref<!tpu.dma_semaphore, #tpu.memory_space<semaphore_mem>>)
      %scan3A_217 = arith.constant 0 : i32
      %scan3A_218 = arith.constant 0 : i32
      %scan3A_219 = arith.constant 24 : i32
      %scan3A_220 = arith.addi %scan3A_218, %scan3A_219 : i32
      %scan3A_221 = arith.constant 1 : i32
      scf.for %scan3A_263 = %scan3A_218 to %scan3A_220 step %scan3A_221  : i32 {
        %add3A_264 = arith.constant 24 : i32
        %add3A_265 = arith.addi %add3A_264, %scan3A_263 : i32
        %mul3A_266 = arith.constant 21846 : i32
        %mul3A_267 = arith.muli %add3A_265, %mul3A_266 : i32
        %shift_right_arithmetic3A = arith.constant 16 : i32
        %shift_right_arithmetic3A_268 = arith.shrsi %mul3A_267, %shift_right_arithmetic3A : i32
        %mul3A_269 = arith.constant 3 : i32
        %mul3A_270 = arith.muli %mul3A_269, %shift_right_arithmetic3A_268 : i32
        %sub3A_271 = arith.subi %add3A_265, %mul3A_270 : i32
        %mul3A_272 = arith.constant 32 : i32
        %mul3A_273 = arith.muli %mul3A_272, %sub3A_271 : i32
        %mul3A_274 = arith.constant 16 : i32
        %mul3A_275 = arith.muli %add3A_265, %mul3A_274 : i32
        %get3A = arith.index_cast %mul3A_275 : i32 to index
        %get3A_276 = tpu.vector_load %arg9[%get3A] {strides = array<i32>} : memref<768xi32, #tpu.memory_space<vmem>>, vector<16xi32>,
        %mul3A_277 = arith.constant 16 : i32
        %mul3A_278 = vector.broadcast %mul3A_277 : i32 to vector<16xi32>
        %mul3A_279 = arith.muli %get3A_276, %mul3A_278 : vector<16xi32>
        %slice3A = vector.extract_strided_slice %mul3A_279 {offsets = [0], sizes = [1], strides = [1]} : vector<16xi32> to vector<1xi32>
        %squeeze3A = vector.extract %slice3A[0] : i32 from vector<1xi32>
        %add3A_280 = vector.broadcast %squeeze3A : i32 to vector<16xi32>
        %add3A_281 = arith.addi %add3A_280, %iota3A_147 : vector<16xi32>
        %gather3A = tpu.vector_load_idx %arg12[%add3A_281] : memref<65536xi32, #tpu.memory_space<vmem>>[vector<16xi32>], vector<16xi32>,
        %shift_left3A = arith.constant 16 : i32
        %shift_left3A_282 = vector.broadcast %shift_left3A : i32 to vector<16xi32>
        %shift_left3A_283 = arith.shli %gather3A, %shift_left3A_282 : vector<16xi32>
        %bitcast3A = vector.bitcast %shift_left3A_283 : vector<16xi32> to vector<16xf32>
        %and3A_284 = arith.constant -65536 : i32
        %and3A_285 = vector.broadcast %and3A_284 : i32 to vector<16xi32>
        %and3A_286 = arith.andi %gather3A, %and3A_285 : vector<16xi32>
        %bitcast3A_287 = vector.bitcast %and3A_286 : vector<16xi32> to vector<16xf32>
        %swap3A = arith.constant 0 : i32
        %swap3A_288 = arith.index_cast %swap3A : i32 to index
        %swap3A_289 = arith.index_cast %shift_right_arithmetic3A_268 : i32 to index
        %swap3A_290 = arith.index_cast %mul3A_273 : i32 to index
        %swap3A_291 = tpu.vector_load %arg11[%swap3A_288, %swap3A_289, %swap3A_290] {strides = array<i32>} : memref<16x16x128xf32, #tpu.memory_space<vmem>>, vector<16xf32>,
        tpu.vector_store %arg11[%swap3A_288, %swap3A_289, %swap3A_290], %bitcast3A {strides = array<i32>} : memref<16x16x128xf32, #tpu.memory_space<vmem>>, vector<16xf32>,
        %add3A_292 = arith.constant 16 : i32
        %add3A_293 = arith.addi %mul3A_273, %add3A_292 : i32
        %swap3A_294 = arith.constant 0 : i32
        %swap3A_295 = arith.index_cast %swap3A_294 : i32 to index
        %swap3A_296 = arith.index_cast %shift_right_arithmetic3A_268 : i32 to index
        %swap3A_297 = arith.index_cast %add3A_293 : i32 to index
        %swap3A_298 = tpu.vector_load %arg11[%swap3A_295, %swap3A_296, %swap3A_297] {strides = array<i32>} : memref<16x16x128xf32, #tpu.memory_space<vmem>>, vector<16xf32>,
        tpu.vector_store %arg11[%swap3A_295, %swap3A_296, %swap3A_297], %bitcast3A_287 {strides = array<i32>} : memref<16x16x128xf32, #tpu.memory_space<vmem>>, vector<16xf32>,
        %slice3A_299 = vector.extract_strided_slice %mul3A_279 {offsets = [1], sizes = [1], strides = [1]} : vector<16xi32> to vector<1xi32>
        %squeeze3A_300 = vector.extract %slice3A_299[0] : i32 from vector<1xi32>
        %add3A_301 = vector.broadcast %squeeze3A_300 : i32 to vector<16xi32>
        %add3A_302 = arith.addi %add3A_301, %iota3A_147 : vector<16xi32>
        %gather3A_303 = tpu.vector_load_idx %arg12[%add3A_302] : memref<65536xi32, #tpu.memory_space<vmem>>[vector<16xi32>], vector<16xi32>,
        %shift_left3A_304 = arith.constant 16 : i32
        %shift_left3A_305 = vector.broadcast %shift_left3A_304 : i32 to vector<16xi32>
        %shift_left3A_306 = arith.shli %gather3A_303, %shift_left3A_305 : vector<16xi32>
        %bitcast3A_307 = vector.bitcast %shift_left3A_306 : vector<16xi32> to vector<16xf32>
        %and3A_308 = arith.constant -65536 : i32
        %and3A_309 = vector.broadcast %and3A_308 : i32 to vector<16xi32>
        %and3A_310 = arith.andi %gather3A_303, %and3A_309 : vector<16xi32>
        %bitcast3A_311 = vector.bitcast %and3A_310 : vector<16xi32> to vector<16xf32>
        %swap3A_312 = arith.constant 1 : i32
        %swap3A_313 = arith.index_cast %swap3A_312 : i32 to index
        %swap3A_314 = arith.index_cast %shift_right_arithmetic3A_268 : i32 to index
        %swap3A_315 = arith.index_cast %mul3A_273 : i32 to index
        %swap3A_316 = tpu.vector_load %arg11[%swap3A_313, %swap3A_314, %swap3A_315] {strides = array<i32>} : memref<16x16x128xf32, #tpu.memory_space<vmem>>, vector<16xf32>,
        tpu.vector_store %arg11[%swap3A_313, %swap3A_314, %swap3A_315], %bitcast3A_307 {strides = array<i32>} : memref<16x16x128xf32, #tpu.memory_space<vmem>>, vector<16xf32>,
        %add3A_317 = arith.constant 16 : i32
        %add3A_318 = arith.addi %mul3A_273, %add3A_317 : i32
        %swap3A_319 = arith.constant 1 : i32
        %swap3A_320 = arith.index_cast %swap3A_319 : i32 to index
        %swap3A_321 = arith.index_cast %shift_right_arithmetic3A_268 : i32 to index
        %swap3A_322 = arith.index_cast %add3A_318 : i32 to index
        %swap3A_323 = tpu.vector_load %arg11[%swap3A_320, %swap3A_321, %swap3A_322] {strides = array<i32>} : memref<16x16x128xf32, #tpu.memory_space<vmem>>, vector<16xf32>,
        tpu.vector_store %arg11[%swap3A_320, %swap3A_321, %swap3A_322], %bitcast3A_311 {strides = array<i32>} : memref<16x16x128xf32, #tpu.memory_space<vmem>>, vector<16xf32>,
        %slice3A_324 = vector.extract_strided_slice %mul3A_279 {offsets = [2], sizes = [1], strides = [1]} : vector<16xi32> to vector<1xi32>
        %squeeze3A_325 = vector.extract %slice3A_324[0] : i32 from vector<1xi32>
        %add3A_326 = vector.broadcast %squeeze3A_325 : i32 to vector<16xi32>
        %add3A_327 = arith.addi %add3A_326, %iota3A_147 : vector<16xi32>
        %gather3A_328 = tpu.vector_load_idx %arg12[%add3A_327] : memref<65536xi32, #tpu.memory_space<vmem>>[vector<16xi32>], vector<16xi32>,
        %shift_left3A_329 = arith.constant 16 : i32
        %shift_left3A_330 = vector.broadcast %shift_left3A_329 : i32 to vector<16xi32>
        %shift_left3A_331 = arith.shli %gather3A_328, %shift_left3A_330 : vector<16xi32>
        %bitcast3A_332 = vector.bitcast %shift_left3A_331 : vector<16xi32> to vector<16xf32>
        %and3A_333 = arith.constant -65536 : i32
        %and3A_334 = vector.broadcast %and3A_333 : i32 to vector<16xi32>
        %and3A_335 = arith.andi %gather3A_328, %and3A_334 : vector<16xi32>
        %bitcast3A_336 = vector.bitcast %and3A_335 : vector<16xi32> to vector<16xf32>
        %swap3A_337 = arith.constant 2 : i32
        %swap3A_338 = arith.index_cast %swap3A_337 : i32 to index
        %swap3A_339 = arith.index_cast %shift_right_arithmetic3A_268 : i32 to index
        %swap3A_340 = arith.index_cast %mul3A_273 : i32 to index
        %swap3A_341 = tpu.vector_load %arg11[%swap3A_338, %swap3A_339, %swap3A_340] {strides = array<i32>} : memref<16x16x128xf32, #tpu.memory_space<vmem>>, vector<16xf32>,
        tpu.vector_store %arg11[%swap3A_338, %swap3A_339, %swap3A_340], %bitcast3A_332 {strides = array<i32>} : memref<16x16x128xf32, #tpu.memory_space<vmem>>, vector<16xf32>,
        %add3A_342 = arith.constant 16 : i32
        %add3A_343 = arith.addi %mul3A_273, %add3A_342 : i32
        %swap3A_344 = arith.constant 2 : i32
        %swap3A_345 = arith.index_cast %swap3A_344 : i32 to index
        %swap3A_346 = arith.index_cast %shift_right_arithmetic3A_268 : i32 to index
        %swap3A_347 = arith.index_cast %add3A_343 : i32 to index
        %swap3A_348 = tpu.vector_load %arg11[%swap3A_345, %swap3A_346, %swap3A_347] {strides = array<i32>} : memref<16x16x128xf32, #tpu.memory_space<vmem>>, vector<16xf32>,
        tpu.vector_store %arg11[%swap3A_345, %swap3A_346, %swap3A_347], %bitcast3A_336 {strides = array<i32>} : memref<16x16x128xf32, #tpu.memory_space<vmem>>, vector<16xf32>,
        %slice3A_349 = vector.extract_strided_slice %mul3A_279 {offsets = [3], sizes = [1], strides = [1]} : vector<16xi32> to vector<1xi32>
        %squeeze3A_350 = vector.extract %slice3A_349[0] : i32 from vector<1xi32>
        %add3A_351 = vector.broadcast %squeeze3A_350 : i32 to vector<16xi32>
        %add3A_352 = arith.addi %add3A_351, %iota3A_147 : vector<16xi32>
        %gather3A_353 = tpu.vector_load_idx %arg12[%add3A_352] : memref<65536xi32, #tpu.memory_space<vmem>>[vector<16xi32>], vector<16xi32>,
        %shift_left3A_354 = arith.constant 16 : i32
        %shift_left3A_355 = vector.broadcast %shift_left3A_354 : i32 to vector<16xi32>
        %shift_left3A_356 = arith.shli %gather3A_353, %shift_left3A_355 : vector<16xi32>
        %bitcast3A_357 = vector.bitcast %shift_left3A_356 : vector<16xi32> to vector<16xf32>
        %and3A_358 = arith.constant -65536 : i32
        %and3A_359 = vector.broadcast %and3A_358 : i32 to vector<16xi32>
        %and3A_360 = arith.andi %gather3A_353, %and3A_359 : vector<16xi32>
        %bitcast3A_361 = vector.bitcast %and3A_360 : vector<16xi32> to vector<16xf32>
        %swap3A_362 = arith.constant 3 : i32
        %swap3A_363 = arith.index_cast %swap3A_362 : i32 to index
        %swap3A_364 = arith.index_cast %shift_right_arithmetic3A_268 : i32 to index
        %swap3A_365 = arith.index_cast %mul3A_273 : i32 to index
        %swap3A_366 = tpu.vector_load %arg11[%swap3A_363, %swap3A_364, %swap3A_365] {strides = array<i32>} : memref<16x16x128xf32, #tpu.memory_space<vmem>>, vector<16xf32>,
        tpu.vector_store %arg11[%swap3A_363, %swap3A_364, %swap3A_365], %bitcast3A_357 {strides = array<i32>} : memref<16x16x128xf32, #tpu.memory_space<vmem>>, vector<16xf32>,
        %add3A_367 = arith.constant 16 : i32
        %add3A_368 = arith.addi %mul3A_273, %add3A_367 : i32
        %swap3A_369 = arith.constant 3 : i32
        %swap3A_370 = arith.index_cast %swap3A_369 : i32 to index
        %swap3A_371 = arith.index_cast %shift_right_arithmetic3A_268 : i32 to index
        %swap3A_372 = arith.index_cast %add3A_368 : i32 to index
        %swap3A_373 = tpu.vector_load %arg11[%swap3A_370, %swap3A_371, %swap3A_372] {strides = array<i32>} : memref<16x16x128xf32, #tpu.memory_space<vmem>>, vector<16xf32>,
        tpu.vector_store %arg11[%swap3A_370, %swap3A_371, %swap3A_372], %bitcast3A_361 {strides = array<i32>} : memref<16x16x128xf32, #tpu.memory_space<vmem>>, vector<16xf32>,
        %slice3A_374 = vector.extract_strided_slice %mul3A_279 {offsets = [4], sizes = [1], strides = [1]} : vector<16xi32> to vector<1xi32>
        %squeeze3A_375 = vector.extract %slice3A_374[0] : i32 from vector<1xi32>
        %add3A_376 = vector.broadcast %squeeze3A_375 : i32 to vector<16xi32>
        %add3A_377 = arith.addi %add3A_376, %iota3A_147 : vector<16xi32>
        %gather3A_378 = tpu.vector_load_idx %arg12[%add3A_377] : memref<65536xi32, #tpu.memory_space<vmem>>[vector<16xi32>], vector<16xi32>,
        %shift_left3A_379 = arith.constant 16 : i32
        %shift_left3A_380 = vector.broadcast %shift_left3A_379 : i32 to vector<16xi32>
        %shift_left3A_381 = arith.shli %gather3A_378, %shift_left3A_380 : vector<16xi32>
        %bitcast3A_382 = vector.bitcast %shift_left3A_381 : vector<16xi32> to vector<16xf32>
        %and3A_383 = arith.constant -65536 : i32
        %and3A_384 = vector.broadcast %and3A_383 : i32 to vector<16xi32>
        %and3A_385 = arith.andi %gather3A_378, %and3A_384 : vector<16xi32>
        %bitcast3A_386 = vector.bitcast %and3A_385 : vector<16xi32> to vector<16xf32>
        %swap3A_387 = arith.constant 4 : i32
        %swap3A_388 = arith.index_cast %swap3A_387 : i32 to index
        %swap3A_389 = arith.index_cast %shift_right_arithmetic3A_268 : i32 to index
        %swap3A_390 = arith.index_cast %mul3A_273 : i32 to index
        %swap3A_391 = tpu.vector_load %arg11[%swap3A_388, %swap3A_389, %swap3A_390] {strides = array<i32>} : memref<16x16x128xf32, #tpu.memory_space<vmem>>, vector<16xf32>,
        tpu.vector_store %arg11[%swap3A_388, %swap3A_389, %swap3A_390], %bitcast3A_382 {strides = array<i32>} : memref<16x16x128xf32, #tpu.memory_space<vmem>>, vector<16xf32>,
        %add3A_392 = arith.constant 16 : i32
        %add3A_393 = arith.addi %mul3A_273, %add3A_392 : i32
        %swap3A_394 = arith.constant 4 : i32
        %swap3A_395 = arith.index_cast %swap3A_394 : i32 to index
        %swap3A_396 = arith.index_cast %shift_right_arithmetic3A_268 : i32 to index
        %swap3A_397 = arith.index_cast %add3A_393 : i32 to index
        %swap3A_398 = tpu.vector_load %arg11[%swap3A_395, %swap3A_396, %swap3A_397] {strides = array<i32>} : memref<16x16x128xf32, #tpu.memory_space<vmem>>, vector<16xf32>,
        tpu.vector_store %arg11[%swap3A_395, %swap3A_396, %swap3A_397], %bitcast3A_386 {strides = array<i32>} : memref<16x16x128xf32, #tpu.memory_space<vmem>>, vector<16xf32>,
        %slice3A_399 = vector.extract_strided_slice %mul3A_279 {offsets = [5], sizes = [1], strides = [1]} : vector<16xi32> to vector<1xi32>
        %squeeze3A_400 = vector.extract %slice3A_399[0] : i32 from vector<1xi32>
        %add3A_401 = vector.broadcast %squeeze3A_400 : i32 to vector<16xi32>
        %add3A_402 = arith.addi %add3A_401, %iota3A_147 : vector<16xi32>
        %gather3A_403 = tpu.vector_load_idx %arg12[%add3A_402] : memref<65536xi32, #tpu.memory_space<vmem>>[vector<16xi32>], vector<16xi32>,
        %shift_left3A_404 = arith.constant 16 : i32
        %shift_left3A_405 = vector.broadcast %shift_left3A_404 : i32 to vector<16xi32>
        %shift_left3A_406 = arith.shli %gather3A_403, %shift_left3A_405 : vector<16xi32>
        %bitcast3A_407 = vector.bitcast %shift_left3A_406 : vector<16xi32> to vector<16xf32>
        %and3A_408 = arith.constant -65536 : i32
        %and3A_409 = vector.broadcast %and3A_408 : i32 to vector<16xi32>
        %and3A_410 = arith.andi %gather3A_403, %and3A_409 : vector<16xi32>
        %bitcast3A_411 = vector.bitcast %and3A_410 : vector<16xi32> to vector<16xf32>
        %swap3A_412 = arith.constant 5 : i32
        %swap3A_413 = arith.index_cast %swap3A_412 : i32 to index
        %swap3A_414 = arith.index_cast %shift_right_arithmetic3A_268 : i32 to index
        %swap3A_415 = arith.index_cast %mul3A_273 : i32 to index
        %swap3A_416 = tpu.vector_load %arg11[%swap3A_413, %swap3A_414, %swap3A_415] {strides = array<i32>} : memref<16x16x128xf32, #tpu.memory_space<vmem>>, vector<16xf32>,
        tpu.vector_store %arg11[%swap3A_413, %swap3A_414, %swap3A_415], %bitcast3A_407 {strides = array<i32>} : memref<16x16x128xf32, #tpu.memory_space<vmem>>, vector<16xf32>,
        %add3A_417 = arith.constant 16 : i32
        %add3A_418 = arith.addi %mul3A_273, %add3A_417 : i32
        %swap3A_419 = arith.constant 5 : i32
        %swap3A_420 = arith.index_cast %swap3A_419 : i32 to index
        %swap3A_421 = arith.index_cast %shift_right_arithmetic3A_268 : i32 to index
        %swap3A_422 = arith.index_cast %add3A_418 : i32 to index
        %swap3A_423 = tpu.vector_load %arg11[%swap3A_420, %swap3A_421, %swap3A_422] {strides = array<i32>} : memref<16x16x128xf32, #tpu.memory_space<vmem>>, vector<16xf32>,
        tpu.vector_store %arg11[%swap3A_420, %swap3A_421, %swap3A_422], %bitcast3A_411 {strides = array<i32>} : memref<16x16x128xf32, #tpu.memory_space<vmem>>, vector<16xf32>,
        %slice3A_424 = vector.extract_strided_slice %mul3A_279 {offsets = [6], sizes = [1], strides = [1]} : vector<16xi32> to vector<1xi32>
        %squeeze3A_425 = vector.extract %slice3A_424[0] : i32 from vector<1xi32>
        %add3A_426 = vector.broadcast %squeeze3A_425 : i32 to vector<16xi32>
        %add3A_427 = arith.addi %add3A_426, %iota3A_147 : vector<16xi32>
        %gather3A_428 = tpu.vector_load_idx %arg12[%add3A_427] : memref<65536xi32, #tpu.memory_space<vmem>>[vector<16xi32>], vector<16xi32>,
        %shift_left3A_429 = arith.constant 16 : i32
        %shift_left3A_430 = vector.broadcast %shift_left3A_429 : i32 to vector<16xi32>
        %shift_left3A_431 = arith.shli %gather3A_428, %shift_left3A_430 : vector<16xi32>
        %bitcast3A_432 = vector.bitcast %shift_left3A_431 : vector<16xi32> to vector<16xf32>
        %and3A_433 = arith.constant -65536 : i32
        %and3A_434 = vector.broadcast %and3A_433 : i32 to vector<16xi32>
        %and3A_435 = arith.andi %gather3A_428, %and3A_434 : vector<16xi32>
        %bitcast3A_436 = vector.bitcast %and3A_435 : vector<16xi32> to vector<16xf32>
        %swap3A_437 = arith.constant 6 : i32
        %swap3A_438 = arith.index_cast %swap3A_437 : i32 to index
        %swap3A_439 = arith.index_cast %shift_right_arithmetic3A_268 : i32 to index
        %swap3A_440 = arith.index_cast %mul3A_273 : i32 to index
        %swap3A_441 = tpu.vector_load %arg11[%swap3A_438, %swap3A_439, %swap3A_440] {strides = array<i32>} : memref<16x16x128xf32, #tpu.memory_space<vmem>>, vector<16xf32>,
        tpu.vector_store %arg11[%swap3A_438, %swap3A_439, %swap3A_440], %bitcast3A_432 {strides = array<i32>} : memref<16x16x128xf32, #tpu.memory_space<vmem>>, vector<16xf32>,
        %add3A_442 = arith.constant 16 : i32
        %add3A_443 = arith.addi %mul3A_273, %add3A_442 : i32
        %swap3A_444 = arith.constant 6 : i32
        %swap3A_445 = arith.index_cast %swap3A_444 : i32 to index
        %swap3A_446 = arith.index_cast %shift_right_arithmetic3A_268 : i32 to index
        %swap3A_447 = arith.index_cast %add3A_443 : i32 to index
        %swap3A_448 = tpu.vector_load %arg11[%swap3A_445, %swap3A_446, %swap3A_447] {strides = array<i32>} : memref<16x16x128xf32, #tpu.memory_space<vmem>>, vector<16xf32>,
        tpu.vector_store %arg11[%swap3A_445, %swap3A_446, %swap3A_447], %bitcast3A_436 {strides = array<i32>} : memref<16x16x128xf32, #tpu.memory_space<vmem>>, vector<16xf32>,
        %slice3A_449 = vector.extract_strided_slice %mul3A_279 {offsets = [7], sizes = [1], strides = [1]} : vector<16xi32> to vector<1xi32>
        %squeeze3A_450 = vector.extract %slice3A_449[0] : i32 from vector<1xi32>
        %add3A_451 = vector.broadcast %squeeze3A_450 : i32 to vector<16xi32>
        %add3A_452 = arith.addi %add3A_451, %iota3A_147 : vector<16xi32>
        %gather3A_453 = tpu.vector_load_idx %arg12[%add3A_452] : memref<65536xi32, #tpu.memory_space<vmem>>[vector<16xi32>], vector<16xi32>,
        %shift_left3A_454 = arith.constant 16 : i32
        %shift_left3A_455 = vector.broadcast %shift_left3A_454 : i32 to vector<16xi32>
        %shift_left3A_456 = arith.shli %gather3A_453, %shift_left3A_455 : vector<16xi32>
        %bitcast3A_457 = vector.bitcast %shift_left3A_456 : vector<16xi32> to vector<16xf32>
        %and3A_458 = arith.constant -65536 : i32
        %and3A_459 = vector.broadcast %and3A_458 : i32 to vector<16xi32>
        %and3A_460 = arith.andi %gather3A_453, %and3A_459 : vector<16xi32>
        %bitcast3A_461 = vector.bitcast %and3A_460 : vector<16xi32> to vector<16xf32>
        %swap3A_462 = arith.constant 7 : i32
        %swap3A_463 = arith.index_cast %swap3A_462 : i32 to index
        %swap3A_464 = arith.index_cast %shift_right_arithmetic3A_268 : i32 to index
        %swap3A_465 = arith.index_cast %mul3A_273 : i32 to index
        %swap3A_466 = tpu.vector_load %arg11[%swap3A_463, %swap3A_464, %swap3A_465] {strides = array<i32>} : memref<16x16x128xf32, #tpu.memory_space<vmem>>, vector<16xf32>,
        tpu.vector_store %arg11[%swap3A_463, %swap3A_464, %swap3A_465], %bitcast3A_457 {strides = array<i32>} : memref<16x16x128xf32, #tpu.memory_space<vmem>>, vector<16xf32>,
        %add3A_467 = arith.constant 16 : i32
        %add3A_468 = arith.addi %mul3A_273, %add3A_467 : i32
        %swap3A_469 = arith.constant 7 : i32
        %swap3A_470 = arith.index_cast %swap3A_469 : i32 to index
        %swap3A_471 = arith.index_cast %shift_right_arithmetic3A_268 : i32 to index
        %swap3A_472 = arith.index_cast %add3A_468 : i32 to index
        %swap3A_473 = tpu.vector_load %arg11[%swap3A_470, %swap3A_471, %swap3A_472] {strides = array<i32>} : memref<16x16x128xf32, #tpu.memory_space<vmem>>, vector<16xf32>,
        tpu.vector_store %arg11[%swap3A_470, %swap3A_471, %swap3A_472], %bitcast3A_461 {strides = array<i32>} : memref<16x16x128xf32, #tpu.memory_space<vmem>>, vector<16xf32>,
        %slice3A_474 = vector.extract_strided_slice %mul3A_279 {offsets = [8], sizes = [1], strides = [1]} : vector<16xi32> to vector<1xi32>
        %squeeze3A_475 = vector.extract %slice3A_474[0] : i32 from vector<1xi32>
        %add3A_476 = vector.broadcast %squeeze3A_475 : i32 to vector<16xi32>
        %add3A_477 = arith.addi %add3A_476, %iota3A_147 : vector<16xi32>
        %gather3A_478 = tpu.vector_load_idx %arg12[%add3A_477] : memref<65536xi32, #tpu.memory_space<vmem>>[vector<16xi32>], vector<16xi32>,
        %shift_left3A_479 = arith.constant 16 : i32
        %shift_left3A_480 = vector.broadcast %shift_left3A_479 : i32 to vector<16xi32>
        %shift_left3A_481 = arith.shli %gather3A_478, %shift_left3A_480 : vector<16xi32>
        %bitcast3A_482 = vector.bitcast %shift_left3A_481 : vector<16xi32> to vector<16xf32>
        %and3A_483 = arith.constant -65536 : i32
        %and3A_484 = vector.broadcast %and3A_483 : i32 to vector<16xi32>
        %and3A_485 = arith.andi %gather3A_478, %and3A_484 : vector<16xi32>
        %bitcast3A_486 = vector.bitcast %and3A_485 : vector<16xi32> to vector<16xf32>
        %swap3A_487 = arith.constant 8 : i32
        %swap3A_488 = arith.index_cast %swap3A_487 : i32 to index
        %swap3A_489 = arith.index_cast %shift_right_arithmetic3A_268 : i32 to index
        %swap3A_490 = arith.index_cast %mul3A_273 : i32 to index
        %swap3A_491 = tpu.vector_load %arg11[%swap3A_488, %swap3A_489, %swap3A_490] {strides = array<i32>} : memref<16x16x128xf32, #tpu.memory_space<vmem>>, vector<16xf32>,
        tpu.vector_store %arg11[%swap3A_488, %swap3A_489, %swap3A_490], %bitcast3A_482 {strides = array<i32>} : memref<16x16x128xf32, #tpu.memory_space<vmem>>, vector<16xf32>,
        %add3A_492 = arith.constant 16 : i32
        %add3A_493 = arith.addi %mul3A_273, %add3A_492 : i32
        %swap3A_494 = arith.constant 8 : i32
        %swap3A_495 = arith.index_cast %swap3A_494 : i32 to index
        %swap3A_496 = arith.index_cast %shift_right_arithmetic3A_268 : i32 to index
        %swap3A_497 = arith.index_cast %add3A_493 : i32 to index
        %swap3A_498 = tpu.vector_load %arg11[%swap3A_495, %swap3A_496, %swap3A_497] {strides = array<i32>} : memref<16x16x128xf32, #tpu.memory_space<vmem>>, vector<16xf32>,
        tpu.vector_store %arg11[%swap3A_495, %swap3A_496, %swap3A_497], %bitcast3A_486 {strides = array<i32>} : memref<16x16x128xf32, #tpu.memory_space<vmem>>, vector<16xf32>,
        %slice3A_499 = vector.extract_strided_slice %mul3A_279 {offsets = [9], sizes = [1], strides = [1]} : vector<16xi32> to vector<1xi32>
        %squeeze3A_500 = vector.extract %slice3A_499[0] : i32 from vector<1xi32>
        %add3A_501 = vector.broadcast %squeeze3A_500 : i32 to vector<16xi32>
        %add3A_502 = arith.addi %add3A_501, %iota3A_147 : vector<16xi32>
        %gather3A_503 = tpu.vector_load_idx %arg12[%add3A_502] : memref<65536xi32, #tpu.memory_space<vmem>>[vector<16xi32>], vector<16xi32>,
        %shift_left3A_504 = arith.constant 16 : i32
        %shift_left3A_505 = vector.broadcast %shift_left3A_504 : i32 to vector<16xi32>
        %shift_left3A_506 = arith.shli %gather3A_503, %shift_left3A_505 : vector<16xi32>
        %bitcast3A_507 = vector.bitcast %shift_left3A_506 : vector<16xi32> to vector<16xf32>
        %and3A_508 = arith.constant -65536 : i32
        %and3A_509 = vector.broadcast %and3A_508 : i32 to vector<16xi32>
        %and3A_510 = arith.andi %gather3A_503, %and3A_509 : vector<16xi32>
        %bitcast3A_511 = vector.bitcast %and3A_510 : vector<16xi32> to vector<16xf32>
        %swap3A_512 = arith.constant 9 : i32
        %swap3A_513 = arith.index_cast %swap3A_512 : i32 to index
        %swap3A_514 = arith.index_cast %shift_right_arithmetic3A_268 : i32 to index
        %swap3A_515 = arith.index_cast %mul3A_273 : i32 to index
        %swap3A_516 = tpu.vector_load %arg11[%swap3A_513, %swap3A_514, %swap3A_515] {strides = array<i32>} : memref<16x16x128xf32, #tpu.memory_space<vmem>>, vector<16xf32>,
        tpu.vector_store %arg11[%swap3A_513, %swap3A_514, %swap3A_515], %bitcast3A_507 {strides = array<i32>} : memref<16x16x128xf32, #tpu.memory_space<vmem>>, vector<16xf32>,
        %add3A_517 = arith.constant 16 : i32
        %add3A_518 = arith.addi %mul3A_273, %add3A_517 : i32
        %swap3A_519 = arith.constant 9 : i32
        %swap3A_520 = arith.index_cast %swap3A_519 : i32 to index
        %swap3A_521 = arith.index_cast %shift_right_arithmetic3A_268 : i32 to index
        %swap3A_522 = arith.index_cast %add3A_518 : i32 to index
        %swap3A_523 = tpu.vector_load %arg11[%swap3A_520, %swap3A_521, %swap3A_522] {strides = array<i32>} : memref<16x16x128xf32, #tpu.memory_space<vmem>>, vector<16xf32>,
        tpu.vector_store %arg11[%swap3A_520, %swap3A_521, %swap3A_522], %bitcast3A_511 {strides = array<i32>} : memref<16x16x128xf32, #tpu.memory_space<vmem>>, vector<16xf32>,
        %slice3A_524 = vector.extract_strided_slice %mul3A_279 {offsets = [10], sizes = [1], strides = [1]} : vector<16xi32> to vector<1xi32>
        %squeeze3A_525 = vector.extract %slice3A_524[0] : i32 from vector<1xi32>
        %add3A_526 = vector.broadcast %squeeze3A_525 : i32 to vector<16xi32>
        %add3A_527 = arith.addi %add3A_526, %iota3A_147 : vector<16xi32>
        %gather3A_528 = tpu.vector_load_idx %arg12[%add3A_527] : memref<65536xi32, #tpu.memory_space<vmem>>[vector<16xi32>], vector<16xi32>,
        %shift_left3A_529 = arith.constant 16 : i32
        %shift_left3A_530 = vector.broadcast %shift_left3A_529 : i32 to vector<16xi32>
        %shift_left3A_531 = arith.shli %gather3A_528, %shift_left3A_530 : vector<16xi32>
        %bitcast3A_532 = vector.bitcast %shift_left3A_531 : vector<16xi32> to vector<16xf32>
        %and3A_533 = arith.constant -65536 : i32
        %and3A_534 = vector.broadcast %and3A_533 : i32 to vector<16xi32>
        %and3A_535 = arith.andi %gather3A_528, %and3A_534 : vector<16xi32>
        %bitcast3A_536 = vector.bitcast %and3A_535 : vector<16xi32> to vector<16xf32>
        %swap3A_537 = arith.constant 10 : i32
        %swap3A_538 = arith.index_cast %swap3A_537 : i32 to index
        %swap3A_539 = arith.index_cast %shift_right_arithmetic3A_268 : i32 to index
        %swap3A_540 = arith.index_cast %mul3A_273 : i32 to index
        %swap3A_541 = tpu.vector_load %arg11[%swap3A_538, %swap3A_539, %swap3A_540] {strides = array<i32>} : memref<16x16x128xf32, #tpu.memory_space<vmem>>, vector<16xf32>,
        tpu.vector_store %arg11[%swap3A_538, %swap3A_539, %swap3A_540], %bitcast3A_532 {strides = array<i32>} : memref<16x16x128xf32, #tpu.memory_space<vmem>>, vector<16xf32>,
        %add3A_542 = arith.constant 16 : i32
        %add3A_543 = arith.addi %mul3A_273, %add3A_542 : i32
        %swap3A_544 = arith.constant 10 : i32
        %swap3A_545 = arith.index_cast %swap3A_544 : i32 to index
        %swap3A_546 = arith.index_cast %shift_right_arithmetic3A_268 : i32 to index
        %swap3A_547 = arith.index_cast %add3A_543 : i32 to index
        %swap3A_548 = tpu.vector_load %arg11[%swap3A_545, %swap3A_546, %swap3A_547] {strides = array<i32>} : memref<16x16x128xf32, #tpu.memory_space<vmem>>, vector<16xf32>,
        tpu.vector_store %arg11[%swap3A_545, %swap3A_546, %swap3A_547], %bitcast3A_536 {strides = array<i32>} : memref<16x16x128xf32, #tpu.memory_space<vmem>>, vector<16xf32>,
        %slice3A_549 = vector.extract_strided_slice %mul3A_279 {offsets = [11], sizes = [1], strides = [1]} : vector<16xi32> to vector<1xi32>
        %squeeze3A_550 = vector.extract %slice3A_549[0] : i32 from vector<1xi32>
        %add3A_551 = vector.broadcast %squeeze3A_550 : i32 to vector<16xi32>
        %add3A_552 = arith.addi %add3A_551, %iota3A_147 : vector<16xi32>
        %gather3A_553 = tpu.vector_load_idx %arg12[%add3A_552] : memref<65536xi32, #tpu.memory_space<vmem>>[vector<16xi32>], vector<16xi32>,
        %shift_left3A_554 = arith.constant 16 : i32
        %shift_left3A_555 = vector.broadcast %shift_left3A_554 : i32 to vector<16xi32>
        %shift_left3A_556 = arith.shli %gather3A_553, %shift_left3A_555 : vector<16xi32>
        %bitcast3A_557 = vector.bitcast %shift_left3A_556 : vector<16xi32> to vector<16xf32>
        %and3A_558 = arith.constant -65536 : i32
        %and3A_559 = vector.broadcast %and3A_558 : i32 to vector<16xi32>
        %and3A_560 = arith.andi %gather3A_553, %and3A_559 : vector<16xi32>
        %bitcast3A_561 = vector.bitcast %and3A_560 : vector<16xi32> to vector<16xf32>
        %swap3A_562 = arith.constant 11 : i32
        %swap3A_563 = arith.index_cast %swap3A_562 : i32 to index
        %swap3A_564 = arith.index_cast %shift_right_arithmetic3A_268 : i32 to index
        %swap3A_565 = arith.index_cast %mul3A_273 : i32 to index
        %swap3A_566 = tpu.vector_load %arg11[%swap3A_563, %swap3A_564, %swap3A_565] {strides = array<i32>} : memref<16x16x128xf32, #tpu.memory_space<vmem>>, vector<16xf32>,
        tpu.vector_store %arg11[%swap3A_563, %swap3A_564, %swap3A_565], %bitcast3A_557 {strides = array<i32>} : memref<16x16x128xf32, #tpu.memory_space<vmem>>, vector<16xf32>,
        %add3A_567 = arith.constant 16 : i32
        %add3A_568 = arith.addi %mul3A_273, %add3A_567 : i32
        %swap3A_569 = arith.constant 11 : i32
        %swap3A_570 = arith.index_cast %swap3A_569 : i32 to index
        %swap3A_571 = arith.index_cast %shift_right_arithmetic3A_268 : i32 to index
        %swap3A_572 = arith.index_cast %add3A_568 : i32 to index
        %swap3A_573 = tpu.vector_load %arg11[%swap3A_570, %swap3A_571, %swap3A_572] {strides = array<i32>} : memref<16x16x128xf32, #tpu.memory_space<vmem>>, vector<16xf32>,
        tpu.vector_store %arg11[%swap3A_570, %swap3A_571, %swap3A_572], %bitcast3A_561 {strides = array<i32>} : memref<16x16x128xf32, #tpu.memory_space<vmem>>, vector<16xf32>,
        %slice3A_574 = vector.extract_strided_slice %mul3A_279 {offsets = [12], sizes = [1], strides = [1]} : vector<16xi32> to vector<1xi32>
        %squeeze3A_575 = vector.extract %slice3A_574[0] : i32 from vector<1xi32>
        %add3A_576 = vector.broadcast %squeeze3A_575 : i32 to vector<16xi32>
        %add3A_577 = arith.addi %add3A_576, %iota3A_147 : vector<16xi32>
        %gather3A_578 = tpu.vector_load_idx %arg12[%add3A_577] : memref<65536xi32, #tpu.memory_space<vmem>>[vector<16xi32>], vector<16xi32>,
        %shift_left3A_579 = arith.constant 16 : i32
        %shift_left3A_580 = vector.broadcast %shift_left3A_579 : i32 to vector<16xi32>
        %shift_left3A_581 = arith.shli %gather3A_578, %shift_left3A_580 : vector<16xi32>
        %bitcast3A_582 = vector.bitcast %shift_left3A_581 : vector<16xi32> to vector<16xf32>
        %and3A_583 = arith.constant -65536 : i32
        %and3A_584 = vector.broadcast %and3A_583 : i32 to vector<16xi32>
        %and3A_585 = arith.andi %gather3A_578, %and3A_584 : vector<16xi32>
        %bitcast3A_586 = vector.bitcast %and3A_585 : vector<16xi32> to vector<16xf32>
        %swap3A_587 = arith.constant 12 : i32
        %swap3A_588 = arith.index_cast %swap3A_587 : i32 to index
        %swap3A_589 = arith.index_cast %shift_right_arithmetic3A_268 : i32 to index
        %swap3A_590 = arith.index_cast %mul3A_273 : i32 to index
        %swap3A_591 = tpu.vector_load %arg11[%swap3A_588, %swap3A_589, %swap3A_590] {strides = array<i32>} : memref<16x16x128xf32, #tpu.memory_space<vmem>>, vector<16xf32>,
        tpu.vector_store %arg11[%swap3A_588, %swap3A_589, %swap3A_590], %bitcast3A_582 {strides = array<i32>} : memref<16x16x128xf32, #tpu.memory_space<vmem>>, vector<16xf32>,
        %add3A_592 = arith.constant 16 : i32
        %add3A_593 = arith.addi %mul3A_273, %add3A_592 : i32
        %swap3A_594 = arith.constant 12 : i32
        %swap3A_595 = arith.index_cast %swap3A_594 : i32 to index
        %swap3A_596 = arith.index_cast %shift_right_arithmetic3A_268 : i32 to index
        %swap3A_597 = arith.index_cast %add3A_593 : i32 to index
        %swap3A_598 = tpu.vector_load %arg11[%swap3A_595, %swap3A_596, %swap3A_597] {strides = array<i32>} : memref<16x16x128xf32, #tpu.memory_space<vmem>>, vector<16xf32>,
        tpu.vector_store %arg11[%swap3A_595, %swap3A_596, %swap3A_597], %bitcast3A_586 {strides = array<i32>} : memref<16x16x128xf32, #tpu.memory_space<vmem>>, vector<16xf32>,
        %slice3A_599 = vector.extract_strided_slice %mul3A_279 {offsets = [13], sizes = [1], strides = [1]} : vector<16xi32> to vector<1xi32>
        %squeeze3A_600 = vector.extract %slice3A_599[0] : i32 from vector<1xi32>
        %add3A_601 = vector.broadcast %squeeze3A_600 : i32 to vector<16xi32>
        %add3A_602 = arith.addi %add3A_601, %iota3A_147 : vector<16xi32>
        %gather3A_603 = tpu.vector_load_idx %arg12[%add3A_602] : memref<65536xi32, #tpu.memory_space<vmem>>[vector<16xi32>], vector<16xi32>,
        %shift_left3A_604 = arith.constant 16 : i32
        %shift_left3A_605 = vector.broadcast %shift_left3A_604 : i32 to vector<16xi32>
        %shift_left3A_606 = arith.shli %gather3A_603, %shift_left3A_605 : vector<16xi32>
        %bitcast3A_607 = vector.bitcast %shift_left3A_606 : vector<16xi32> to vector<16xf32>
        %and3A_608 = arith.constant -65536 : i32
        %and3A_609 = vector.broadcast %and3A_608 : i32 to vector<16xi32>
        %and3A_610 = arith.andi %gather3A_603, %and3A_609 : vector<16xi32>
        %bitcast3A_611 = vector.bitcast %and3A_610 : vector<16xi32> to vector<16xf32>
        %swap3A_612 = arith.constant 13 : i32
        %swap3A_613 = arith.index_cast %swap3A_612 : i32 to index
        %swap3A_614 = arith.index_cast %shift_right_arithmetic3A_268 : i32 to index
        %swap3A_615 = arith.index_cast %mul3A_273 : i32 to index
        %swap3A_616 = tpu.vector_load %arg11[%swap3A_613, %swap3A_614, %swap3A_615] {strides = array<i32>} : memref<16x16x128xf32, #tpu.memory_space<vmem>>, vector<16xf32>,
        tpu.vector_store %arg11[%swap3A_613, %swap3A_614, %swap3A_615], %bitcast3A_607 {strides = array<i32>} : memref<16x16x128xf32, #tpu.memory_space<vmem>>, vector<16xf32>,
        %add3A_617 = arith.constant 16 : i32
        %add3A_618 = arith.addi %mul3A_273, %add3A_617 : i32
        %swap3A_619 = arith.constant 13 : i32
        %swap3A_620 = arith.index_cast %swap3A_619 : i32 to index
        %swap3A_621 = arith.index_cast %shift_right_arithmetic3A_268 : i32 to index
        %swap3A_622 = arith.index_cast %add3A_618 : i32 to index
        %swap3A_623 = tpu.vector_load %arg11[%swap3A_620, %swap3A_621, %swap3A_622] {strides = array<i32>} : memref<16x16x128xf32, #tpu.memory_space<vmem>>, vector<16xf32>,
        tpu.vector_store %arg11[%swap3A_620, %swap3A_621, %swap3A_622], %bitcast3A_611 {strides = array<i32>} : memref<16x16x128xf32, #tpu.memory_space<vmem>>, vector<16xf32>,
        %slice3A_624 = vector.extract_strided_slice %mul3A_279 {offsets = [14], sizes = [1], strides = [1]} : vector<16xi32> to vector<1xi32>
        %squeeze3A_625 = vector.extract %slice3A_624[0] : i32 from vector<1xi32>
        %add3A_626 = vector.broadcast %squeeze3A_625 : i32 to vector<16xi32>
        %add3A_627 = arith.addi %add3A_626, %iota3A_147 : vector<16xi32>
        %gather3A_628 = tpu.vector_load_idx %arg12[%add3A_627] : memref<65536xi32, #tpu.memory_space<vmem>>[vector<16xi32>], vector<16xi32>,
        %shift_left3A_629 = arith.constant 16 : i32
        %shift_left3A_630 = vector.broadcast %shift_left3A_629 : i32 to vector<16xi32>
        %shift_left3A_631 = arith.shli %gather3A_628, %shift_left3A_630 : vector<16xi32>
        %bitcast3A_632 = vector.bitcast %shift_left3A_631 : vector<16xi32> to vector<16xf32>
        %and3A_633 = arith.constant -65536 : i32
        %and3A_634 = vector.broadcast %and3A_633 : i32 to vector<16xi32>
        %and3A_635 = arith.andi %gather3A_628, %and3A_634 : vector<16xi32>
        %bitcast3A_636 = vector.bitcast %and3A_635 : vector<16xi32> to vector<16xf32>
        %swap3A_637 = arith.constant 14 : i32
        %swap3A_638 = arith.index_cast %swap3A_637 : i32 to index
        %swap3A_639 = arith.index_cast %shift_right_arithmetic3A_268 : i32 to index
        %swap3A_640 = arith.index_cast %mul3A_273 : i32 to index
        %swap3A_641 = tpu.vector_load %arg11[%swap3A_638, %swap3A_639, %swap3A_640] {strides = array<i32>} : memref<16x16x128xf32, #tpu.memory_space<vmem>>, vector<16xf32>,
        tpu.vector_store %arg11[%swap3A_638, %swap3A_639, %swap3A_640], %bitcast3A_632 {strides = array<i32>} : memref<16x16x128xf32, #tpu.memory_space<vmem>>, vector<16xf32>,
        %add3A_642 = arith.constant 16 : i32
        %add3A_643 = arith.addi %mul3A_273, %add3A_642 : i32
        %swap3A_644 = arith.constant 14 : i32
        %swap3A_645 = arith.index_cast %swap3A_644 : i32 to index
        %swap3A_646 = arith.index_cast %shift_right_arithmetic3A_268 : i32 to index
        %swap3A_647 = arith.index_cast %add3A_643 : i32 to index
        %swap3A_648 = tpu.vector_load %arg11[%swap3A_645, %swap3A_646, %swap3A_647] {strides = array<i32>} : memref<16x16x128xf32, #tpu.memory_space<vmem>>, vector<16xf32>,
        tpu.vector_store %arg11[%swap3A_645, %swap3A_646, %swap3A_647], %bitcast3A_636 {strides = array<i32>} : memref<16x16x128xf32, #tpu.memory_space<vmem>>, vector<16xf32>,
        %slice3A_649 = vector.extract_strided_slice %mul3A_279 {offsets = [15], sizes = [1], strides = [1]} : vector<16xi32> to vector<1xi32>
        %squeeze3A_650 = vector.extract %slice3A_649[0] : i32 from vector<1xi32>
        %add3A_651 = vector.broadcast %squeeze3A_650 : i32 to vector<16xi32>
        %add3A_652 = arith.addi %add3A_651, %iota3A_147 : vector<16xi32>
        %gather3A_653 = tpu.vector_load_idx %arg12[%add3A_652] : memref<65536xi32, #tpu.memory_space<vmem>>[vector<16xi32>], vector<16xi32>,
        %shift_left3A_654 = arith.constant 16 : i32
        %shift_left3A_655 = vector.broadcast %shift_left3A_654 : i32 to vector<16xi32>
        %shift_left3A_656 = arith.shli %gather3A_653, %shift_left3A_655 : vector<16xi32>
        %bitcast3A_657 = vector.bitcast %shift_left3A_656 : vector<16xi32> to vector<16xf32>
        %and3A_658 = arith.constant -65536 : i32
        %and3A_659 = vector.broadcast %and3A_658 : i32 to vector<16xi32>
        %and3A_660 = arith.andi %gather3A_653, %and3A_659 : vector<16xi32>
        %bitcast3A_661 = vector.bitcast %and3A_660 : vector<16xi32> to vector<16xf32>
        %swap3A_662 = arith.constant 15 : i32
        %swap3A_663 = arith.index_cast %swap3A_662 : i32 to index
        %swap3A_664 = arith.index_cast %shift_right_arithmetic3A_268 : i32 to index
        %swap3A_665 = arith.index_cast %mul3A_273 : i32 to index
        %swap3A_666 = tpu.vector_load %arg11[%swap3A_663, %swap3A_664, %swap3A_665] {strides = array<i32>} : memref<16x16x128xf32, #tpu.memory_space<vmem>>, vector<16xf32>,
        tpu.vector_store %arg11[%swap3A_663, %swap3A_664, %swap3A_665], %bitcast3A_657 {strides = array<i32>} : memref<16x16x128xf32, #tpu.memory_space<vmem>>, vector<16xf32>,
        %add3A_667 = arith.constant 16 : i32
        %add3A_668 = arith.addi %mul3A_273, %add3A_667 : i32
        %swap3A_669 = arith.constant 15 : i32
        %swap3A_670 = arith.index_cast %swap3A_669 : i32 to index
        %swap3A_671 = arith.index_cast %shift_right_arithmetic3A_268 : i32 to index
        %swap3A_672 = arith.index_cast %add3A_668 : i32 to index
        %swap3A_673 = tpu.vector_load %arg11[%swap3A_670, %swap3A_671, %swap3A_672] {strides = array<i32>} : memref<16x16x128xf32, #tpu.memory_space<vmem>>, vector<16xf32>,
        tpu.vector_store %arg11[%swap3A_670, %swap3A_671, %swap3A_672], %bitcast3A_661 {strides = array<i32>} : memref<16x16x128xf32, #tpu.memory_space<vmem>>, vector<16xf32>,
      }
      %scan3A_222 = arith.constant 24 : i32
      %jit3A_223 = arith.constant 3 : i32
      %div3A_224 = arith.divsi %add3A_146, %jit3A_223 : i32
      %sign3A_225 = arith.constant 0 : i32
      %sign3A_226 = arith.cmpi sgt, %add3A_146, %sign3A_225 : i32
      %sign3A_227 = arith.extui %sign3A_226 : i1 to i32
      %sign3A_228 = arith.constant 0 : i32
      %sign3A_229 = arith.cmpi slt, %add3A_146, %sign3A_228 : i32
      %sign3A_230 = arith.extui %sign3A_229 : i1 to i32
      %sign3A_231 = arith.subi %sign3A_227, %sign3A_230 : i32
      %sign3A_232 = arith.constant 0 : i32
      %sign3A_233 = arith.cmpi sgt, %jit3A_223, %sign3A_232 : i32
      %sign3A_234 = arith.extui %sign3A_233 : i1 to i32
      %sign3A_235 = arith.constant 0 : i32
      %sign3A_236 = arith.cmpi slt, %jit3A_223, %sign3A_235 : i32
      %sign3A_237 = arith.extui %sign3A_236 : i1 to i32
      %sign3A_238 = arith.subi %sign3A_234, %sign3A_237 : i32
      %ne3A_239 = arith.cmpi ne, %sign3A_231, %sign3A_238 : i32
      %rem3A_240 = arith.remsi %add3A_146, %jit3A_223 : i32
      %ne3A_241 = arith.constant 0 : i32
      %ne3A_242 = arith.cmpi ne, %rem3A_240, %ne3A_241 : i32
      %and3A_243 = arith.andi %ne3A_239, %ne3A_242 : i1
      %sub3A_244 = arith.constant 1 : i32
      %sub3A_245 = arith.subi %div3A_224, %sub3A_244 : i32
      %select_n3A_246 = arith.select %and3A_243, %sub3A_245, %div3A_224 : i32
      %add3A_247 = arith.constant 8 : i32
      %add3A_248 = arith.addi %select_n3A_246, %add3A_247 : i32
      %dma_start3A_249 = arith.constant 0 : i32
      %dma_start3A_250 = arith.constant 8 : i32
      %dma_start3A_251 = arith.constant 0 : i32
      %dma_start3A_252 = tpu.memref_slice %arg11[%dma_start3A_249, %dma_start3A_250, %dma_start3A_251] : memref<16x16x128xf32, #tpu.memory_space<vmem>> -> memref<16x8x128xf32, #tpu.memory_space<vmem>>
      %dma_start3A_253 = arith.constant 0 : i32
      %dma_start3A_254 = arith.constant 0 : i32
      %dma_start3A_255 = tpu.memref_slice %arg6[%dma_start3A_253, %add3A_248, %dma_start3A_254] : memref<16x17408x128xf32, #tpu.memory_space<hbm>> -> memref<16x8x128xf32, #tpu.memory_space<hbm>>
      %dma_start3A_256 = arith.constant 0 : i32
      %dma_start3A_257 = arith.constant 0 : i32
      %dma_start3A_258 = tpu.memref_slice %arg6[%dma_start3A_256, %add3A_248, %dma_start3A_257] : memref<16x17408x128xf32, #tpu.memory_space<hbm>> -> memref<16x8x128xf32, #tpu.memory_space<hbm>>
      %dma_start3A_259 = arith.constant 0 : i32
      %dma_start3A_260 = arith.constant 8 : i32
      %dma_start3A_261 = arith.constant 0 : i32
      %dma_start3A_262 = tpu.memref_slice %arg11[%dma_start3A_259, %dma_start3A_260, %dma_start3A_261] : memref<16x16x128xf32, #tpu.memory_space<vmem>> -> memref<16x8x128xf32, #tpu.memory_space<vmem>>
      tpu.enqueue_dma source(%dma_start3A_262 : memref<16x8x128xf32, #tpu.memory_space<vmem>>) target(%dma_start3A_258 : memref<16x8x128xf32, #tpu.memory_space<hbm>>) target_semaphore(%arg15 : memref<!tpu.dma_semaphore, #tpu.memory_space<semaphore_mem>>)
    }
    %scan3A_19 = arith.constant 17 : i32
    %dma_wait3A = arith.constant 0 : i32
    %dma_wait3A_20 = arith.constant 0 : i32
    %dma_wait3A_21 = arith.constant 0 : i32
    %dma_wait3A_22 = tpu.memref_slice %arg6[%dma_wait3A, %dma_wait3A_20, %dma_wait3A_21] : memref<16x17408x128xf32, #tpu.memory_space<hbm>> -> memref<16x16x128xf32, #tpu.memory_space<hbm>>
    %dma_wait3A_23 = arith.constant 0 : i32
    %dma_wait3A_24 = arith.constant 0 : i32
    %dma_wait3A_25 = arith.constant 0 : i32
    %dma_wait3A_26 = tpu.memref_slice %arg6[%dma_wait3A_23, %dma_wait3A_24, %dma_wait3A_25] : memref<16x17408x128xf32, #tpu.memory_space<hbm>> -> memref<16x16x128xf32, #tpu.memory_space<hbm>>
    tpu.wait_dma2 semaphore(%arg15 : memref<!tpu.dma_semaphore, #tpu.memory_space<semaphore_mem>>) src(%dma_wait3A_26 : memref<16x16x128xf32, #tpu.memory_space<hbm>>) dst(%arg11 : memref<16x16x128xf32, #tpu.memory_space<vmem>>)
    return
  }
}

module attributes {stable_mosaic.version = 14 : i64} {
  func.func @_tc_body(%arg0: i32, %arg1: memref<16x128x128xf32, #tpu.memory_space<vmem>>, %arg2: memref<128x192xbf16, #tpu.memory_space<vmem>>, %arg3: memref<1x192xf32, #tpu.memory_space<vmem>>, %arg4: memref<192x128xbf16, #tpu.memory_space<vmem>>, %arg5: memref<1x128xf32, #tpu.memory_space<vmem>>, %arg6: memref<128x768xbf16, #tpu.memory_space<vmem>>, %arg7: memref<1x768xf32, #tpu.memory_space<vmem>>, %arg8: memref<768x48xbf16, #tpu.memory_space<vmem>>, %arg9: memref<1x48xf32, #tpu.memory_space<vmem>>, %arg10: memref<128x48xf32, #tpu.memory_space<vmem>>) attributes {dimension_semantics = [#tpu.dimension_semantics<arbitrary>], iteration_bounds = array<i64: 136>, scalar_prefetch = 0 : i64, scratch_operands = 0 : i64, tpu.core_type = #tpu.core_type<tc>, window_params = [{transform_indices = @transform_0, window_bounds = array<i64: 16, 128, 128>}, {pipeline_mode = #tpu.pipeline_mode<synchronous>, transform_indices = @transform_1, window_bounds = array<i64: 128, 192>}, {pipeline_mode = #tpu.pipeline_mode<synchronous>, transform_indices = @transform_2, window_bounds = array<i64: 1, 192>}, {pipeline_mode = #tpu.pipeline_mode<synchronous>, transform_indices = @transform_3, window_bounds = array<i64: 192, 128>}, {pipeline_mode = #tpu.pipeline_mode<synchronous>, transform_indices = @transform_4, window_bounds = array<i64: 1, 128>}, {pipeline_mode = #tpu.pipeline_mode<synchronous>, transform_indices = @transform_5, window_bounds = array<i64: 128, 768>}, {pipeline_mode = #tpu.pipeline_mode<synchronous>, transform_indices = @transform_6, window_bounds = array<i64: 1, 768>}, {pipeline_mode = #tpu.pipeline_mode<synchronous>, transform_indices = @transform_7, window_bounds = array<i64: 768, 48>}, {pipeline_mode = #tpu.pipeline_mode<synchronous>, transform_indices = @transform_8, window_bounds = array<i64: 1, 48>}, {transform_indices = @transform_9, window_bounds = array<i64: 128, 48>}]} {
    %get3A = arith.constant 0 : index
    %get3A_0 = arith.constant 0 : index
    %get3A_1 = arith.constant 0 : index
    %get3A_2 = vector.load %arg1[%get3A, %get3A_0, %get3A_1] : memref<16x128x128xf32, #tpu.memory_space<vmem>>, vector<16x128x128xf32>
    %reshape3A = vector.shape_cast %get3A_2 : vector<16x128x128xf32> to vector<2048x128xf32>
    %convert_element_type3A = arith.truncf %reshape3A : vector<2048x128xf32> to vector<2048x128xbf16>
    %get3A_3 = arith.constant 0 : index
    %get3A_4 = arith.constant 0 : index
    %get3A_5 = vector.load %arg2[%get3A_3, %get3A_4] : memref<128x192xbf16, #tpu.memory_space<vmem>>, vector<128x192xbf16>
    %dot_general3A = arith.constant dense<0.000000e+00> : vector<2048x192xf32>
    %dot_general3A_6 = tpu.matmul %convert_element_type3A, %get3A_5, %dot_general3A {dimension_numbers = #tpu.dot_dimension_numbers<[1], [0], [0], [1], [0, 0, 1, 1], [], []>, transpose_lhs_hint = false} : vector<2048x128xbf16>, vector<128x192xbf16>, vector<2048x192xf32> -> vector<2048x192xf32>
    %get3A_7 = arith.constant 0 : index
    %get3A_8 = arith.constant 0 : index
    %get3A_9 = vector.load %arg3[%get3A_7, %get3A_8] : memref<1x192xf32, #tpu.memory_space<vmem>>, vector<1x192xf32>
    %add3A = vector.broadcast %get3A_9 : vector<1x192xf32> to vector<2048x192xf32>
    %add3A_10 = arith.addf %dot_general3A_6, %add3A : vector<2048x192xf32>
    %integer_pow3A = arith.mulf %add3A_10, %add3A_10 : vector<2048x192xf32>
    %integer_pow3A_11 = arith.mulf %add3A_10, %integer_pow3A : vector<2048x192xf32>
    %mul3A = arith.constant 4.471500e-02 : f32
    %mul3A_12 = vector.broadcast %mul3A : f32 to vector<2048x192xf32>
    %mul3A_13 = arith.mulf %mul3A_12, %integer_pow3A_11 : vector<2048x192xf32>
    %add3A_14 = arith.addf %add3A_10, %mul3A_13 : vector<2048x192xf32>
    %mul3A_15 = arith.constant 0.797884583 : f32
    %mul3A_16 = vector.broadcast %mul3A_15 : f32 to vector<2048x192xf32>
    %mul3A_17 = arith.mulf %mul3A_16, %add3A_14 : vector<2048x192xf32>
    %tanh3A = math.tanh %mul3A_17 : vector<2048x192xf32>
    %add3A_18 = arith.constant 1.000000e+00 : f32
    %add3A_19 = vector.broadcast %add3A_18 : f32 to vector<2048x192xf32>
    %add3A_20 = arith.addf %add3A_19, %tanh3A : vector<2048x192xf32>
    %mul3A_21 = arith.constant 5.000000e-01 : f32
    %mul3A_22 = vector.broadcast %mul3A_21 : f32 to vector<2048x192xf32>
    %mul3A_23 = arith.mulf %mul3A_22, %add3A_20 : vector<2048x192xf32>
    %mul3A_24 = arith.mulf %add3A_10, %mul3A_23 : vector<2048x192xf32>
    %convert_element_type3A_25 = arith.truncf %mul3A_24 : vector<2048x192xf32> to vector<2048x192xbf16>
    %get3A_26 = arith.constant 0 : index
    %get3A_27 = arith.constant 0 : index
    %get3A_28 = vector.load %arg4[%get3A_26, %get3A_27] : memref<192x128xbf16, #tpu.memory_space<vmem>>, vector<192x128xbf16>
    %dot_general3A_29 = arith.constant dense<0.000000e+00> : vector<2048x128xf32>
    %dot_general3A_30 = tpu.matmul %convert_element_type3A_25, %get3A_28, %dot_general3A_29 {dimension_numbers = #tpu.dot_dimension_numbers<[1], [0], [0], [1], [0, 0, 1, 1], [], []>, transpose_lhs_hint = false} : vector<2048x192xbf16>, vector<192x128xbf16>, vector<2048x128xf32> -> vector<2048x128xf32>
    %get3A_31 = arith.constant 0 : index
    %get3A_32 = arith.constant 0 : index
    %get3A_33 = vector.load %arg5[%get3A_31, %get3A_32] : memref<1x128xf32, #tpu.memory_space<vmem>>, vector<1x128xf32>
    %add3A_34 = vector.broadcast %get3A_33 : vector<1x128xf32> to vector<2048x128xf32>
    %add3A_35 = arith.addf %dot_general3A_30, %add3A_34 : vector<2048x128xf32>
    %reshape3A_36 = vector.shape_cast %add3A_35 : vector<2048x128xf32> to vector<16x128x128xf32>
    %mul3A_37 = arith.mulf %reshape3A_36, %get3A_2 : vector<16x128x128xf32>
    %reduce_sum3A = arith.constant dense<0.000000e+00> : vector<128x128xf32>
    %reduce_sum3A_38 = vector.multi_reduction <add>, %mul3A_37, %reduce_sum3A [0] : vector<16x128x128xf32> to vector<128x128xf32>
    %convert_element_type3A_39 = arith.truncf %reduce_sum3A_38 : vector<128x128xf32> to vector<128x128xbf16>
    %get3A_40 = arith.constant 0 : index
    %get3A_41 = arith.constant 0 : index
    %get3A_42 = vector.load %arg6[%get3A_40, %get3A_41] : memref<128x768xbf16, #tpu.memory_space<vmem>>, vector<128x768xbf16>
    %dot_general3A_43 = arith.constant dense<0.000000e+00> : vector<128x768xf32>
    %dot_general3A_44 = tpu.matmul %convert_element_type3A_39, %get3A_42, %dot_general3A_43 {dimension_numbers = #tpu.dot_dimension_numbers<[1], [0], [0], [1], [0, 0, 1, 1], [], []>, transpose_lhs_hint = false} : vector<128x128xbf16>, vector<128x768xbf16>, vector<128x768xf32> -> vector<128x768xf32>
    %get3A_45 = arith.constant 0 : index
    %get3A_46 = arith.constant 0 : index
    %get3A_47 = vector.load %arg7[%get3A_45, %get3A_46] : memref<1x768xf32, #tpu.memory_space<vmem>>, vector<1x768xf32>
    %add3A_48 = vector.broadcast %get3A_47 : vector<1x768xf32> to vector<128x768xf32>
    %add3A_49 = arith.addf %dot_general3A_44, %add3A_48 : vector<128x768xf32>
    %integer_pow3A_50 = arith.mulf %add3A_49, %add3A_49 : vector<128x768xf32>
    %integer_pow3A_51 = arith.mulf %add3A_49, %integer_pow3A_50 : vector<128x768xf32>
    %mul3A_52 = arith.constant 4.471500e-02 : f32
    %mul3A_53 = vector.broadcast %mul3A_52 : f32 to vector<128x768xf32>
    %mul3A_54 = arith.mulf %mul3A_53, %integer_pow3A_51 : vector<128x768xf32>
    %add3A_55 = arith.addf %add3A_49, %mul3A_54 : vector<128x768xf32>
    %mul3A_56 = arith.constant 0.797884583 : f32
    %mul3A_57 = vector.broadcast %mul3A_56 : f32 to vector<128x768xf32>
    %mul3A_58 = arith.mulf %mul3A_57, %add3A_55 : vector<128x768xf32>
    %tanh3A_59 = math.tanh %mul3A_58 : vector<128x768xf32>
    %add3A_60 = arith.constant 1.000000e+00 : f32
    %add3A_61 = vector.broadcast %add3A_60 : f32 to vector<128x768xf32>
    %add3A_62 = arith.addf %add3A_61, %tanh3A_59 : vector<128x768xf32>
    %mul3A_63 = arith.constant 5.000000e-01 : f32
    %mul3A_64 = vector.broadcast %mul3A_63 : f32 to vector<128x768xf32>
    %mul3A_65 = arith.mulf %mul3A_64, %add3A_62 : vector<128x768xf32>
    %mul3A_66 = arith.mulf %add3A_49, %mul3A_65 : vector<128x768xf32>
    %convert_element_type3A_67 = arith.truncf %mul3A_66 : vector<128x768xf32> to vector<128x768xbf16>
    %get3A_68 = arith.constant 0 : index
    %get3A_69 = arith.constant 0 : index
    %get3A_70 = vector.load %arg8[%get3A_68, %get3A_69] : memref<768x48xbf16, #tpu.memory_space<vmem>>, vector<768x48xbf16>
    %dot_general3A_71 = arith.constant dense<0.000000e+00> : vector<128x48xf32>
    %dot_general3A_72 = tpu.matmul %convert_element_type3A_67, %get3A_70, %dot_general3A_71 {dimension_numbers = #tpu.dot_dimension_numbers<[1], [0], [0], [1], [0, 0, 1, 1], [], []>, transpose_lhs_hint = false} : vector<128x768xbf16>, vector<768x48xbf16>, vector<128x48xf32> -> vector<128x48xf32>
    %get3A_73 = arith.constant 0 : index
    %get3A_74 = arith.constant 0 : index
    %get3A_75 = vector.load %arg9[%get3A_73, %get3A_74] : memref<1x48xf32, #tpu.memory_space<vmem>>, vector<1x48xf32>
    %add3A_76 = vector.broadcast %get3A_75 : vector<1x48xf32> to vector<128x48xf32>
    %add3A_77 = arith.addf %dot_general3A_72, %add3A_76 : vector<128x48xf32>
    %swap3A = arith.constant 0 : index
    %swap3A_78 = arith.constant 0 : index
    %swap3A_79 = vector.load %arg10[%swap3A, %swap3A_78] : memref<128x48xf32, #tpu.memory_space<vmem>>, vector<128x48xf32>
    tpu.vector_store %arg10[%swap3A, %swap3A_78], %add3A_77 {strides = array<i32>} : memref<128x48xf32, #tpu.memory_space<vmem>>, vector<128x48xf32>,
    return
  }
  func.func @transform_0(%arg0: i32) -> (i32, i32, i32) {
    %c0_i32 = arith.constant 0 : i32
    %c0_i32_0 = arith.constant 0 : i32
    %c0_i32_1 = arith.constant 0 : i32
    return %c0_i32, %arg0, %c0_i32_0 : i32, i32, i32
  }
  func.func @transform_1(%arg0: i32) -> (i32, i32) {
    %c0_i32 = arith.constant 0 : i32
    %c0_i32_0 = arith.constant 0 : i32
    %c0_i32_1 = arith.constant 0 : i32
    return %c0_i32, %c0_i32_0 : i32, i32
  }
  func.func @transform_2(%arg0: i32) -> (i32, i32) {
    %c0_i32 = arith.constant 0 : i32
    %c0_i32_0 = arith.constant 0 : i32
    %c0_i32_1 = arith.constant 0 : i32
    return %c0_i32, %c0_i32_0 : i32, i32
  }
  func.func @transform_3(%arg0: i32) -> (i32, i32) {
    %c0_i32 = arith.constant 0 : i32
    %c0_i32_0 = arith.constant 0 : i32
    %c0_i32_1 = arith.constant 0 : i32
    return %c0_i32, %c0_i32_0 : i32, i32
  }
  func.func @transform_4(%arg0: i32) -> (i32, i32) {
    %c0_i32 = arith.constant 0 : i32
    %c0_i32_0 = arith.constant 0 : i32
    %c0_i32_1 = arith.constant 0 : i32
    return %c0_i32, %c0_i32_0 : i32, i32
  }
  func.func @transform_5(%arg0: i32) -> (i32, i32) {
    %c0_i32 = arith.constant 0 : i32
    %c0_i32_0 = arith.constant 0 : i32
    %c0_i32_1 = arith.constant 0 : i32
    return %c0_i32, %c0_i32_0 : i32, i32
  }
  func.func @transform_6(%arg0: i32) -> (i32, i32) {
    %c0_i32 = arith.constant 0 : i32
    %c0_i32_0 = arith.constant 0 : i32
    %c0_i32_1 = arith.constant 0 : i32
    return %c0_i32, %c0_i32_0 : i32, i32
  }
  func.func @transform_7(%arg0: i32) -> (i32, i32) {
    %c0_i32 = arith.constant 0 : i32
    %c0_i32_0 = arith.constant 0 : i32
    %c0_i32_1 = arith.constant 0 : i32
    return %c0_i32, %c0_i32_0 : i32, i32
  }
  func.func @transform_8(%arg0: i32) -> (i32, i32) {
    %c0_i32 = arith.constant 0 : i32
    %c0_i32_0 = arith.constant 0 : i32
    %c0_i32_1 = arith.constant 0 : i32
    return %c0_i32, %c0_i32_0 : i32, i32
  }
  func.func @transform_9(%arg0: i32) -> (i32, i32) {
    %c0_i32 = arith.constant 0 : i32
    %c0_i32_0 = arith.constant 0 : i32
    return %arg0, %c0_i32 : i32, i32
  }
}

</mosaic_0001>

<sc_bundles>
// kernel: kernel.4.cloned.1.call-start
scs
__scs_entry_jumppad:
0x0: {  	(pc) =	sbr.rel $0x88, $3  }
0x1: {  	(tag) =	ssettag $0x0;
	lr =	simm.s32 $0x1  }
0x2: {  	[smem:$0x3F95] =	sst lr;
	_ =	strace $0xD0000000  }
0x3: {  	_ = 	snop  }
0x4: {  	_ = 	snop  }
0x5: {  	_ = 	snop  }
0x6: {  	_ = 	snop  }
0x7: {  	_ = 	snop  }
__scs_overlays_trampoline_lowered:
0x8: {  	[smem:$0x3FA4] =	sst s0  }
0x9: {  	[smem:$0x3FA5] =	sst s1  }
0xa: {  	[smem:$0x3FA6] =	sst s2  }
0xb: {  	[smem:$0x3FA7] =	sst s3  }
0xc: {  	[smem:$0x3FA8] =	sst s4  }
0xd: {  	[smem:$0x3FA9] =	sst s5  }
0xe: {  	[smem:$0x3FAA] =	sst s6  }
0xf: {  	[smem:$0x3FAB] =	sst s7  }
0x10: {  	[smem:$0x3FAC] =	sst s8  }
0x11: {  	[smem:$0x3FAD] =	sst s9;
	s0 =	simm.s32 @!p0 $0x0  }
0x12: {  	s1 =	sld [smem:$0x3F93];
	s0 =	simm.s32 @p0 $0x1  }
0x13: {  	[smem:$0x3FAE] =	sst s0;
	s0 =	simm.s32 @!p1 $0x0  }
0x14: {  	s2 =	sld [smem:$0x3F92];
	s0 =	simm.s32 @p1 $0x1  }
0x15: {  	[smem:$0x3FAF] =	sst s0;
	s0 =	simm.s32 @!p2 $0x0  }
0x16: {  	s3 =	sld [smem:$0x3FDB];
	s0 =	simm.s32 @p2 $0x1  }
0x17: {  	s4 =	simm.s32 $0x1BF5;
	[smem:$0x3FB1] =	sst s0  }
0x18: {  	s0 =	sld [smem:$0x3F94];
	_ =	swait.ge [sflag:s4], $0x0  }
0x19: {  	s7 =	sld [smem:$0x3F95]  }
0x1a: {  	s8 =	sadd.s32 $0xFFFFE003, lr  }
0x1b: {  	s9 =	sadd.s32 $0xFFFFFEF7, lr;
	s5 =	simm.s32 $0xFFFFFFFF;
	p2 =	slt.u32 s8, $0xFFFFF086  }
0x1c: {  	p1 =	slt.u32 s9, $0xF7A;
	s5 =	simm.s32 @!p2 $0x0  }
0x1d: {  	s5 =	simm.s32 @p1 $0x1;
	p0 =	seq.s32 s7, s2  }
0x1e: {  	s7 =	smul.u32 @!p0 $0xF7A, s2;
	p2 =	seq.s32 @!p0 s5, $0x0  }
0x1f: {  	s9 =	smul.u32 $0xF7A, s1;
	s8 =	simm.s32 @!p0 $0x1BF5;
	p2 =	por !p2, p0  }
0x20: {  	[sflag:s8] =	ssyncset.s32 @!p0 $0xFFFFF086;
	s6 =	sadd.s32 @!p0 s3, s7;
	s7 =	simm.s32 @!p0 $0x108  }
0x21: {  	s3 =	sadd.s32 s3, s9;
	s6 =	sadd.s32 @!p0 $0x88, s6;
	s7 =	simm.s32 @p2 $0x1082  }
0x22: {  	[simem:s7], [sflag:s8] =	dma.local @!p0 [hbm:s6], $0xF7A  }
0x23: {  	s9 =	sor.u32 $0xD0000000, s2;
	s6 =	simm.s32 $0x108;
	_ =	swait.ge @!p0 [sflag:s8], $0x0  }
0x24: {  	s3 =	sadd.s32 $0x88, s3;
	s6 =	simm.s32 @!p1 $0x1082;
	[sflag:s4] =	ssyncset.s32 $0xFFFFF086  }
0x25: {  	[simem:s6], [sflag:s4] =	dma.local [hbm:s3], $0xF7A  }
0x26: {  	[smem:$0x3F95] =	sst s1;
	(tag) =	ssettag s2;
	_ =	strace s9  }
0x27: {  	s1 =	sld [smem:$0x3FA5]  }
0x28: {  	s2 =	sld [smem:$0x3FA6]  }
0x29: {  	s4 =	sld [smem:$0x3FA8]  }
0x2a: {  	p0 =	seq.s32 s5, $0x0;
	s5 =	sld [smem:$0x3FA9]  }
0x2b: {  	s6 =	sld [smem:$0x3FAA]  }
0x2c: {  	s7 =	sld [smem:$0x3FAB]  }
0x2d: {  	s3 =	simm.s32 $0x108;
	s8 =	sld [smem:$0x3FAC]  }
0x2e: {  	s3 =	simm.s32 @!p0 $0x1082;
	s9 =	sld [smem:$0x3FAD]  }
0x2f: {  	lr =	sadd.s32 s0, s3;
	s0 =	sld [smem:$0x3FA4]  }
0x30: {  	s3 =	sld [smem:$0x3FA7]  }
0x31: {  	[smem:$0x3FB0] =	sst s10  }
0x32: {  	s10 =	sld [smem:$0x3FAE];
	_ =	sdelay $0x3  }
0x33: {  	p0 =	seq.s32 s10, $0x1;
	s10 =	sld [smem:$0x3FB0];
	_ =	sdelay $0x3  }
0x34: {  	[smem:$0x3FB0] =	sst s10  }
0x35: {  	s10 =	sld [smem:$0x3FAF];
	_ =	sdelay $0x3  }
0x36: {  	p1 =	seq.s32 s10, $0x1;
	s10 =	sld [smem:$0x3FB0];
	_ =	sdelay $0x3  }
0x37: {  	[smem:$0x3FB0] =	sst s10  }
0x38: {  	s10 =	sld [smem:$0x3FB1]  }
0x39: {  	_ = 	snop;
	(pc) =	sbr.ind lr, $3  }
0x3a: {  	_ = 	snop  }
0x3b: {  	_ = 	snop  }
0x3c: {  	p2 =	seq.s32 s10, $0x1;
	s10 =	sld [smem:$0x3FB0]  }
0x3d: {  	_ =	shalt  }
0x3e: {  	_ =	shalt  }
0x3f: {  	_ =	shalt  }
0x40: {  	_ =	shalt  }
0x41: {  	_ =	shalt  }
0x42: {  	_ =	shalt  }
0x43: {  	_ =	shalt  }
0x44: {  	_ =	shalt  }
0x45: {  	_ =	shalt  }
0x46: {  	_ =	shalt  }
0x47: {  	_ =	shalt  }
0x48: {  	_ =	shalt  }
0x49: {  	_ =	shalt  }
0x4a: {  	_ =	shalt  }
0x4b: {  	_ =	shalt  }
0x4c: {  	_ =	shalt  }
0x4d: {  	_ =	shalt  }
0x4e: {  	_ =	shalt  }
0x4f: {  	_ =	shalt  }
0x50: {  	_ =	shalt  }
0x51: {  	_ =	shalt  }
0x52: {  	_ =	shalt  }
0x53: {  	_ =	shalt  }
0x54: {  	_ =	shalt  }
0x55: {  	_ =	shalt  }
0x56: {  	_ =	shalt  }
0x57: {  	_ =	shalt  }
0x58: {  	_ =	shalt  }
0x59: {  	_ =	shalt  }
0x5a: {  	_ =	shalt  }
0x5b: {  	_ =	shalt  }
0x5c: {  	_ =	shalt  }
0x5d: {  	_ =	shalt  }
0x5e: {  	_ =	shalt  }
0x5f: {  	_ =	shalt  }
0x60: {  	_ =	shalt  }
0x61: {  	_ =	shalt  }
0x62: {  	_ =	shalt  }
0x63: {  	_ =	shalt  }
0x64: {  	_ =	shalt  }
0x65: {  	_ =	shalt  }
0x66: {  	_ =	shalt  }
0x67: {  	_ =	shalt  }
0x68: {  	_ =	shalt  }
0x69: {  	_ =	shalt  }
0x6a: {  	_ =	shalt  }
0x6b: {  	_ =	shalt  }
0x6c: {  	_ =	shalt  }
0x6d: {  	_ =	shalt  }
0x6e: {  	_ =	shalt  }
0x6f: {  	_ =	shalt  }
0x70: {  	_ =	shalt  }
0x71: {  	_ =	shalt  }
0x72: {  	_ =	shalt  }
0x73: {  	_ =	shalt  }
0x74: {  	_ =	shalt  }
0x75: {  	_ =	shalt  }
0x76: {  	_ =	shalt  }
0x77: {  	_ =	shalt  }
0x78: {  	_ =	shalt  }
0x79: {  	_ =	shalt  }
0x7a: {  	_ =	shalt  }
0x7b: {  	_ =	shalt  }
0x7c: {  	_ =	shalt  }
0x7d: {  	_ =	shalt  }
0x7e: {  	_ =	shalt  }
0x7f: {  	_ =	shalt  }
0x80: {  	_ =	shalt  }
0x81: {  	_ =	shalt  }
0x82: {  	_ =	shalt  }
0x83: {  	_ =	shalt  }
0x84: {  	_ =	shalt  }
0x85: {  	_ =	shalt  }
0x86: {  	_ =	shalt  }
0x87: {  	_ =	shalt  }
.Lfunc_end0:
.L_simem_size_0:
called_computation_lowered:
.L_overlay_start_0:
0x88: {  	s2 =	sld [smem:$0x3FD9]  }
0x89: {  	s3 =	sld [smem:$0x3FFE];
	_ =	sdelay $0x1  }
0x8a: {  	s1 =	srdreg.scid  }
0x8b: {  	s0 =	sand.u32 $0x1, s1  }
0x8c: {  	s17 =	sshll.u32 s0, $0xA;
	s2 =	sadd.s32 s3, s2  }
0x8d: {  	s2 =	sadd.s32 s2, s17  }
0x8e: {  	[smem:$0x3FBC] =	sst s2  }
0x8f: {  	_ = 	snop  }
0x90: {  	s2 =	sld [smem:$0x3FC6]  }
0x91: {  	s18 =	sld [smem:$0x3FD0];
	(tm) =	ssettm $0x1  }
0x92: {  	s4 =	sld [smem:$0x3FFB];
	_ =	sdelay $0x3  }
0x93: {  	_ =	strace s4  }
0x94: {  	s4 =	sld [smem:$0x3FFC];
	_ =	sdelay $0x3  }
0x95: {  	_ =	strace s4  }
0x96: {  	s4 =	sld [smem:$0x3FFD];
	_ =	sdelay $0x3  }
0x97: {  	_ =	strace s4  }
0x98: {  	_ =	strace $0x8FFFFFFF  }
0x99: {  	s19 =	sld [smem:$0x3FDB];
	_ =	sdelay $0x1  }
0x9a: {  	s5 =	simm.s32 $_scs_section_size  }
0x9b: {  	s6 =	simm.s32 $_size__tile_overlayer_lowered;
	s7 =	simm.s32 $_tile_overlayer_lowered  }
0x9c: {  	s22 =	simm.s32 $0x1BFF;
	s21 =	sshll.u32 s7, $0x1;
	s4 =	sadd.s32 s5, s19  }
0x9d: {  	s8 =	simm.s32 $0x0;
	s20 =	sshll.u32 s6, $0x1;
	s6 =	sadd.s32 s21, s4  }
0x9e: {  	[timem:s8], [sflag:s22] =	dma.local [hbm:s6], s20  }
0x9f: {  	_ =	swait.ge [sflag:s22], s20  }
0xa0: {  	s5 =	ssub.s32 $0x0, s20;
	[sflag:s22] =	ssyncset.done $0x0  }
0xa1: {  	[sflag:s22] =	ssyncadd.s32 s5;
	_ =	sdelay $0x1  }
0xa2: {  	s23 =	simm.s32 $0x1B8B  }
0xa3: {  	_ =	swait.ge [sflag:s23], $0x1  }
0xa4: {  	[sflag:s23] =	ssyncset.done $0x0  }
0xa5: {  	s25 =	simm.s32 $0x1B8E;
	s24 =	sld [smem:$0x3FFE];
	[sflag:s23] =	ssyncadd.s32 $0xFFFFFFFF  }
0xa6: {  	s26 =	simm.s32 $execute0_lowered;
	[smem:$0x3FD2] =	sst s25  }
0xa7: {  	s6 =	sshll.u32 s26, $0x1;
	_ =	strace $0x80000046;
	[dreg:$0x1] =	wrdreg $0xFFFFFFFF  }
0xa8: {  	s28 =	simm.s32 $_size_execute0_lowered;
	s4 =	sadd.s32 s4, s6;
	[dreg:$0x0] =	wrdreg $0x0  }
0xa9: {  	s6 =	sshll.u32 s28, $0x1;
	[dreg:$0x2] =	wrdreg s4  }
0xaa: {  	[dreg:$0x3] =	wrdreg s6  }
0xab: {  	[dreg:$0x4] =	wrdreg $0xC0  }
0xac: {  	_ =	task [dreg:s8], $0x5FFFF  }
0xad: {  	[dreg:$0x1] =	wrdreg $0xFFFFFFFF  }
0xae: {  	[dreg:$0x0] =	wrdreg $0x60  }
0xaf: {  	[dreg:$0x2] =	wrdreg s2  }
0xb0: {  	[dreg:$0x3] =	wrdreg s24  }
0xb1: {  	[dreg:$0x4] =	wrdreg s18  }
0xb2: {  	[dreg:$0x5] =	wrdreg $0x9  }
0xb3: {  	_ =	task.clear_ibuf [dreg:s8], $0x6FFFF;
	_ =	strace $0x90000046  }
0xb4: {  	s29 =	simm.s32 $0x9;
	_ =	strace $0x80000048  }
0xb5: {  	_ =	swait.ge [sflag:s29], $0x1  }
0xb6: {  	[sflag:s29] =	ssyncadd.s32 $0xFFFFFFFF  }
0xb7: {  	_ =	strace $0x90000048  }
0xb8: {  	_ =	sfence  }
0xb9: {  	s30 =	sld [smem:$0x0];
	_ =	sdelay $0x2  }
0xba: {  	s31 =	sshll.u32 s1, $0xD;
	s1 =	sshrl.u32 s1, $0x2  }
0xbb: {  	s3 =	sand.u32 $0x4000, s31;
	s1 =	sadd.s32 s1, s30  }
0xbc: {  	s0 =	sor.u32 s3, s0;
	s1 =	sshll.u32 s1, $0x11  }
0xbd: {  	s0 =	sor.u32 s1, s0  }
0xbe: {  	s0 =	sadd.s32 $0x8F2B, s0  }
0xbf: {  	[sflag:s0] =	ssyncadd.remote.s32 $0x1  }
0xc0: {  	_ =	sfence.sel $0xFFFF  }
0xc1: {  	[dreg:$0x0] =	wrdreg $0xFFFFFFFF;
	(pc) =	sbr.abs _section_cstart, $3  }
0xc2: {  	[dreg:$0x1] =	wrdreg $0xFFFFFFFF  }
0xc3: {  	_ =	task.clear_ibuf [dreg:s8], $0x2FFFF;
	_ =	strace $0x9FFFFFFF  }
0xc4: {  	(tm) =	ssettm $0x7FFFFFFF  }
0xc5: {  	_ =	shalt  }
tec
execute0_lowered:
.L_overlay_start_1:
0x0: {  	(tag) =	ssettag $0x1  }
0x1: {  	s15 =	rddreg [dreg:$0x0]  }
0x2: {  	s0 =	rddreg [dreg:$0x1];
	s1 =	srdreg.scid  }
0x3: {  	s2 =	stileid.u32;
	s6 =	rddreg [dreg:$0x2];
	s4 =	simm.s32 $0x0  }
0x4: {  	s14 =	simm.s32 $0x186C0;
	s16 =	simm.s32 $0x86C0;
	s17 =	simm.s32 $0x6C0  }
0x5: {  	s18 =	simm.s32 $0x300;
	s19 =	simm.s32 $0x360;
	s20 =	simm.s32 $0x660  }
0x6: {  	s12 =	simm.s32 $0x3AC0;
	s28 =	simm.s32 $0x72C0;
	s29 =	simm.s32 $0x7AC0  }
0x7: {  	s30 =	simm.s32 $0x82C0;
	s31 =	simm.s32 $0x1;
	s1 =	sand.u32 $0x1, s1  }
0x8: {  	s2 =	sshll.u32 s2, $0x1;
	[smem:$0x7FF] =	sst s4;
	s21 =	sadd.s32 $0x1600, s0  }
0x9: {  	s22 =	sadd.s32 $0x3600, s0;
	s8 =	sadd.s32 $0x3A00, s0;
	s11 =	sadd.s32 $0x3A80, s0  }
0xa: {  	s2 =	sor.u32 s1, s2;
	_ =	strace $0x80000047;
	[dreg:$0x5] =	wrdreg s21  }
0xb: {  	[dreg:$0x6] =	wrdreg s22;
	s1 =	ssub.s32 $0x2, s1;
	s7 =	smul.u32 $0x660, s2  }
0xc: {  	s21 =	simm.s32 $0x42C0;
	s22 =	simm.s32 $0x4AC0;
	s3 =	sshrl.u32 s1, $0x1  }
0xd: {  	s1 =	ssub.s32 s1, s3;
	s3 =	simm.s32 $0x3;
	s23 =	smin.u32 s7, $0xC320  }
0xe: {  	[dreg:$0x4] =	wrdreg s7;
	s25 =	sadd.s32 $0x30, s7;
	s26 =	smax.u32 s1, $0x1  }
0xf: {  	s1 =	simm.s32 $0x0;
	s5 =	sshll.u32 s23, $0x1;
	[dreg:$0x9] =	wrdreg s25  }
0x10: {  	s2 =	sshrl.u32 s23, $0x2;
	[dreg:$0xa] =	wrdreg s26;
	s23 =	simm.s32 $0x52C0  }
0x11: {  	s25 =	simm.s32 $0x62C0;
	s26 =	simm.s32 $0x6AC0;
	s24 =	sadd.s32 s15, s5  }
0x12: {  	v0 =	vlaneseq.u32;
	s2 =	sadd.s32 s6, s2;
	s5 =	simm.s32 $0x32C0;
	[dreg:$0x7] =	wrdreg s24  }
0x13: {  	v2 =	vimm.f32 $0.0e+00;
	v1 =	vadd.s32 $0x6C, v0;
	v3 =	vor.u32 $0x70, v0;
	[dreg:$0x8] =	wrdreg s2;
	s24 =	simm.s32 $0x5AC0;
	s2 =	simm.s32 $0x2  }
.LBB2_1:
0x14: {  	[dreg:$0xb] =	wrdreg s1  }
0x15: {  	s0 =	rddreg [dreg:$0x6]  }
0x16: {  	[tilespmem:s14], [sflag:$0x3] =	stream.linear.gather [hbm4b:s0+s4], $0x2000, $0x38;
	[tilespmem:$0x1A6C0] =	vst v63  }
0x17: {  	_ =	swait.ge [sflag:s3], $0x2000  }
0x18: {  	[sflag:s3] =	ssyncset.done $0x0  }
0x19: {  	s13 =	rddreg [dreg:$0x5];
	[sflag:s3] =	ssyncadd.s32 $0xFFFFE000  }
0x1a: {  	[tilespmem:s16], [sflag:$0x3] =	stream.linear.gather [hbm4b:s13+s4], $0x10000, $0x38;
	[tilespmem:$0x1A6C0] =	vst v63  }
0x1b: {  	_ =	swait.ge [sflag:s3], $0x10000  }
0x1c: {  	[sflag:s3] =	ssyncset.done $0x0  }
0x1d: {  	s0 =	simm.s32 $0x0;
	[sflag:s3] =	ssyncadd.s32 $0xFFFF0000  }
.LBB2_2:
0x1e: {  	s1 =	sshll.u32 s0, $0xB  }
0x1f: {  	s7 =	sadd.s32 $0x0, s1  }
0x20: {  	s6 =	simm.s32 $0x1;
	v5 =	vor.u32 s7, v1;
	v4 =	vor.u32 s7, v3  }
.LBB2_3:
0x21: {  	p0 =	sne.s32 s6, $0xF  }
.Ltmp0:
0x22: {  	_ = 	snop;
	(pc) =	sbr.rel @p0 .LBB2_3-.Ltmp0, $4  }
0x23: {  	_ = 	snop  }
0x24: {  	s7 =	sshll.u32 s6, $0x7  }
0x25: {  	[tilespmem:v5+s17+$0x0] =	vst.idx.msk $0xffff, v2;
	s7 =	sadd.s32 s1, s7  }
0x26: {  	s6 =	sadd.s32 $0x1, s6;
	[tilespmem:v4+s17+$0x0] =	vst.idx.msk $0xffff, v2;
	v5 =	vor.u32 s7, v1;
	v4 =	vor.u32 s7, v3  }
0x27: {  	s0 =	sadd.s32 $0x1, s0  }
0x28: {  	p0 =	sne.s32 s0, $0x10  }
.Ltmp1:
0x29: {  	_ = 	snop;
	(pc) =	sbr.rel @p0 .LBB2_2-.Ltmp1, $3  }
0x2a: {  	_ =	sdelay $0x1  }
0x2b: {  	[tilespmem:v5+s17+$0x0] =	vst.idx.msk $0xffff, v2  }
0x2c: {  	[tilespmem:v4+s17+$0x0] =	vst.idx.msk $0xffff, v2  }
0x2d: {  	s0 =	simm.s32 $0x0;
	s1 =	rddreg [dreg:$0x7]  }
0x2e: {  	[tilespmem:s0], [sflag:$0x3] =	stream.linear.gather [hbm4b:s1+s0], $0x300, $0x38;
	[tilespmem:$0x1A6C0] =	vst v63  }
0x2f: {  	_ =	swait.ge [sflag:s3], $0x300  }
0x30: {  	[sflag:s3] =	ssyncset.done $0x0  }
0x31: {  	s13 =	rddreg [dreg:$0x8];
	[sflag:s3] =	ssyncadd.s32 $0xFFFFFD00  }
0x32: {  	[tilespmem:s18], [sflag:$0x3] =	stream.linear.gather [hbm4b:s13+s0], $0x60, $0x38;
	[tilespmem:$0x1A6C0] =	vst v63  }
0x33: {  	_ =	swait.ge [sflag:s3], $0x60  }
0x34: {  	[sflag:s3] =	ssyncset.done $0x0  }
0x35: {  	[sflag:s3] =	ssyncadd.s32 $0xFFFFFFA0  }
.LBB2_6:
0x36: {  	s6 =	smul.u32 $0x60, s0  }
0x37: {  	s1 =	rddreg [dreg:$0x4]  }
0x38: {  	s7 =	sadd.s32 s1, s6  }
0x39: {  	p0 =	slt.s32 s7, $0xC2F0;
	s1 =	smov.u32 s7  }
0x3a: {  	s1 =	simm.s32 @!p0 $0xC2F0  }
0x3b: {  	s1 =	sadd.s32 $0x30, s1  }
0x3c: {  	s9 =	sshll.u32 s1, $0x1  }
0x3d: {  	s3 =	rddreg [dreg:$0x2];
	s1 =	sshrl.u32 s1, $0x2;
	s9 =	sadd.s32 s15, s9  }
0x3e: {  	[tilespmem:s19], [sflag:$0x1] =	stream.linear.gather [hbm4b:s9+s4], $0x300, $0x38;
	[tilespmem:$0x1A6C0] =	vst v63  }
0x3f: {  	p0 =	seq.s32 s0, $0x0;
	s1 =	sadd.s32 s3, s1  }
0x40: {  	[tilespmem:s20], [sflag:$0x1] =	stream.linear.gather [hbm4b:s1+s4], $0x60, $0x38;
	[tilespmem:$0x1A6C0] =	vst v63  }
0x41: {  	s1 =	simm.s32 @!p0 $0x1  }
0x42: {  	_ =	swait.ge @!p0 [sflag:s1], $0x300  }
0x43: {  	[sflag:s1] =	ssyncset.done @!p0 $0x0  }
0x44: {  	[sflag:s1] =	ssyncadd.s32 @!p0 $0xFFFFFD00  }
0x45: {  	_ =	swait.ge @!p0 [sflag:s1], $0x60  }
0x46: {  	[sflag:s1] =	ssyncset.done @!p0 $0x0  }
0x47: {  	[sflag:s1] =	ssyncadd.s32 @!p0 $0xFFFFFFA0;
	s1 =	simm.s32 @!p0 $0x2  }
0x48: {  	_ =	swait.ge @!p0 [sflag:s1], $0x8000  }
0x49: {  	[sflag:s1] =	ssyncset.done @!p0 $0x0  }
0x4a: {  	s9 =	simm.s32 $0x0;
	[sflag:s1] =	ssyncadd.s32 @!p0 $0xFFFF8000  }
.LBB2_7:
0x4b: {  	s1 =	sshll.u32 s9, $0x4  }
0x4c: {  	v4 =	vor.u32 s1, v0  }
0x4d: {  	v10 =	vshll.u32 v4, $0x4;
	_ =	sdelay $0x4  }
0x4e: {  	v5 =	vld.idx.msk [tilespmem:v10+s4+$0x0], $0xffff;
	_ =	sdelay $0x1  }
0x4f: {  	v6 =	vmul.u32 $0x5556, v4;
	_ =	sdelay $0x1  }
0x50: {  	v6 =	vshrl.u32 v6, $0x10  }
0x51: {  	v7 =	vmul.u32 $0x7FFFFFFD, v6;
	v8 =	vshll.u32 v5, $0x1  }
0x52: {  	s10 =	simm.s32 $0x0;
	v11 =	vshll.u32 v4, $0x1;
	v9 =	vor.u32 $0x1, v8  }
0x53: {  	v13 =	vor.u32 $0x1, v11;
	v5 =	vadd.s32 v4, v7;
	v7 =	vmov s10  }
0x54: {  	v4 =	vshll.u32 v6, $0x7;
	v12 =	vshll.u32 v5, $0x1;
	v6 =	vshll.u32 v7, $0xB  }
0x55: {  	v5 =	vadd.s32 $0x60, v12;
	v14 =	vadd.s32 v4, v6  }
0x56: {  	v6 =	vadd.s32 $0x61, v12;
	v16 =	vadd.s32 v14, v5;
	v15 =	vld.idx.msk [tilespmem:v8+s14+$0x0], $0xffff  }
0x57: {  	v7 =	vadd.s32 $0x66, v12;
	v18 =	vadd.s32 v6, v14;
	v17 =	vld.idx.msk [tilespmem:v9+s14+$0x0], $0xffff  }
0x58: {  	v19 =	vadd.s32 v7, v14;
	v9 =	vld.idx.msk [tilespmem:v11+s18+$0x0], $0xffff;
	v11 =	vadd.s32 $0x67, v12  }
0x59: {  	v10 =	vor.u32 $0x1, v10;
	v8 =	vld.idx.msk [tilespmem:v13+s18+$0x0], $0xffff;
	v12 =	vadd.s32 v11, v14  }
0x5a: {  	v13 =	vadd.s32 s10, v10  }
0x5b: {  	[tilespmem:v16+s17+$0x0] =	vst.idx.msk $0xffff, v15  }
0x5c: {  	[tilespmem:v18+s17+$0x0] =	vst.idx.msk $0xffff, v17  }
0x5d: {  	s1 =	simm.s32 $0x1;
	[tilespmem:v19+s17+$0x0] =	vst.idx.msk $0xffff, v9  }
.LBB2_8:
0x5e: {  	p0 =	sne.s32 s1, $0xF;
	[tilespmem:v12+s17+$0x0] =	vst.idx.msk $0xffff, v8;
	s10 =	smov.u32 s1;
	s1 =	sadd.s32 $0x1, s1  }
0x5f: {  	v12 =	vld.idx.msk [tilespmem:v13+s4+$0x0], $0xffff;
	_ =	sdelay $0x5  }
0x60: {  	v12 =	vshll.u32 v12, $0x1  }
0x61: {  	v13 =	vor.u32 $0x1, v12;
	_ =	sdelay $0x1  }
0x62: {  	v14 =	vmov s10  }
0x63: {  	v14 =	vshll.u32 v14, $0xB  }
0x64: {  	v15 =	vld.idx.msk [tilespmem:v12+s14+$0x0], $0xffff;
	v12 =	vadd.s32 v4, v14  }
0x65: {  	v14 =	vld.idx.msk [tilespmem:v13+s14+$0x0], $0xffff;
	v16 =	vadd.s32 v12, v5  }
0x66: {  	v17 =	vadd.s32 v6, v12  }
0x67: {  	v18 =	vadd.s32 v7, v12  }
.Ltmp2:
0x68: {  	v12 =	vadd.s32 v11, v12;
	(pc) =	sbr.rel @p0 .LBB2_8-.Ltmp2, $4  }
0x69: {  	v13 =	vadd.s32 s10, v10  }
0x6a: {  	[tilespmem:v16+s17+$0x0] =	vst.idx.msk $0xffff, v15  }
0x6b: {  	[tilespmem:v17+s17+$0x0] =	vst.idx.msk $0xffff, v14  }
0x6c: {  	[tilespmem:v18+s17+$0x0] =	vst.idx.msk $0xffff, v9  }
0x6d: {  	s9 =	sadd.s32 $0x1, s9  }
0x6e: {  	p0 =	sne.s32 s9, $0x3  }
.Ltmp3:
0x6f: {  	_ = 	snop;
	(pc) =	sbr.rel @p0 .LBB2_7-.Ltmp3, $2  }
0x70: {  	_ =	sdelay $0x2  }
0x71: {  	[tilespmem:v12+s17+$0x0] =	vst.idx.msk $0xffff, v8  }
0x72: {  	s9 =	simm.s32 $0x0  }
0x73: {  	v4 =	vld [tilespmem:s9+$0x0];
	_ =	sdelay $0x4  }
0x74: {  	v4 =	vshll.u32 v4, $0x4  }
0x75: {  	v5 =	vbroadcast v4, $0x0;
	_ =	sdelay $0x1  }
0x76: {  	v5 =	vor.u32 v0, v5;
	_ =	sdelay $0x4  }
0x77: {  	v5 =	vld.idx.msk [tilespmem:v5+s16+$0x0], $0xffff  }
0x78: {  	v6 =	vbroadcast v4, $0x1;
	_ =	sdelay $0x1  }
0x79: {  	s1 =	simm.s32 $0x0;
	v6 =	vor.u32 v0, v6  }
0x7a: {  	s1 =	sand.u32 $0x1FFFE0, s1  }
0x7b: {  	s10 =	sadd.s32 $0x0, s1;
	v7 =	vshll.u32 v5, $0x10  }
0x7c: {  	v5 =	vand.u32 $0xFFFF0000, v5;
	[tilespmem:s10+$0x6C0] =	vst v7  }
0x7d: {  	[tilespmem:s10+$0x6D0] =	vst v5  }
0x7e: {  	v5 =	vld.idx.msk [tilespmem:v6+s16+$0x0], $0xffff  }
0x7f: {  	v6 =	vbroadcast v4, $0x2;
	_ =	sdelay $0x1  }
0x80: {  	v6 =	vor.u32 v0, v6;
	_ =	sdelay $0x1  }
0x81: {  	v7 =	vshll.u32 v5, $0x10  }
0x82: {  	v5 =	vand.u32 $0xFFFF0000, v5;
	[tilespmem:s10+$0xEC0] =	vst v7  }
0x83: {  	[tilespmem:s10+$0xED0] =	vst v5  }
0x84: {  	v5 =	vld.idx.msk [tilespmem:v6+s16+$0x0], $0xffff  }
0x85: {  	v6 =	vbroadcast v4, $0x3;
	_ =	sdelay $0x1  }
0x86: {  	v6 =	vor.u32 v0, v6;
	_ =	sdelay $0x1  }
0x87: {  	v7 =	vshll.u32 v5, $0x10  }
0x88: {  	v5 =	vand.u32 $0xFFFF0000, v5;
	[tilespmem:s10+$0x16C0] =	vst v7  }
0x89: {  	[tilespmem:s10+$0x16D0] =	vst v5  }
0x8a: {  	v5 =	vld.idx.msk [tilespmem:v6+s16+$0x0], $0xffff  }
0x8b: {  	v6 =	vbroadcast v4, $0x4;
	_ =	sdelay $0x1  }
0x8c: {  	v6 =	vor.u32 v0, v6;
	_ =	sdelay $0x1  }
0x8d: {  	v7 =	vshll.u32 v5, $0x10  }
0x8e: {  	v5 =	vand.u32 $0xFFFF0000, v5;
	[tilespmem:s10+$0x1EC0] =	vst v7  }
0x8f: {  	[tilespmem:s10+$0x1ED0] =	vst v5  }
0x90: {  	v5 =	vld.idx.msk [tilespmem:v6+s16+$0x0], $0xffff  }
0x91: {  	v6 =	vbroadcast v4, $0x5;
	_ =	sdelay $0x1  }
0x92: {  	v6 =	vor.u32 v0, v6;
	_ =	sdelay $0x1  }
0x93: {  	v7 =	vshll.u32 v5, $0x10  }
0x94: {  	v5 =	vand.u32 $0xFFFF0000, v5;
	[tilespmem:s10+$0x26C0] =	vst v7  }
0x95: {  	[tilespmem:s10+$0x26D0] =	vst v5  }
0x96: {  	v5 =	vld.idx.msk [tilespmem:v6+s16+$0x0], $0xffff  }
0x97: {  	v6 =	vbroadcast v4, $0x6;
	_ =	sdelay $0x1  }
0x98: {  	v6 =	vor.u32 v0, v6;
	_ =	sdelay $0x1  }
0x99: {  	v7 =	vshll.u32 v5, $0x10  }
0x9a: {  	v5 =	vand.u32 $0xFFFF0000, v5;
	[tilespmem:s10+$0x2EC0] =	vst v7  }
0x9b: {  	[tilespmem:s10+$0x2ED0] =	vst v5  }
0x9c: {  	v5 =	vld.idx.msk [tilespmem:v6+s16+$0x0], $0xffff  }
0x9d: {  	v6 =	vbroadcast v4, $0x7;
	_ =	sdelay $0x1  }
0x9e: {  	v6 =	vor.u32 v0, v6;
	_ =	sdelay $0x1  }
0x9f: {  	v7 =	vshll.u32 v5, $0x10  }
0xa0: {  	v5 =	vand.u32 $0xFFFF0000, v5;
	[tilespmem:s10+$0x36C0] =	vst v7  }
0xa1: {  	[tilespmem:s10+$0x36D0] =	vst v5  }
0xa2: {  	v5 =	vld.idx.msk [tilespmem:v6+s16+$0x0], $0xffff  }
0xa3: {  	v6 =	vbroadcast v4, $0x8;
	_ =	sdelay $0x1  }
0xa4: {  	v6 =	vor.u32 v0, v6;
	_ =	sdelay $0x1  }
0xa5: {  	v7 =	vshll.u32 v5, $0x10  }
0xa6: {  	v5 =	vand.u32 $0xFFFF0000, v5;
	[tilespmem:s10+$0x3EC0] =	vst v7  }
0xa7: {  	[tilespmem:s10+$0x3ED0] =	vst v5  }
0xa8: {  	v5 =	vld.idx.msk [tilespmem:v6+s16+$0x0], $0xffff  }
0xa9: {  	v6 =	vbroadcast v4, $0x9;
	_ =	sdelay $0x1  }
0xaa: {  	v6 =	vor.u32 v0, v6;
	_ =	sdelay $0x1  }
0xab: {  	v7 =	vshll.u32 v5, $0x10  }
0xac: {  	v5 =	vand.u32 $0xFFFF0000, v5;
	[tilespmem:s10+$0x46C0] =	vst v7  }
0xad: {  	[tilespmem:s10+$0x46D0] =	vst v5  }
0xae: {  	v5 =	vld.idx.msk [tilespmem:v6+s16+$0x0], $0xffff  }
0xaf: {  	v6 =	vbroadcast v4, $0xA;
	_ =	sdelay $0x1  }
0xb0: {  	v6 =	vor.u32 v0, v6;
	_ =	sdelay $0x1  }
0xb1: {  	v7 =	vshll.u32 v5, $0x10  }
0xb2: {  	v5 =	vand.u32 $0xFFFF0000, v5;
	[tilespmem:s10+$0x4EC0] =	vst v7  }
0xb3: {  	[tilespmem:s10+$0x4ED0] =	vst v5  }
0xb4: {  	v5 =	vld.idx.msk [tilespmem:v6+s16+$0x0], $0xffff  }
0xb5: {  	v6 =	vbroadcast v4, $0xB;
	_ =	sdelay $0x1  }
0xb6: {  	v6 =	vor.u32 v0, v6;
	_ =	sdelay $0x1  }
0xb7: {  	v7 =	vshll.u32 v5, $0x10  }
0xb8: {  	v5 =	vand.u32 $0xFFFF0000, v5;
	[tilespmem:s10+$0x56C0] =	vst v7  }
0xb9: {  	[tilespmem:s10+$0x56D0] =	vst v5  }
0xba: {  	v5 =	vld.idx.msk [tilespmem:v6+s16+$0x0], $0xffff  }
0xbb: {  	v6 =	vbroadcast v4, $0xC;
	_ =	sdelay $0x1  }
0xbc: {  	v6 =	vor.u32 v0, v6;
	_ =	sdelay $0x1  }
0xbd: {  	v7 =	vshll.u32 v5, $0x10  }
0xbe: {  	v5 =	vand.u32 $0xFFFF0000, v5;
	[tilespmem:s10+$0x5EC0] =	vst v7  }
0xbf: {  	[tilespmem:s10+$0x5ED0] =	vst v5  }
0xc0: {  	v5 =	vld.idx.msk [tilespmem:v6+s16+$0x0], $0xffff  }
0xc1: {  	v6 =	vbroadcast v4, $0xD;
	_ =	sdelay $0x1  }
0xc2: {  	v6 =	vor.u32 v0, v6;
	_ =	sdelay $0x1  }
0xc3: {  	v7 =	vshll.u32 v5, $0x10  }
0xc4: {  	v5 =	vand.u32 $0xFFFF0000, v5;
	[tilespmem:s10+$0x66C0] =	vst v7  }
0xc5: {  	[tilespmem:s10+$0x66D0] =	vst v5  }
0xc6: {  	v5 =	vld.idx.msk [tilespmem:v6+s16+$0x0], $0xffff  }
0xc7: {  	v6 =	vbroadcast v4, $0xE;
	_ =	sdelay $0x1  }
0xc8: {  	v6 =	vor.u32 v0, v6;
	_ =	sdelay $0x1  }
0xc9: {  	v7 =	vshll.u32 v5, $0x10  }
0xca: {  	v4 =	vbroadcast v4, $0xF;
	v5 =	vand.u32 $0xFFFF0000, v5;
	[tilespmem:s10+$0x6EC0] =	vst v7  }
0xcb: {  	[tilespmem:s10+$0x6ED0] =	vst v5  }
0xcc: {  	s3 =	smov.u32 s15;
	s13 =	simm.s32 $0x80;
	s15 =	simm.s32 $0x0;
	v4 =	vor.u32 v0, v4;
	v5 =	vld.idx.msk [tilespmem:v6+s16+$0x0], $0xffff  }
.LBB2_11:
0xcd: {  	p0 =	sne.s32 s13, $0xB80;
	s9 =	sadd.s32 $0x10, s9;
	s15 =	sadd.s32 $0x5556, s15  }
0xce: {  	s1 =	smov.u32 s13;
	s13 =	sadd.s32 $0x80, s13;
	_ =	sdelay $0x3  }
0xcf: {  	v6 =	vshll.u32 v5, $0x10;
	v5 =	vand.u32 $0xFFFF0000, v5  }
0xd0: {  	[tilespmem:s10+$0x76C0] =	vst v6  }
0xd1: {  	[tilespmem:s10+$0x76D0] =	vst v5  }
0xd2: {  	v4 =	vld.idx.msk [tilespmem:v4+s16+$0x0], $0xffff;
	_ =	sdelay $0x5  }
0xd3: {  	v5 =	vshll.u32 v4, $0x10;
	v4 =	vand.u32 $0xFFFF0000, v4  }
0xd4: {  	[tilespmem:s10+$0x7EC0] =	vst v5  }
0xd5: {  	[tilespmem:s10+$0x7ED0] =	vst v4  }
0xd6: {  	v4 =	vld [tilespmem:s9+$0x0];
	_ =	sdelay $0x4  }
0xd7: {  	v4 =	vshll.u32 v4, $0x4  }
0xd8: {  	v5 =	vbroadcast v4, $0x0;
	v10 =	vbroadcast v4, $0x1  }
0xd9: {  	v11 =	vbroadcast v4, $0x2;
	v12 =	vbroadcast v4, $0x3  }
0xda: {  	v13 =	vbroadcast v4, $0x4;
	v14 =	vbroadcast v4, $0x5;
	v5 =	vor.u32 v0, v5  }
0xdb: {  	v15 =	vbroadcast v4, $0x6;
	v16 =	vbroadcast v4, $0x7  }
0xdc: {  	v17 =	vbroadcast v4, $0x8;
	v18 =	vbroadcast v4, $0x9  }
0xdd: {  	v9 =	vbroadcast v4, $0xA;
	v8 =	vbroadcast v4, $0xB  }
0xde: {  	v7 =	vbroadcast v4, $0xC;
	v6 =	vbroadcast v4, $0xD  }
0xdf: {  	v19 =	vld.idx.msk [tilespmem:v5+s16+$0x0], $0xffff;
	v5 =	vbroadcast v4, $0xE;
	v4 =	vbroadcast v4, $0xF;
	_ =	sdelay $0x2  }
0xe0: {  	v10 =	vor.u32 v0, v10  }
0xe1: {  	s10 =	sshrl.u32 s15, $0xB  }
0xe2: {  	s1 =	sshra.s32 s1, $0x2;
	s10 =	sand.u32 $0x1FFFE0, s10  }
0xe3: {  	s10 =	sadd.s32 s1, s10;
	v20 =	vshll.u32 v19, $0x10;
	v19 =	vand.u32 $0xFFFF0000, v19  }
0xe4: {  	[tilespmem:s10+$0x6C0] =	vst v20  }
0xe5: {  	[tilespmem:s10+$0x6D0] =	vst v19  }
0xe6: {  	v10 =	vld.idx.msk [tilespmem:v10+s16+$0x0], $0xffff;
	_ =	sdelay $0x1  }
0xe7: {  	v11 =	vor.u32 v0, v11;
	_ =	sdelay $0x3  }
0xe8: {  	v19 =	vshll.u32 v10, $0x10;
	v10 =	vand.u32 $0xFFFF0000, v10  }
0xe9: {  	[tilespmem:s10+$0xEC0] =	vst v19  }
0xea: {  	[tilespmem:s10+$0xED0] =	vst v10  }
0xeb: {  	v10 =	vld.idx.msk [tilespmem:v11+s16+$0x0], $0xffff  }
0xec: {  	v11 =	vor.u32 v0, v12;
	_ =	sdelay $0x4  }
0xed: {  	v12 =	vshll.u32 v10, $0x10;
	v10 =	vand.u32 $0xFFFF0000, v10  }
0xee: {  	[tilespmem:s10+$0x16C0] =	vst v12  }
0xef: {  	[tilespmem:s10+$0x16D0] =	vst v10  }
0xf0: {  	v10 =	vld.idx.msk [tilespmem:v11+s16+$0x0], $0xffff;
	v11 =	vor.u32 v0, v13;
	_ =	sdelay $0x5  }
0xf1: {  	v12 =	vshll.u32 v10, $0x10;
	v10 =	vand.u32 $0xFFFF0000, v10  }
0xf2: {  	[tilespmem:s10+$0x1EC0] =	vst v12  }
0xf3: {  	[tilespmem:s10+$0x1ED0] =	vst v10;
	v10 =	vor.u32 v0, v14  }
0xf4: {  	v11 =	vld.idx.msk [tilespmem:v11+s16+$0x0], $0xffff;
	_ =	sdelay $0x5  }
0xf5: {  	v12 =	vshll.u32 v11, $0x10;
	v11 =	vand.u32 $0xFFFF0000, v11  }
0xf6: {  	[tilespmem:s10+$0x26C0] =	vst v12;
	v12 =	vor.u32 v0, v15  }
0xf7: {  	[tilespmem:s10+$0x26D0] =	vst v11  }
0xf8: {  	v10 =	vld.idx.msk [tilespmem:v10+s16+$0x0], $0xffff;
	_ =	sdelay $0x5  }
0xf9: {  	v13 =	vor.u32 v0, v16;
	v11 =	vshll.u32 v10, $0x10;
	v10 =	vand.u32 $0xFFFF0000, v10  }
0xfa: {  	[tilespmem:s10+$0x2EC0] =	vst v11  }
0xfb: {  	[tilespmem:s10+$0x2ED0] =	vst v10  }
0xfc: {  	v10 =	vld.idx.msk [tilespmem:v12+s16+$0x0], $0xffff;
	_ =	sdelay $0x4  }
0xfd: {  	v11 =	vor.u32 v0, v17  }
0xfe: {  	v12 =	vshll.u32 v10, $0x10;
	v10 =	vand.u32 $0xFFFF0000, v10  }
0xff: {  	[tilespmem:s10+$0x36C0] =	vst v12  }
0x100: {  	[tilespmem:s10+$0x36D0] =	vst v10  }
0x101: {  	v10 =	vld.idx.msk [tilespmem:v13+s16+$0x0], $0xffff;
	_ =	sdelay $0x3  }
0x102: {  	v12 =	vor.u32 v0, v18;
	_ =	sdelay $0x1  }
0x103: {  	v13 =	vshll.u32 v10, $0x10;
	v10 =	vand.u32 $0xFFFF0000, v10  }
0x104: {  	[tilespmem:s10+$0x3EC0] =	vst v13  }
0x105: {  	[tilespmem:s10+$0x3ED0] =	vst v10  }
0x106: {  	v10 =	vld.idx.msk [tilespmem:v11+s16+$0x0], $0xffff;
	_ =	sdelay $0x2  }
0x107: {  	v9 =	vor.u32 v0, v9;
	_ =	sdelay $0x2  }
0x108: {  	v11 =	vshll.u32 v10, $0x10;
	v10 =	vand.u32 $0xFFFF0000, v10  }
0x109: {  	[tilespmem:s10+$0x46C0] =	vst v11  }
0x10a: {  	[tilespmem:s10+$0x46D0] =	vst v10  }
0x10b: {  	v10 =	vld.idx.msk [tilespmem:v12+s16+$0x0], $0xffff;
	_ =	sdelay $0x1  }
0x10c: {  	v8 =	vor.u32 v0, v8;
	_ =	sdelay $0x3  }
0x10d: {  	v11 =	vshll.u32 v10, $0x10;
	v10 =	vand.u32 $0xFFFF0000, v10  }
0x10e: {  	[tilespmem:s10+$0x4EC0] =	vst v11  }
0x10f: {  	[tilespmem:s10+$0x4ED0] =	vst v10  }
0x110: {  	v9 =	vld.idx.msk [tilespmem:v9+s16+$0x0], $0xffff  }
0x111: {  	v7 =	vor.u32 v0, v7;
	_ =	sdelay $0x4  }
0x112: {  	v10 =	vshll.u32 v9, $0x10;
	v9 =	vand.u32 $0xFFFF0000, v9  }
0x113: {  	[tilespmem:s10+$0x56C0] =	vst v10  }
0x114: {  	[tilespmem:s10+$0x56D0] =	vst v9  }
0x115: {  	v6 =	vor.u32 v0, v6;
	v8 =	vld.idx.msk [tilespmem:v8+s16+$0x0], $0xffff;
	_ =	sdelay $0x5  }
0x116: {  	v9 =	vshll.u32 v8, $0x10;
	v8 =	vand.u32 $0xFFFF0000, v8  }
0x117: {  	[tilespmem:s10+$0x5EC0] =	vst v9  }
0x118: {  	v5 =	vor.u32 v0, v5;
	[tilespmem:s10+$0x5ED0] =	vst v8  }
0x119: {  	v7 =	vld.idx.msk [tilespmem:v7+s16+$0x0], $0xffff;
	_ =	sdelay $0x5  }
0x11a: {  	v8 =	vshll.u32 v7, $0x10;
	v7 =	vand.u32 $0xFFFF0000, v7  }
0x11b: {  	v4 =	vor.u32 v0, v4;
	[tilespmem:s10+$0x66C0] =	vst v8  }
0x11c: {  	[tilespmem:s10+$0x66D0] =	vst v7  }
0x11d: {  	v6 =	vld.idx.msk [tilespmem:v6+s16+$0x0], $0xffff;
	_ =	sdelay $0x4  }
.Ltmp4:
0x11e: {  	(pc) =	sbr.rel @p0 .LBB2_11-.Ltmp4, $4  }
0x11f: {  	v7 =	vshll.u32 v6, $0x10;
	v6 =	vand.u32 $0xFFFF0000, v6  }
0x120: {  	[tilespmem:s10+$0x6EC0] =	vst v7  }
0x121: {  	[tilespmem:s10+$0x6ED0] =	vst v6  }
0x122: {  	v5 =	vld.idx.msk [tilespmem:v5+s16+$0x0], $0xffff  }
0x123: {  	_ =	sdelay $0x3  }
0x124: {  	v6 =	vshll.u32 v5, $0x10  }
0x125: {  	v5 =	vand.u32 $0xFFFF0000, v5;
	[tilespmem:s10+$0x76C0] =	vst v6  }
0x126: {  	[tilespmem:s10+$0x76D0] =	vst v5  }
0x127: {  	v4 =	vld.idx.msk [tilespmem:v4+s16+$0x0], $0xffff;
	_ =	sdelay $0x2  }
0x128: {  	s1 =	smulhi.u32 $0xAAAAAAAB, s7;
	_ =	sdelay $0x1  }
0x129: {  	s1 =	sshll.u32 s1, $0x3;
	v5 =	vshll.u32 v4, $0x10  }
0x12a: {  	s7 =	sand.u32 $0xFFFFFFF0, s1;
	v4 =	vand.u32 $0xFFFF0000, v4;
	[tilespmem:s10+$0x7EC0] =	vst v5  }
0x12b: {  	s9 =	simm.s32 $0x0;
	s1 =	sadd.s32 s8, s7;
	[tilespmem:s10+$0x7ED0] =	vst v4  }
0x12c: {  	[hbm4b:s1+s9] =	stream.linear.scatter [tilespmem:s17], [sflag:$0x2], $0x400, $0x38;
	[tilespmem:$0x1A6C0] =	vst v63  }
0x12d: {  	s13 =	simm.s32 $0xEC0;
	s15 =	sadd.s32 $0x44000, s1  }
0x12e: {  	[hbm4b:s15+s9] =	stream.linear.scatter [tilespmem:s13], [sflag:$0x2], $0x400, $0x38;
	[tilespmem:$0x1A6C0] =	vst v63  }
0x12f: {  	s13 =	sadd.s32 $0x88000, s1;
	s15 =	simm.s32 $0x16C0  }
0x130: {  	[hbm4b:s13+s9] =	stream.linear.scatter [tilespmem:s15], [sflag:$0x2], $0x400, $0x38;
	[tilespmem:$0x1A6C0] =	vst v63  }
0x131: {  	s13 =	sadd.s32 $0xCC000, s1;
	s15 =	simm.s32 $0x1EC0  }
0x132: {  	[hbm4b:s13+s9] =	stream.linear.scatter [tilespmem:s15], [sflag:$0x2], $0x400, $0x38;
	[tilespmem:$0x1A6C0] =	vst v63  }
0x133: {  	s13 =	sadd.s32 $0x110000, s1;
	s15 =	simm.s32 $0x26C0  }
0x134: {  	[hbm4b:s13+s9] =	stream.linear.scatter [tilespmem:s15], [sflag:$0x2], $0x400, $0x38;
	[tilespmem:$0x1A6C0] =	vst v63  }
0x135: {  	s13 =	sadd.s32 $0x154000, s1;
	s15 =	simm.s32 $0x2EC0  }
0x136: {  	[hbm4b:s13+s9] =	stream.linear.scatter [tilespmem:s15], [sflag:$0x2], $0x400, $0x38;
	[tilespmem:$0x1A6C0] =	vst v63  }
0x137: {  	s13 =	sadd.s32 $0x198000, s1;
	s15 =	simm.s32 $0x36C0  }
0x138: {  	[hbm4b:s13+s9] =	stream.linear.scatter [tilespmem:s15], [sflag:$0x2], $0x400, $0x38;
	[tilespmem:$0x1A6C0] =	vst v63  }
0x139: {  	s13 =	sadd.s32 $0x1DC000, s1;
	s15 =	simm.s32 $0x3EC0  }
0x13a: {  	[hbm4b:s13+s9] =	stream.linear.scatter [tilespmem:s15], [sflag:$0x2], $0x400, $0x38;
	[tilespmem:$0x1A6C0] =	vst v63  }
0x13b: {  	s13 =	sadd.s32 $0x220000, s1;
	s15 =	simm.s32 $0x46C0  }
0x13c: {  	[hbm4b:s13+s9] =	stream.linear.scatter [tilespmem:s15], [sflag:$0x2], $0x400, $0x38;
	[tilespmem:$0x1A6C0] =	vst v63  }
0x13d: {  	s13 =	sadd.s32 $0x264000, s1;
	s15 =	simm.s32 $0x4EC0  }
0x13e: {  	[hbm4b:s13+s9] =	stream.linear.scatter [tilespmem:s15], [sflag:$0x2], $0x400, $0x38;
	[tilespmem:$0x1A6C0] =	vst v63  }
0x13f: {  	s13 =	sadd.s32 $0x2A8000, s1;
	s15 =	simm.s32 $0x56C0  }
0x140: {  	[hbm4b:s13+s9] =	stream.linear.scatter [tilespmem:s15], [sflag:$0x2], $0x400, $0x38;
	[tilespmem:$0x1A6C0] =	vst v63  }
0x141: {  	s13 =	sadd.s32 $0x2EC000, s1;
	s15 =	simm.s32 $0x5EC0  }
0x142: {  	[hbm4b:s13+s9] =	stream.linear.scatter [tilespmem:s15], [sflag:$0x2], $0x400, $0x38;
	[tilespmem:$0x1A6C0] =	vst v63  }
0x143: {  	s13 =	sadd.s32 $0x330000, s1;
	s15 =	simm.s32 $0x66C0  }
0x144: {  	[hbm4b:s13+s9] =	stream.linear.scatter [tilespmem:s15], [sflag:$0x2], $0x400, $0x38;
	[tilespmem:$0x1A6C0] =	vst v63  }
0x145: {  	s13 =	sadd.s32 $0x374000, s1;
	s15 =	simm.s32 $0x6EC0  }
0x146: {  	[hbm4b:s13+s9] =	stream.linear.scatter [tilespmem:s15], [sflag:$0x2], $0x400, $0x38;
	[tilespmem:$0x1A6C0] =	vst v63  }
0x147: {  	s13 =	sadd.s32 $0x3B8000, s1;
	s15 =	simm.s32 $0x76C0  }
0x148: {  	[hbm4b:s13+s9] =	stream.linear.scatter [tilespmem:s15], [sflag:$0x2], $0x400, $0x38;
	[tilespmem:$0x1A6C0] =	vst v63  }
0x149: {  	s1 =	sadd.s32 $0x3FC000, s1;
	s13 =	simm.s32 $0x7EC0  }
0x14a: {  	[hbm4b:s1+s9] =	stream.linear.scatter [tilespmem:s13], [sflag:$0x2], $0x400, $0x38;
	[tilespmem:$0x1A6C0] =	vst v63  }
0x14b: {  	s9 =	simm.s32 $0x180  }
0x14c: {  	v4 =	vld [tilespmem:s9+$0x0];
	_ =	sdelay $0x4  }
0x14d: {  	v4 =	vshll.u32 v4, $0x4  }
0x14e: {  	v5 =	vbroadcast v4, $0x0;
	_ =	sdelay $0x1  }
0x14f: {  	v5 =	vor.u32 v0, v5;
	_ =	sdelay $0x4  }
0x150: {  	v5 =	vld.idx.msk [tilespmem:v5+s16+$0x0], $0xffff  }
0x151: {  	v6 =	vbroadcast v4, $0x1;
	_ =	sdelay $0x1  }
0x152: {  	s15 =	simm.s32 $0x100;
	v6 =	vor.u32 v0, v6  }
0x153: {  	s1 =	sand.u32 $0x1FFFE0, s15  }
0x154: {  	s10 =	sadd.s32 $0x0, s1;
	v7 =	vshll.u32 v5, $0x10  }
0x155: {  	v5 =	vand.u32 $0xFFFF0000, v5;
	[tilespmem:s10+$0x9C0] =	vst v7  }
0x156: {  	[tilespmem:s10+$0x9D0] =	vst v5  }
0x157: {  	v5 =	vld.idx.msk [tilespmem:v6+s16+$0x0], $0xffff  }
0x158: {  	v6 =	vbroadcast v4, $0x2;
	_ =	sdelay $0x1  }
0x159: {  	v6 =	vor.u32 v0, v6;
	_ =	sdelay $0x1  }
0x15a: {  	v7 =	vshll.u32 v5, $0x10  }
0x15b: {  	v5 =	vand.u32 $0xFFFF0000, v5;
	[tilespmem:s10+$0x11C0] =	vst v7  }
0x15c: {  	[tilespmem:s10+$0x11D0] =	vst v5  }
0x15d: {  	v5 =	vld.idx.msk [tilespmem:v6+s16+$0x0], $0xffff  }
0x15e: {  	v6 =	vbroadcast v4, $0x3;
	_ =	sdelay $0x1  }
0x15f: {  	v6 =	vor.u32 v0, v6;
	_ =	sdelay $0x1  }
0x160: {  	v7 =	vshll.u32 v5, $0x10  }
0x161: {  	v5 =	vand.u32 $0xFFFF0000, v5;
	[tilespmem:s10+$0x19C0] =	vst v7  }
0x162: {  	[tilespmem:s10+$0x19D0] =	vst v5  }
0x163: {  	v5 =	vld.idx.msk [tilespmem:v6+s16+$0x0], $0xffff  }
0x164: {  	v6 =	vbroadcast v4, $0x4;
	_ =	sdelay $0x1  }
0x165: {  	v6 =	vor.u32 v0, v6;
	_ =	sdelay $0x1  }
0x166: {  	v7 =	vshll.u32 v5, $0x10  }
0x167: {  	v5 =	vand.u32 $0xFFFF0000, v5;
	[tilespmem:s10+$0x21C0] =	vst v7  }
0x168: {  	[tilespmem:s10+$0x21D0] =	vst v5  }
0x169: {  	v5 =	vld.idx.msk [tilespmem:v6+s16+$0x0], $0xffff  }
0x16a: {  	v6 =	vbroadcast v4, $0x5;
	_ =	sdelay $0x1  }
0x16b: {  	v6 =	vor.u32 v0, v6;
	_ =	sdelay $0x1  }
0x16c: {  	v7 =	vshll.u32 v5, $0x10  }
0x16d: {  	v5 =	vand.u32 $0xFFFF0000, v5;
	[tilespmem:s10+$0x29C0] =	vst v7  }
0x16e: {  	[tilespmem:s10+$0x29D0] =	vst v5  }
0x16f: {  	v5 =	vld.idx.msk [tilespmem:v6+s16+$0x0], $0xffff  }
0x170: {  	v6 =	vbroadcast v4, $0x6;
	_ =	sdelay $0x1  }
0x171: {  	v6 =	vor.u32 v0, v6;
	_ =	sdelay $0x1  }
0x172: {  	v7 =	vshll.u32 v5, $0x10  }
0x173: {  	v5 =	vand.u32 $0xFFFF0000, v5;
	[tilespmem:s10+$0x31C0] =	vst v7  }
0x174: {  	[tilespmem:s10+$0x31D0] =	vst v5  }
0x175: {  	v5 =	vld.idx.msk [tilespmem:v6+s16+$0x0], $0xffff  }
0x176: {  	v6 =	vbroadcast v4, $0x7;
	_ =	sdelay $0x1  }
0x177: {  	v6 =	vor.u32 v0, v6;
	_ =	sdelay $0x1  }
0x178: {  	v7 =	vshll.u32 v5, $0x10  }
0x179: {  	v5 =	vand.u32 $0xFFFF0000, v5;
	[tilespmem:s10+$0x39C0] =	vst v7  }
0x17a: {  	[tilespmem:s10+$0x39D0] =	vst v5  }
0x17b: {  	v5 =	vld.idx.msk [tilespmem:v6+s16+$0x0], $0xffff  }
0x17c: {  	v6 =	vbroadcast v4, $0x8;
	_ =	sdelay $0x1  }
0x17d: {  	v6 =	vor.u32 v0, v6;
	_ =	sdelay $0x1  }
0x17e: {  	v7 =	vshll.u32 v5, $0x10  }
0x17f: {  	v5 =	vand.u32 $0xFFFF0000, v5;
	[tilespmem:s10+$0x41C0] =	vst v7  }
0x180: {  	[tilespmem:s10+$0x41D0] =	vst v5  }
0x181: {  	v5 =	vld.idx.msk [tilespmem:v6+s16+$0x0], $0xffff  }
0x182: {  	v6 =	vbroadcast v4, $0x9;
	_ =	sdelay $0x1  }
0x183: {  	v6 =	vor.u32 v0, v6;
	_ =	sdelay $0x1  }
0x184: {  	v7 =	vshll.u32 v5, $0x10  }
0x185: {  	v5 =	vand.u32 $0xFFFF0000, v5;
	[tilespmem:s10+$0x49C0] =	vst v7  }
0x186: {  	[tilespmem:s10+$0x49D0] =	vst v5  }
0x187: {  	v5 =	vld.idx.msk [tilespmem:v6+s16+$0x0], $0xffff  }
0x188: {  	v6 =	vbroadcast v4, $0xA;
	_ =	sdelay $0x1  }
0x189: {  	v6 =	vor.u32 v0, v6;
	_ =	sdelay $0x1  }
0x18a: {  	v7 =	vshll.u32 v5, $0x10  }
0x18b: {  	v5 =	vand.u32 $0xFFFF0000, v5;
	[tilespmem:s10+$0x51C0] =	vst v7  }
0x18c: {  	[tilespmem:s10+$0x51D0] =	vst v5  }
0x18d: {  	v5 =	vld.idx.msk [tilespmem:v6+s16+$0x0], $0xffff  }
0x18e: {  	v6 =	vbroadcast v4, $0xB;
	_ =	sdelay $0x1  }
0x18f: {  	v6 =	vor.u32 v0, v6;
	_ =	sdelay $0x1  }
0x190: {  	v7 =	vshll.u32 v5, $0x10  }
0x191: {  	v5 =	vand.u32 $0xFFFF0000, v5;
	[tilespmem:s10+$0x59C0] =	vst v7  }
0x192: {  	[tilespmem:s10+$0x59D0] =	vst v5  }
0x193: {  	v5 =	vld.idx.msk [tilespmem:v6+s16+$0x0], $0xffff  }
0x194: {  	v6 =	vbroadcast v4, $0xC;
	_ =	sdelay $0x1  }
0x195: {  	v6 =	vor.u32 v0, v6;
	_ =	sdelay $0x1  }
0x196: {  	v7 =	vshll.u32 v5, $0x10  }
0x197: {  	v5 =	vand.u32 $0xFFFF0000, v5;
	[tilespmem:s10+$0x61C0] =	vst v7  }
0x198: {  	[tilespmem:s10+$0x61D0] =	vst v5  }
0x199: {  	v5 =	vld.idx.msk [tilespmem:v6+s16+$0x0], $0xffff  }
0x19a: {  	v6 =	vbroadcast v4, $0xD;
	_ =	sdelay $0x1  }
0x19b: {  	v6 =	vor.u32 v0, v6;
	_ =	sdelay $0x1  }
0x19c: {  	v7 =	vshll.u32 v5, $0x10  }
0x19d: {  	v5 =	vand.u32 $0xFFFF0000, v5;
	[tilespmem:s10+$0x69C0] =	vst v7  }
0x19e: {  	[tilespmem:s10+$0x69D0] =	vst v5  }
0x19f: {  	v5 =	vld.idx.msk [tilespmem:v6+s16+$0x0], $0xffff  }
0x1a0: {  	v6 =	vbroadcast v4, $0xE;
	_ =	sdelay $0x1  }
0x1a1: {  	v6 =	vor.u32 v0, v6;
	_ =	sdelay $0x1  }
0x1a2: {  	v7 =	vshll.u32 v5, $0x10  }
0x1a3: {  	v4 =	vbroadcast v4, $0xF;
	v5 =	vand.u32 $0xFFFF0000, v5;
	[tilespmem:s10+$0x71C0] =	vst v7  }
0x1a4: {  	[tilespmem:s10+$0x71D0] =	vst v5  }
0x1a5: {  	s13 =	simm.s32 $0x80010;
	s15 =	simm.s32 $0x80;
	v4 =	vor.u32 v0, v4;
	v5 =	vld.idx.msk [tilespmem:v6+s16+$0x0], $0xffff  }
.LBB2_13:
0x1a6: {  	p0 =	sne.s32 s15, $0xB80;
	s9 =	sadd.s32 $0x10, s9;
	s13 =	sadd.s32 $0x5556, s13  }
0x1a7: {  	s1 =	smov.u32 s15;
	s15 =	sadd.s32 $0x80, s15;
	_ =	sdelay $0x3  }
0x1a8: {  	v6 =	vshll.u32 v5, $0x10;
	v5 =	vand.u32 $0xFFFF0000, v5  }
0x1a9: {  	[tilespmem:s10+$0x79C0] =	vst v6  }
0x1aa: {  	[tilespmem:s10+$0x79D0] =	vst v5  }
0x1ab: {  	v4 =	vld.idx.msk [tilespmem:v4+s16+$0x0], $0xffff;
	_ =	sdelay $0x5  }
0x1ac: {  	v5 =	vshll.u32 v4, $0x10;
	v4 =	vand.u32 $0xFFFF0000, v4  }
0x1ad: {  	[tilespmem:s10+$0x81C0] =	vst v5  }
0x1ae: {  	[tilespmem:s10+$0x81D0] =	vst v4  }
0x1af: {  	v4 =	vld [tilespmem:s9+$0x0];
	_ =	sdelay $0x4  }
0x1b0: {  	v4 =	vshll.u32 v4, $0x4  }
0x1b1: {  	v5 =	vbroadcast v4, $0x0;
	v10 =	vbroadcast v4, $0x1  }
0x1b2: {  	v11 =	vbroadcast v4, $0x2;
	v12 =	vbroadcast v4, $0x3  }
0x1b3: {  	v13 =	vbroadcast v4, $0x4;
	v14 =	vbroadcast v4, $0x5;
	v5 =	vor.u32 v0, v5  }
0x1b4: {  	v15 =	vbroadcast v4, $0x6;
	v16 =	vbroadcast v4, $0x7  }
0x1b5: {  	v17 =	vbroadcast v4, $0x8;
	v18 =	vbroadcast v4, $0x9  }
0x1b6: {  	v9 =	vbroadcast v4, $0xA;
	v8 =	vbroadcast v4, $0xB  }
0x1b7: {  	v7 =	vbroadcast v4, $0xC;
	v6 =	vbroadcast v4, $0xD  }
0x1b8: {  	v19 =	vld.idx.msk [tilespmem:v5+s16+$0x0], $0xffff;
	v5 =	vbroadcast v4, $0xE;
	v4 =	vbroadcast v4, $0xF;
	_ =	sdelay $0x2  }
0x1b9: {  	v10 =	vor.u32 v0, v10  }
0x1ba: {  	s10 =	sshrl.u32 s13, $0xB  }
0x1bb: {  	s1 =	sshra.s32 s1, $0x2;
	s10 =	sand.u32 $0x1FFFE0, s10  }
0x1bc: {  	s10 =	sadd.s32 s1, s10;
	v20 =	vshll.u32 v19, $0x10;
	v19 =	vand.u32 $0xFFFF0000, v19  }
0x1bd: {  	[tilespmem:s10+$0x9C0] =	vst v20  }
0x1be: {  	[tilespmem:s10+$0x9D0] =	vst v19  }
0x1bf: {  	v10 =	vld.idx.msk [tilespmem:v10+s16+$0x0], $0xffff;
	_ =	sdelay $0x1  }
0x1c0: {  	v11 =	vor.u32 v0, v11;
	_ =	sdelay $0x3  }
0x1c1: {  	v19 =	vshll.u32 v10, $0x10;
	v10 =	vand.u32 $0xFFFF0000, v10  }
0x1c2: {  	[tilespmem:s10+$0x11C0] =	vst v19  }
0x1c3: {  	[tilespmem:s10+$0x11D0] =	vst v10  }
0x1c4: {  	v10 =	vld.idx.msk [tilespmem:v11+s16+$0x0], $0xffff  }
0x1c5: {  	v11 =	vor.u32 v0, v12;
	_ =	sdelay $0x4  }
0x1c6: {  	v12 =	vshll.u32 v10, $0x10;
	v10 =	vand.u32 $0xFFFF0000, v10  }
0x1c7: {  	[tilespmem:s10+$0x19C0] =	vst v12  }
0x1c8: {  	[tilespmem:s10+$0x19D0] =	vst v10  }
0x1c9: {  	v10 =	vld.idx.msk [tilespmem:v11+s16+$0x0], $0xffff;
	v11 =	vor.u32 v0, v13;
	_ =	sdelay $0x5  }
0x1ca: {  	v12 =	vshll.u32 v10, $0x10;
	v10 =	vand.u32 $0xFFFF0000, v10  }
0x1cb: {  	[tilespmem:s10+$0x21C0] =	vst v12  }
0x1cc: {  	[tilespmem:s10+$0x21D0] =	vst v10;
	v10 =	vor.u32 v0, v14  }
0x1cd: {  	v11 =	vld.idx.msk [tilespmem:v11+s16+$0x0], $0xffff;
	_ =	sdelay $0x5  }
0x1ce: {  	v12 =	vshll.u32 v11, $0x10;
	v11 =	vand.u32 $0xFFFF0000, v11  }
0x1cf: {  	[tilespmem:s10+$0x29C0] =	vst v12;
	v12 =	vor.u32 v0, v15  }
0x1d0: {  	[tilespmem:s10+$0x29D0] =	vst v11  }
0x1d1: {  	v10 =	vld.idx.msk [tilespmem:v10+s16+$0x0], $0xffff;
	_ =	sdelay $0x5  }
0x1d2: {  	v13 =	vor.u32 v0, v16;
	v11 =	vshll.u32 v10, $0x10;
	v10 =	vand.u32 $0xFFFF0000, v10  }
0x1d3: {  	[tilespmem:s10+$0x31C0] =	vst v11  }
0x1d4: {  	[tilespmem:s10+$0x31D0] =	vst v10  }
0x1d5: {  	v10 =	vld.idx.msk [tilespmem:v12+s16+$0x0], $0xffff;
	_ =	sdelay $0x4  }
0x1d6: {  	v11 =	vor.u32 v0, v17  }
0x1d7: {  	v12 =	vshll.u32 v10, $0x10;
	v10 =	vand.u32 $0xFFFF0000, v10  }
0x1d8: {  	[tilespmem:s10+$0x39C0] =	vst v12  }
0x1d9: {  	[tilespmem:s10+$0x39D0] =	vst v10  }
0x1da: {  	v10 =	vld.idx.msk [tilespmem:v13+s16+$0x0], $0xffff;
	_ =	sdelay $0x3  }
0x1db: {  	v12 =	vor.u32 v0, v18;
	_ =	sdelay $0x1  }
0x1dc: {  	v13 =	vshll.u32 v10, $0x10;
	v10 =	vand.u32 $0xFFFF0000, v10  }
0x1dd: {  	[tilespmem:s10+$0x41C0] =	vst v13  }
0x1de: {  	[tilespmem:s10+$0x41D0] =	vst v10  }
0x1df: {  	v10 =	vld.idx.msk [tilespmem:v11+s16+$0x0], $0xffff;
	_ =	sdelay $0x2  }
0x1e0: {  	v9 =	vor.u32 v0, v9;
	_ =	sdelay $0x2  }
0x1e1: {  	v11 =	vshll.u32 v10, $0x10;
	v10 =	vand.u32 $0xFFFF0000, v10  }
0x1e2: {  	[tilespmem:s10+$0x49C0] =	vst v11  }
0x1e3: {  	[tilespmem:s10+$0x49D0] =	vst v10  }
0x1e4: {  	v10 =	vld.idx.msk [tilespmem:v12+s16+$0x0], $0xffff;
	_ =	sdelay $0x1  }
0x1e5: {  	v8 =	vor.u32 v0, v8;
	_ =	sdelay $0x3  }
0x1e6: {  	v11 =	vshll.u32 v10, $0x10;
	v10 =	vand.u32 $0xFFFF0000, v10  }
0x1e7: {  	[tilespmem:s10+$0x51C0] =	vst v11  }
0x1e8: {  	[tilespmem:s10+$0x51D0] =	vst v10  }
0x1e9: {  	v9 =	vld.idx.msk [tilespmem:v9+s16+$0x0], $0xffff  }
0x1ea: {  	v7 =	vor.u32 v0, v7;
	_ =	sdelay $0x4  }
0x1eb: {  	v10 =	vshll.u32 v9, $0x10;
	v9 =	vand.u32 $0xFFFF0000, v9  }
0x1ec: {  	[tilespmem:s10+$0x59C0] =	vst v10  }
0x1ed: {  	[tilespmem:s10+$0x59D0] =	vst v9  }
0x1ee: {  	v6 =	vor.u32 v0, v6;
	v8 =	vld.idx.msk [tilespmem:v8+s16+$0x0], $0xffff;
	_ =	sdelay $0x5  }
0x1ef: {  	v9 =	vshll.u32 v8, $0x10;
	v8 =	vand.u32 $0xFFFF0000, v8  }
0x1f0: {  	[tilespmem:s10+$0x61C0] =	vst v9  }
0x1f1: {  	v5 =	vor.u32 v0, v5;
	[tilespmem:s10+$0x61D0] =	vst v8  }
0x1f2: {  	v7 =	vld.idx.msk [tilespmem:v7+s16+$0x0], $0xffff;
	_ =	sdelay $0x5  }
0x1f3: {  	v8 =	vshll.u32 v7, $0x10;
	v7 =	vand.u32 $0xFFFF0000, v7  }
0x1f4: {  	v4 =	vor.u32 v0, v4;
	[tilespmem:s10+$0x69C0] =	vst v8  }
0x1f5: {  	[tilespmem:s10+$0x69D0] =	vst v7  }
0x1f6: {  	v6 =	vld.idx.msk [tilespmem:v6+s16+$0x0], $0xffff;
	_ =	sdelay $0x4  }
.Ltmp5:
0x1f7: {  	(pc) =	sbr.rel @p0 .LBB2_13-.Ltmp5, $4  }
0x1f8: {  	v7 =	vshll.u32 v6, $0x10;
	v6 =	vand.u32 $0xFFFF0000, v6  }
0x1f9: {  	[tilespmem:s10+$0x71C0] =	vst v7  }
0x1fa: {  	[tilespmem:s10+$0x71D0] =	vst v6  }
0x1fb: {  	v5 =	vld.idx.msk [tilespmem:v5+s16+$0x0], $0xffff  }
0x1fc: {  	_ =	sdelay $0x3  }
0x1fd: {  	v6 =	vshll.u32 v5, $0x10  }
0x1fe: {  	v5 =	vand.u32 $0xFFFF0000, v5;
	[tilespmem:s10+$0x79C0] =	vst v6  }
0x1ff: {  	[tilespmem:s10+$0x79D0] =	vst v5  }
0x200: {  	v4 =	vld.idx.msk [tilespmem:v4+s16+$0x0], $0xffff;
	_ =	sdelay $0x4  }
0x201: {  	v5 =	vshll.u32 v4, $0x10  }
0x202: {  	v4 =	vand.u32 $0xFFFF0000, v4;
	[tilespmem:s10+$0x81C0] =	vst v5  }
0x203: {  	s1 =	sadd.s32 s7, s11;
	s9 =	simm.s32 $0xAC0;
	[tilespmem:s10+$0x81D0] =	vst v4  }
0x204: {  	[hbm4b:s1+s4] =	stream.linear.scatter [tilespmem:s9], [sflag:$0x2], $0x400, $0x38;
	[tilespmem:$0x1A6C0] =	vst v63  }
0x205: {  	s10 =	sadd.s32 $0x44000, s1;
	s9 =	simm.s32 $0x12C0  }
0x206: {  	[hbm4b:s10+s4] =	stream.linear.scatter [tilespmem:s9], [sflag:$0x2], $0x400, $0x38;
	[tilespmem:$0x1A6C0] =	vst v63  }
0x207: {  	s15 =	simm.s32 $0x1AC0;
	s13 =	sadd.s32 $0x88000, s1  }
0x208: {  	[hbm4b:s13+s4] =	stream.linear.scatter [tilespmem:s15], [sflag:$0x2], $0x400, $0x38;
	[tilespmem:$0x1A6C0] =	vst v63  }
0x209: {  	s9 =	sadd.s32 $0xCC000, s1;
	s10 =	simm.s32 $0x22C0  }
0x20a: {  	[hbm4b:s9+s4] =	stream.linear.scatter [tilespmem:s10], [sflag:$0x2], $0x400, $0x38;
	[tilespmem:$0x1A6C0] =	vst v63  }
0x20b: {  	s13 =	sadd.s32 $0x110000, s1;
	s15 =	simm.s32 $0x2AC0  }
0x20c: {  	[hbm4b:s13+s4] =	stream.linear.scatter [tilespmem:s15], [sflag:$0x2], $0x400, $0x38;
	[tilespmem:$0x1A6C0] =	vst v63  }
0x20d: {  	s10 =	sadd.s32 $0x154000, s1  }
0x20e: {  	[hbm4b:s10+s4] =	stream.linear.scatter [tilespmem:s5], [sflag:$0x2], $0x400, $0x38;
	[tilespmem:$0x1A6C0] =	vst v63  }
0x20f: {  	s13 =	sadd.s32 $0x198000, s1  }
0x210: {  	[hbm4b:s13+s4] =	stream.linear.scatter [tilespmem:s12], [sflag:$0x2], $0x400, $0x38;
	[tilespmem:$0x1A6C0] =	vst v63  }
0x211: {  	s15 =	sadd.s32 $0x1DC000, s1  }
0x212: {  	[hbm4b:s15+s4] =	stream.linear.scatter [tilespmem:s21], [sflag:$0x2], $0x400, $0x38;
	[tilespmem:$0x1A6C0] =	vst v63  }
0x213: {  	s9 =	sadd.s32 $0x220000, s1  }
0x214: {  	[hbm4b:s9+s4] =	stream.linear.scatter [tilespmem:s22], [sflag:$0x2], $0x400, $0x38;
	[tilespmem:$0x1A6C0] =	vst v63  }
0x215: {  	s10 =	sadd.s32 $0x264000, s1  }
0x216: {  	[hbm4b:s10+s4] =	stream.linear.scatter [tilespmem:s23], [sflag:$0x2], $0x400, $0x38;
	[tilespmem:$0x1A6C0] =	vst v63  }
0x217: {  	s13 =	sadd.s32 $0x2A8000, s1  }
0x218: {  	[hbm4b:s13+s4] =	stream.linear.scatter [tilespmem:s24], [sflag:$0x2], $0x400, $0x38;
	[tilespmem:$0x1A6C0] =	vst v63  }
0x219: {  	s15 =	sadd.s32 $0x2EC000, s1  }
0x21a: {  	[hbm4b:s15+s4] =	stream.linear.scatter [tilespmem:s25], [sflag:$0x2], $0x400, $0x38;
	[tilespmem:$0x1A6C0] =	vst v63  }
0x21b: {  	s9 =	sadd.s32 $0x330000, s1  }
0x21c: {  	[hbm4b:s9+s4] =	stream.linear.scatter [tilespmem:s26], [sflag:$0x2], $0x400, $0x38;
	[tilespmem:$0x1A6C0] =	vst v63  }
0x21d: {  	s10 =	sadd.s32 $0x374000, s1;
	s15 =	rddreg [dreg:$0x9]  }
0x21e: {  	[hbm4b:s10+s4] =	stream.linear.scatter [tilespmem:s28], [sflag:$0x2], $0x400, $0x38;
	[tilespmem:$0x1A6C0] =	vst v63  }
0x21f: {  	p0 =	seq.s32 s0, $0x10;
	s13 =	sadd.s32 $0x3B8000, s1;
	s6 =	sadd.s32 s6, s15  }
0x220: {  	[hbm4b:s13+s4] =	stream.linear.scatter [tilespmem:s29], [sflag:$0x2], $0x400, $0x38;
	[tilespmem:$0x1A6C0] =	vst v63  }
0x221: {  	s1 =	sadd.s32 $0x3FC000, s1;
	p1 =	slt.s32 @!p0 s6, $0xC2F0  }
0x222: {  	[hbm4b:s1+s4] =	stream.linear.scatter [tilespmem:s30], [sflag:$0x2], $0x400, $0x38;
	[tilespmem:$0x1A6C0] =	vst v63  }
0x223: {  	p1 =	por !p1, p0;
	s1 =	smov.u32 s6  }
0x224: {  	s1 =	simm.s32 @p1 $0xC2F0  }
0x225: {  	s1 =	sadd.s32 @!p0 $0x30, s1  }
0x226: {  	s15 =	smov.u32 s3;
	s7 =	sshll.u32 @!p0 s1, $0x1  }
0x227: {  	s9 =	simm.s32 @!p0 $0x0;
	s1 =	sshrl.u32 @!p0 s1, $0x2;
	s7 =	sand.u32 @!p0 $0x1FFFFFE0, s7  }
0x228: {  	s1 =	sand.u32 @!p0 $0x1FFFFFFC, s1;
	s7 =	sadd.s32 @!p0 s3, s7;
	s3 =	rddreg [dreg:$0x2]  }
0x229: {  	[tilespmem:s9], [sflag:$0x1] =	stream.linear.gather @!p0 [hbm4b:s7+s9], $0x300, $0x38;
	[tilespmem:$0x1A6C0] =	vst v63  }
0x22a: {  	s1 =	sadd.s32 @!p0 s3, s1;
	s7 =	simm.s32 @!p0 $0x300  }
0x22b: {  	[tilespmem:s7], [sflag:$0x1] =	stream.linear.gather @!p0 [hbm4b:s1+s9], $0x60, $0x38;
	[tilespmem:$0x1A6C0] =	vst v63  }
0x22c: {  	_ =	swait.ge [sflag:s31], $0x300  }
0x22d: {  	[sflag:s31] =	ssyncset.done $0x0  }
0x22e: {  	[sflag:s31] =	ssyncadd.s32 $0xFFFFFD00  }
0x22f: {  	_ =	swait.ge [sflag:s31], $0x60  }
0x230: {  	[sflag:s31] =	ssyncset.done $0x0  }
0x231: {  	[sflag:s31] =	ssyncadd.s32 $0xFFFFFFA0  }
0x232: {  	_ =	swait.ge [sflag:s2], $0x8000  }
0x233: {  	[sflag:s2] =	ssyncset.done $0x0  }
0x234: {  	s7 =	simm.s32 $0x0;
	s9 =	simm.s32 $0x0;
	[sflag:s2] =	ssyncadd.s32 $0xFFFF8000  }
.LBB2_15:
0x235: {  	s1 =	sshll.u32 s9, $0x4  }
0x236: {  	v4 =	vor.u32 s1, v0  }
0x237: {  	v10 =	vshll.u32 v4, $0x4;
	_ =	sdelay $0x4  }
0x238: {  	v5 =	vld.idx.msk [tilespmem:v10+s19+$0x0], $0xffff;
	_ =	sdelay $0x1  }
0x239: {  	v6 =	vmul.u32 $0x5556, v4;
	_ =	sdelay $0x1  }
0x23a: {  	v6 =	vshrl.u32 v6, $0x10  }
0x23b: {  	v7 =	vmul.u32 $0x7FFFFFFD, v6;
	v8 =	vshll.u32 v5, $0x1  }
0x23c: {  	v11 =	vshll.u32 v4, $0x1;
	v9 =	vor.u32 $0x1, v8  }
0x23d: {  	v13 =	vor.u32 $0x1, v11;
	v5 =	vadd.s32 v4, v7;
	v7 =	vmov s7  }
0x23e: {  	v4 =	vshll.u32 v6, $0x7;
	v12 =	vshll.u32 v5, $0x1;
	v6 =	vshll.u32 v7, $0xB  }
0x23f: {  	v5 =	vadd.s32 $0x60, v12;
	v14 =	vadd.s32 v4, v6  }
0x240: {  	v6 =	vadd.s32 $0x61, v12;
	v16 =	vadd.s32 v14, v5;
	v15 =	vld.idx.msk [tilespmem:v8+s14+$0x0], $0xffff  }
0x241: {  	v7 =	vadd.s32 $0x66, v12;
	v18 =	vadd.s32 v6, v14;
	v17 =	vld.idx.msk [tilespmem:v9+s14+$0x0], $0xffff  }
0x242: {  	v19 =	vadd.s32 v7, v14;
	v9 =	vld.idx.msk [tilespmem:v11+s20+$0x0], $0xffff;
	v11 =	vadd.s32 $0x67, v12  }
0x243: {  	v10 =	vor.u32 $0x1, v10;
	v8 =	vld.idx.msk [tilespmem:v13+s20+$0x0], $0xffff;
	v12 =	vadd.s32 v11, v14  }
0x244: {  	v13 =	vadd.s32 s7, v10  }
0x245: {  	[tilespmem:v16+s17+$0x0] =	vst.idx.msk $0xffff, v15  }
0x246: {  	[tilespmem:v18+s17+$0x0] =	vst.idx.msk $0xffff, v17  }
0x247: {  	s1 =	simm.s32 $0x1;
	[tilespmem:v19+s17+$0x0] =	vst.idx.msk $0xffff, v9  }
.LBB2_16:
0x248: {  	p0 =	sne.s32 s1, $0xF;
	[tilespmem:v12+s17+$0x0] =	vst.idx.msk $0xffff, v8;
	s10 =	smov.u32 s1;
	s1 =	sadd.s32 $0x1, s1  }
0x249: {  	v12 =	vld.idx.msk [tilespmem:v13+s19+$0x0], $0xffff;
	_ =	sdelay $0x5  }
0x24a: {  	v12 =	vshll.u32 v12, $0x1  }
0x24b: {  	v13 =	vor.u32 $0x1, v12;
	_ =	sdelay $0x1  }
0x24c: {  	v14 =	vmov s10  }
0x24d: {  	v14 =	vshll.u32 v14, $0xB  }
0x24e: {  	v15 =	vld.idx.msk [tilespmem:v12+s14+$0x0], $0xffff;
	v12 =	vadd.s32 v4, v14  }
0x24f: {  	v14 =	vld.idx.msk [tilespmem:v13+s14+$0x0], $0xffff;
	v16 =	vadd.s32 v12, v5  }
0x250: {  	v17 =	vadd.s32 v6, v12  }
0x251: {  	v18 =	vadd.s32 v7, v12  }
.Ltmp6:
0x252: {  	v12 =	vadd.s32 v11, v12;
	(pc) =	sbr.rel @p0 .LBB2_16-.Ltmp6, $4  }
0x253: {  	v13 =	vadd.s32 s10, v10  }
0x254: {  	[tilespmem:v16+s17+$0x0] =	vst.idx.msk $0xffff, v15  }
0x255: {  	[tilespmem:v17+s17+$0x0] =	vst.idx.msk $0xffff, v14  }
0x256: {  	[tilespmem:v18+s17+$0x0] =	vst.idx.msk $0xffff, v9  }
0x257: {  	s9 =	sadd.s32 $0x1, s9  }
0x258: {  	p0 =	sne.s32 s9, $0x3  }
.Ltmp7:
0x259: {  	_ = 	snop;
	(pc) =	sbr.rel @p0 .LBB2_15-.Ltmp7, $2  }
0x25a: {  	_ =	sdelay $0x2  }
0x25b: {  	[tilespmem:v12+s17+$0x0] =	vst.idx.msk $0xffff, v8  }
0x25c: {  	s7 =	simm.s32 $0x360  }
0x25d: {  	v4 =	vld [tilespmem:s7+$0x0];
	_ =	sdelay $0x4  }
0x25e: {  	v4 =	vshll.u32 v4, $0x4  }
0x25f: {  	v5 =	vbroadcast v4, $0x0;
	_ =	sdelay $0x1  }
0x260: {  	v5 =	vor.u32 v0, v5;
	_ =	sdelay $0x4  }
0x261: {  	v5 =	vld.idx.msk [tilespmem:v5+s16+$0x0], $0xffff  }
0x262: {  	v6 =	vbroadcast v4, $0x1;
	_ =	sdelay $0x1  }
0x263: {  	s1 =	simm.s32 $0x0;
	v6 =	vor.u32 v0, v6  }
0x264: {  	s1 =	sand.u32 $0x1FFFE0, s1  }
0x265: {  	s9 =	sadd.s32 $0x0, s1;
	v7 =	vshll.u32 v5, $0x10  }
0x266: {  	v5 =	vand.u32 $0xFFFF0000, v5;
	[tilespmem:s9+$0x6C0] =	vst v7  }
0x267: {  	[tilespmem:s9+$0x6D0] =	vst v5  }
0x268: {  	v5 =	vld.idx.msk [tilespmem:v6+s16+$0x0], $0xffff  }
0x269: {  	v6 =	vbroadcast v4, $0x2;
	_ =	sdelay $0x1  }
0x26a: {  	v6 =	vor.u32 v0, v6;
	_ =	sdelay $0x1  }
0x26b: {  	v7 =	vshll.u32 v5, $0x10  }
0x26c: {  	v5 =	vand.u32 $0xFFFF0000, v5;
	[tilespmem:s9+$0xEC0] =	vst v7  }
0x26d: {  	[tilespmem:s9+$0xED0] =	vst v5  }
0x26e: {  	v5 =	vld.idx.msk [tilespmem:v6+s16+$0x0], $0xffff  }
0x26f: {  	v6 =	vbroadcast v4, $0x3;
	_ =	sdelay $0x1  }
0x270: {  	v6 =	vor.u32 v0, v6;
	_ =	sdelay $0x1  }
0x271: {  	v7 =	vshll.u32 v5, $0x10  }
0x272: {  	v5 =	vand.u32 $0xFFFF0000, v5;
	[tilespmem:s9+$0x16C0] =	vst v7  }
0x273: {  	[tilespmem:s9+$0x16D0] =	vst v5  }
0x274: {  	v5 =	vld.idx.msk [tilespmem:v6+s16+$0x0], $0xffff  }
0x275: {  	v6 =	vbroadcast v4, $0x4;
	_ =	sdelay $0x1  }
0x276: {  	v6 =	vor.u32 v0, v6;
	_ =	sdelay $0x1  }
0x277: {  	v7 =	vshll.u32 v5, $0x10  }
0x278: {  	v5 =	vand.u32 $0xFFFF0000, v5;
	[tilespmem:s9+$0x1EC0] =	vst v7  }
0x279: {  	[tilespmem:s9+$0x1ED0] =	vst v5  }
0x27a: {  	v5 =	vld.idx.msk [tilespmem:v6+s16+$0x0], $0xffff  }
0x27b: {  	v6 =	vbroadcast v4, $0x5;
	_ =	sdelay $0x1  }
0x27c: {  	v6 =	vor.u32 v0, v6;
	_ =	sdelay $0x1  }
0x27d: {  	v7 =	vshll.u32 v5, $0x10  }
0x27e: {  	v5 =	vand.u32 $0xFFFF0000, v5;
	[tilespmem:s9+$0x26C0] =	vst v7  }
0x27f: {  	[tilespmem:s9+$0x26D0] =	vst v5  }
0x280: {  	v5 =	vld.idx.msk [tilespmem:v6+s16+$0x0], $0xffff  }
0x281: {  	v6 =	vbroadcast v4, $0x6;
	_ =	sdelay $0x1  }
0x282: {  	v6 =	vor.u32 v0, v6;
	_ =	sdelay $0x1  }
0x283: {  	v7 =	vshll.u32 v5, $0x10  }
0x284: {  	v5 =	vand.u32 $0xFFFF0000, v5;
	[tilespmem:s9+$0x2EC0] =	vst v7  }
0x285: {  	[tilespmem:s9+$0x2ED0] =	vst v5  }
0x286: {  	v5 =	vld.idx.msk [tilespmem:v6+s16+$0x0], $0xffff  }
0x287: {  	v6 =	vbroadcast v4, $0x7;
	_ =	sdelay $0x1  }
0x288: {  	v6 =	vor.u32 v0, v6;
	_ =	sdelay $0x1  }
0x289: {  	v7 =	vshll.u32 v5, $0x10  }
0x28a: {  	v5 =	vand.u32 $0xFFFF0000, v5;
	[tilespmem:s9+$0x36C0] =	vst v7  }
0x28b: {  	[tilespmem:s9+$0x36D0] =	vst v5  }
0x28c: {  	v5 =	vld.idx.msk [tilespmem:v6+s16+$0x0], $0xffff  }
0x28d: {  	v6 =	vbroadcast v4, $0x8;
	_ =	sdelay $0x1  }
0x28e: {  	v6 =	vor.u32 v0, v6;
	_ =	sdelay $0x1  }
0x28f: {  	v7 =	vshll.u32 v5, $0x10  }
0x290: {  	v5 =	vand.u32 $0xFFFF0000, v5;
	[tilespmem:s9+$0x3EC0] =	vst v7  }
0x291: {  	[tilespmem:s9+$0x3ED0] =	vst v5  }
0x292: {  	v5 =	vld.idx.msk [tilespmem:v6+s16+$0x0], $0xffff  }
0x293: {  	v6 =	vbroadcast v4, $0x9;
	_ =	sdelay $0x1  }
0x294: {  	v6 =	vor.u32 v0, v6;
	_ =	sdelay $0x1  }
0x295: {  	v7 =	vshll.u32 v5, $0x10  }
0x296: {  	v5 =	vand.u32 $0xFFFF0000, v5;
	[tilespmem:s9+$0x46C0] =	vst v7  }
0x297: {  	[tilespmem:s9+$0x46D0] =	vst v5  }
0x298: {  	v5 =	vld.idx.msk [tilespmem:v6+s16+$0x0], $0xffff  }
0x299: {  	v6 =	vbroadcast v4, $0xA;
	_ =	sdelay $0x1  }
0x29a: {  	v6 =	vor.u32 v0, v6;
	_ =	sdelay $0x1  }
0x29b: {  	v7 =	vshll.u32 v5, $0x10  }
0x29c: {  	v5 =	vand.u32 $0xFFFF0000, v5;
	[tilespmem:s9+$0x4EC0] =	vst v7  }
0x29d: {  	[tilespmem:s9+$0x4ED0] =	vst v5  }
0x29e: {  	v5 =	vld.idx.msk [tilespmem:v6+s16+$0x0], $0xffff  }
0x29f: {  	v6 =	vbroadcast v4, $0xB;
	_ =	sdelay $0x1  }
0x2a0: {  	v6 =	vor.u32 v0, v6;
	_ =	sdelay $0x1  }
0x2a1: {  	v7 =	vshll.u32 v5, $0x10  }
0x2a2: {  	v5 =	vand.u32 $0xFFFF0000, v5;
	[tilespmem:s9+$0x56C0] =	vst v7  }
0x2a3: {  	[tilespmem:s9+$0x56D0] =	vst v5  }
0x2a4: {  	v5 =	vld.idx.msk [tilespmem:v6+s16+$0x0], $0xffff  }
0x2a5: {  	v6 =	vbroadcast v4, $0xC;
	_ =	sdelay $0x1  }
0x2a6: {  	v6 =	vor.u32 v0, v6;
	_ =	sdelay $0x1  }
0x2a7: {  	v7 =	vshll.u32 v5, $0x10  }
0x2a8: {  	v5 =	vand.u32 $0xFFFF0000, v5;
	[tilespmem:s9+$0x5EC0] =	vst v7  }
0x2a9: {  	[tilespmem:s9+$0x5ED0] =	vst v5  }
0x2aa: {  	v5 =	vld.idx.msk [tilespmem:v6+s16+$0x0], $0xffff  }
0x2ab: {  	v6 =	vbroadcast v4, $0xD;
	_ =	sdelay $0x1  }
0x2ac: {  	v6 =	vor.u32 v0, v6;
	_ =	sdelay $0x1  }
0x2ad: {  	v7 =	vshll.u32 v5, $0x10  }
0x2ae: {  	v5 =	vand.u32 $0xFFFF0000, v5;
	[tilespmem:s9+$0x66C0] =	vst v7  }
0x2af: {  	[tilespmem:s9+$0x66D0] =	vst v5  }
0x2b0: {  	v5 =	vld.idx.msk [tilespmem:v6+s16+$0x0], $0xffff  }
0x2b1: {  	v6 =	vbroadcast v4, $0xE;
	_ =	sdelay $0x1  }
0x2b2: {  	v6 =	vor.u32 v0, v6;
	_ =	sdelay $0x1  }
0x2b3: {  	v7 =	vshll.u32 v5, $0x10  }
0x2b4: {  	v4 =	vbroadcast v4, $0xF;
	v5 =	vand.u32 $0xFFFF0000, v5;
	[tilespmem:s9+$0x6EC0] =	vst v7  }
0x2b5: {  	[tilespmem:s9+$0x6ED0] =	vst v5  }
0x2b6: {  	s10 =	simm.s32 $0x0;
	s13 =	simm.s32 $0x80;
	v4 =	vor.u32 v0, v4;
	v5 =	vld.idx.msk [tilespmem:v6+s16+$0x0], $0xffff  }
.LBB2_19:
0x2b7: {  	p0 =	sne.s32 s13, $0xB80;
	s7 =	sadd.s32 $0x10, s7;
	s10 =	sadd.s32 $0x5556, s10  }
0x2b8: {  	s1 =	smov.u32 s13;
	s13 =	sadd.s32 $0x80, s13;
	_ =	sdelay $0x3  }
0x2b9: {  	v6 =	vshll.u32 v5, $0x10;
	v5 =	vand.u32 $0xFFFF0000, v5  }
0x2ba: {  	[tilespmem:s9+$0x76C0] =	vst v6  }
0x2bb: {  	[tilespmem:s9+$0x76D0] =	vst v5  }
0x2bc: {  	v4 =	vld.idx.msk [tilespmem:v4+s16+$0x0], $0xffff;
	_ =	sdelay $0x5  }
0x2bd: {  	v5 =	vshll.u32 v4, $0x10;
	v4 =	vand.u32 $0xFFFF0000, v4  }
0x2be: {  	[tilespmem:s9+$0x7EC0] =	vst v5  }
0x2bf: {  	[tilespmem:s9+$0x7ED0] =	vst v4  }
0x2c0: {  	v4 =	vld [tilespmem:s7+$0x0];
	_ =	sdelay $0x4  }
0x2c1: {  	v4 =	vshll.u32 v4, $0x4  }
0x2c2: {  	v5 =	vbroadcast v4, $0x0;
	v10 =	vbroadcast v4, $0x1  }
0x2c3: {  	v11 =	vbroadcast v4, $0x2;
	v12 =	vbroadcast v4, $0x3  }
0x2c4: {  	v13 =	vbroadcast v4, $0x4;
	v14 =	vbroadcast v4, $0x5;
	v5 =	vor.u32 v0, v5  }
0x2c5: {  	v15 =	vbroadcast v4, $0x6;
	v16 =	vbroadcast v4, $0x7  }
0x2c6: {  	v17 =	vbroadcast v4, $0x8;
	v18 =	vbroadcast v4, $0x9  }
0x2c7: {  	v9 =	vbroadcast v4, $0xA;
	v8 =	vbroadcast v4, $0xB  }
0x2c8: {  	v7 =	vbroadcast v4, $0xC;
	v6 =	vbroadcast v4, $0xD  }
0x2c9: {  	v19 =	vld.idx.msk [tilespmem:v5+s16+$0x0], $0xffff;
	v5 =	vbroadcast v4, $0xE;
	v4 =	vbroadcast v4, $0xF;
	_ =	sdelay $0x2  }
0x2ca: {  	v10 =	vor.u32 v0, v10  }
0x2cb: {  	s9 =	sshrl.u32 s10, $0xB  }
0x2cc: {  	s1 =	sshra.s32 s1, $0x2;
	s9 =	sand.u32 $0x1FFFE0, s9  }
0x2cd: {  	s9 =	sadd.s32 s1, s9;
	v20 =	vshll.u32 v19, $0x10;
	v19 =	vand.u32 $0xFFFF0000, v19  }
0x2ce: {  	[tilespmem:s9+$0x6C0] =	vst v20  }
0x2cf: {  	[tilespmem:s9+$0x6D0] =	vst v19  }
0x2d0: {  	v10 =	vld.idx.msk [tilespmem:v10+s16+$0x0], $0xffff;
	_ =	sdelay $0x1  }
0x2d1: {  	v11 =	vor.u32 v0, v11;
	_ =	sdelay $0x3  }
0x2d2: {  	v19 =	vshll.u32 v10, $0x10;
	v10 =	vand.u32 $0xFFFF0000, v10  }
0x2d3: {  	[tilespmem:s9+$0xEC0] =	vst v19  }
0x2d4: {  	[tilespmem:s9+$0xED0] =	vst v10  }
0x2d5: {  	v10 =	vld.idx.msk [tilespmem:v11+s16+$0x0], $0xffff  }
0x2d6: {  	v11 =	vor.u32 v0, v12;
	_ =	sdelay $0x4  }
0x2d7: {  	v12 =	vshll.u32 v10, $0x10;
	v10 =	vand.u32 $0xFFFF0000, v10  }
0x2d8: {  	[tilespmem:s9+$0x16C0] =	vst v12  }
0x2d9: {  	[tilespmem:s9+$0x16D0] =	vst v10  }
0x2da: {  	v10 =	vld.idx.msk [tilespmem:v11+s16+$0x0], $0xffff;
	v11 =	vor.u32 v0, v13;
	_ =	sdelay $0x5  }
0x2db: {  	v12 =	vshll.u32 v10, $0x10;
	v10 =	vand.u32 $0xFFFF0000, v10  }
0x2dc: {  	[tilespmem:s9+$0x1EC0] =	vst v12  }
0x2dd: {  	[tilespmem:s9+$0x1ED0] =	vst v10;
	v10 =	vor.u32 v0, v14  }
0x2de: {  	v11 =	vld.idx.msk [tilespmem:v11+s16+$0x0], $0xffff;
	_ =	sdelay $0x5  }
0x2df: {  	v12 =	vshll.u32 v11, $0x10;
	v11 =	vand.u32 $0xFFFF0000, v11  }
0x2e0: {  	[tilespmem:s9+$0x26C0] =	vst v12;
	v12 =	vor.u32 v0, v15  }
0x2e1: {  	[tilespmem:s9+$0x26D0] =	vst v11  }
0x2e2: {  	v10 =	vld.idx.msk [tilespmem:v10+s16+$0x0], $0xffff;
	_ =	sdelay $0x5  }
0x2e3: {  	v13 =	vor.u32 v0, v16;
	v11 =	vshll.u32 v10, $0x10;
	v10 =	vand.u32 $0xFFFF0000, v10  }
0x2e4: {  	[tilespmem:s9+$0x2EC0] =	vst v11  }
0x2e5: {  	[tilespmem:s9+$0x2ED0] =	vst v10  }
0x2e6: {  	v10 =	vld.idx.msk [tilespmem:v12+s16+$0x0], $0xffff;
	_ =	sdelay $0x4  }
0x2e7: {  	v11 =	vor.u32 v0, v17  }
0x2e8: {  	v12 =	vshll.u32 v10, $0x10;
	v10 =	vand.u32 $0xFFFF0000, v10  }
0x2e9: {  	[tilespmem:s9+$0x36C0] =	vst v12  }
0x2ea: {  	[tilespmem:s9+$0x36D0] =	vst v10  }
0x2eb: {  	v10 =	vld.idx.msk [tilespmem:v13+s16+$0x0], $0xffff;
	_ =	sdelay $0x3  }
0x2ec: {  	v12 =	vor.u32 v0, v18;
	_ =	sdelay $0x1  }
0x2ed: {  	v13 =	vshll.u32 v10, $0x10;
	v10 =	vand.u32 $0xFFFF0000, v10  }
0x2ee: {  	[tilespmem:s9+$0x3EC0] =	vst v13  }
0x2ef: {  	[tilespmem:s9+$0x3ED0] =	vst v10  }
0x2f0: {  	v10 =	vld.idx.msk [tilespmem:v11+s16+$0x0], $0xffff;
	_ =	sdelay $0x2  }
0x2f1: {  	v9 =	vor.u32 v0, v9;
	_ =	sdelay $0x2  }
0x2f2: {  	v11 =	vshll.u32 v10, $0x10;
	v10 =	vand.u32 $0xFFFF0000, v10  }
0x2f3: {  	[tilespmem:s9+$0x46C0] =	vst v11  }
0x2f4: {  	[tilespmem:s9+$0x46D0] =	vst v10  }
0x2f5: {  	v10 =	vld.idx.msk [tilespmem:v12+s16+$0x0], $0xffff;
	_ =	sdelay $0x1  }
0x2f6: {  	v8 =	vor.u32 v0, v8;
	_ =	sdelay $0x3  }
0x2f7: {  	v11 =	vshll.u32 v10, $0x10;
	v10 =	vand.u32 $0xFFFF0000, v10  }
0x2f8: {  	[tilespmem:s9+$0x4EC0] =	vst v11  }
0x2f9: {  	[tilespmem:s9+$0x4ED0] =	vst v10  }
0x2fa: {  	v9 =	vld.idx.msk [tilespmem:v9+s16+$0x0], $0xffff  }
0x2fb: {  	v7 =	vor.u32 v0, v7;
	_ =	sdelay $0x4  }
0x2fc: {  	v10 =	vshll.u32 v9, $0x10;
	v9 =	vand.u32 $0xFFFF0000, v9  }
0x2fd: {  	[tilespmem:s9+$0x56C0] =	vst v10  }
0x2fe: {  	[tilespmem:s9+$0x56D0] =	vst v9  }
0x2ff: {  	v6 =	vor.u32 v0, v6;
	v8 =	vld.idx.msk [tilespmem:v8+s16+$0x0], $0xffff;
	_ =	sdelay $0x5  }
0x300: {  	v9 =	vshll.u32 v8, $0x10;
	v8 =	vand.u32 $0xFFFF0000, v8  }
0x301: {  	[tilespmem:s9+$0x5EC0] =	vst v9  }
0x302: {  	v5 =	vor.u32 v0, v5;
	[tilespmem:s9+$0x5ED0] =	vst v8  }
0x303: {  	v7 =	vld.idx.msk [tilespmem:v7+s16+$0x0], $0xffff;
	_ =	sdelay $0x5  }
0x304: {  	v8 =	vshll.u32 v7, $0x10;
	v7 =	vand.u32 $0xFFFF0000, v7  }
0x305: {  	v4 =	vor.u32 v0, v4;
	[tilespmem:s9+$0x66C0] =	vst v8  }
0x306: {  	[tilespmem:s9+$0x66D0] =	vst v7  }
0x307: {  	v6 =	vld.idx.msk [tilespmem:v6+s16+$0x0], $0xffff;
	_ =	sdelay $0x4  }
.Ltmp8:
0x308: {  	(pc) =	sbr.rel @p0 .LBB2_19-.Ltmp8, $4  }
0x309: {  	v7 =	vshll.u32 v6, $0x10;
	v6 =	vand.u32 $0xFFFF0000, v6  }
0x30a: {  	[tilespmem:s9+$0x6EC0] =	vst v7  }
0x30b: {  	[tilespmem:s9+$0x6ED0] =	vst v6  }
0x30c: {  	v5 =	vld.idx.msk [tilespmem:v5+s16+$0x0], $0xffff  }
0x30d: {  	_ =	sdelay $0x3  }
0x30e: {  	v6 =	vshll.u32 v5, $0x10  }
0x30f: {  	v5 =	vand.u32 $0xFFFF0000, v5;
	[tilespmem:s9+$0x76C0] =	vst v6  }
0x310: {  	[tilespmem:s9+$0x76D0] =	vst v5  }
0x311: {  	v4 =	vld.idx.msk [tilespmem:v4+s16+$0x0], $0xffff;
	_ =	sdelay $0x2  }
0x312: {  	s1 =	smulhi.u32 $0xAAAAAAAB, s6;
	_ =	sdelay $0x1  }
0x313: {  	s1 =	sshll.u32 s1, $0x3;
	v5 =	vshll.u32 v4, $0x10  }
0x314: {  	s6 =	sand.u32 $0xFFFFFFF0, s1;
	v4 =	vand.u32 $0xFFFF0000, v4;
	[tilespmem:s9+$0x7EC0] =	vst v5  }
0x315: {  	s7 =	simm.s32 $0x0;
	s1 =	sadd.s32 s8, s6;
	[tilespmem:s9+$0x7ED0] =	vst v4  }
0x316: {  	[hbm4b:s1+s7] =	stream.linear.scatter [tilespmem:s17], [sflag:$0x2], $0x400, $0x38;
	[tilespmem:$0x1A6C0] =	vst v63  }
0x317: {  	s3 =	simm.s32 $0xEC0;
	s13 =	sadd.s32 $0x44000, s1  }
0x318: {  	[hbm4b:s13+s7] =	stream.linear.scatter [tilespmem:s3], [sflag:$0x2], $0x400, $0x38;
	[tilespmem:$0x1A6C0] =	vst v63  }
0x319: {  	s10 =	sadd.s32 $0x88000, s1;
	s13 =	simm.s32 $0x16C0  }
0x31a: {  	[hbm4b:s10+s7] =	stream.linear.scatter [tilespmem:s13], [sflag:$0x2], $0x400, $0x38;
	[tilespmem:$0x1A6C0] =	vst v63  }
0x31b: {  	s10 =	sadd.s32 $0xCC000, s1;
	s13 =	simm.s32 $0x1EC0  }
0x31c: {  	[hbm4b:s10+s7] =	stream.linear.scatter [tilespmem:s13], [sflag:$0x2], $0x400, $0x38;
	[tilespmem:$0x1A6C0] =	vst v63  }
0x31d: {  	s10 =	sadd.s32 $0x110000, s1;
	s13 =	simm.s32 $0x26C0  }
0x31e: {  	[hbm4b:s10+s7] =	stream.linear.scatter [tilespmem:s13], [sflag:$0x2], $0x400, $0x38;
	[tilespmem:$0x1A6C0] =	vst v63  }
0x31f: {  	s10 =	sadd.s32 $0x154000, s1;
	s13 =	simm.s32 $0x2EC0  }
0x320: {  	[hbm4b:s10+s7] =	stream.linear.scatter [tilespmem:s13], [sflag:$0x2], $0x400, $0x38;
	[tilespmem:$0x1A6C0] =	vst v63  }
0x321: {  	s10 =	sadd.s32 $0x198000, s1;
	s13 =	simm.s32 $0x36C0  }
0x322: {  	[hbm4b:s10+s7] =	stream.linear.scatter [tilespmem:s13], [sflag:$0x2], $0x400, $0x38;
	[tilespmem:$0x1A6C0] =	vst v63  }
0x323: {  	s10 =	sadd.s32 $0x1DC000, s1;
	s13 =	simm.s32 $0x3EC0  }
0x324: {  	[hbm4b:s10+s7] =	stream.linear.scatter [tilespmem:s13], [sflag:$0x2], $0x400, $0x38;
	[tilespmem:$0x1A6C0] =	vst v63  }
0x325: {  	s10 =	sadd.s32 $0x220000, s1;
	s13 =	simm.s32 $0x46C0  }
0x326: {  	[hbm4b:s10+s7] =	stream.linear.scatter [tilespmem:s13], [sflag:$0x2], $0x400, $0x38;
	[tilespmem:$0x1A6C0] =	vst v63  }
0x327: {  	s10 =	sadd.s32 $0x264000, s1;
	s13 =	simm.s32 $0x4EC0  }
0x328: {  	[hbm4b:s10+s7] =	stream.linear.scatter [tilespmem:s13], [sflag:$0x2], $0x400, $0x38;
	[tilespmem:$0x1A6C0] =	vst v63  }
0x329: {  	s10 =	sadd.s32 $0x2A8000, s1;
	s13 =	simm.s32 $0x56C0  }
0x32a: {  	[hbm4b:s10+s7] =	stream.linear.scatter [tilespmem:s13], [sflag:$0x2], $0x400, $0x38;
	[tilespmem:$0x1A6C0] =	vst v63  }
0x32b: {  	s10 =	sadd.s32 $0x2EC000, s1;
	s13 =	simm.s32 $0x5EC0  }
0x32c: {  	[hbm4b:s10+s7] =	stream.linear.scatter [tilespmem:s13], [sflag:$0x2], $0x400, $0x38;
	[tilespmem:$0x1A6C0] =	vst v63  }
0x32d: {  	s10 =	sadd.s32 $0x330000, s1;
	s13 =	simm.s32 $0x66C0  }
0x32e: {  	[hbm4b:s10+s7] =	stream.linear.scatter [tilespmem:s13], [sflag:$0x2], $0x400, $0x38;
	[tilespmem:$0x1A6C0] =	vst v63  }
0x32f: {  	s10 =	sadd.s32 $0x374000, s1;
	s13 =	simm.s32 $0x6EC0  }
0x330: {  	[hbm4b:s10+s7] =	stream.linear.scatter [tilespmem:s13], [sflag:$0x2], $0x400, $0x38;
	[tilespmem:$0x1A6C0] =	vst v63  }
0x331: {  	s10 =	sadd.s32 $0x3B8000, s1;
	s13 =	simm.s32 $0x76C0  }
0x332: {  	[hbm4b:s10+s7] =	stream.linear.scatter [tilespmem:s13], [sflag:$0x2], $0x400, $0x38;
	[tilespmem:$0x1A6C0] =	vst v63  }
0x333: {  	s1 =	sadd.s32 $0x3FC000, s1;
	s10 =	simm.s32 $0x7EC0  }
0x334: {  	[hbm4b:s1+s7] =	stream.linear.scatter [tilespmem:s10], [sflag:$0x2], $0x400, $0x38;
	[tilespmem:$0x1A6C0] =	vst v63  }
0x335: {  	s7 =	simm.s32 $0x4E0  }
0x336: {  	v4 =	vld [tilespmem:s7+$0x0];
	_ =	sdelay $0x4  }
0x337: {  	v4 =	vshll.u32 v4, $0x4  }
0x338: {  	v5 =	vbroadcast v4, $0x0;
	_ =	sdelay $0x1  }
0x339: {  	v5 =	vor.u32 v0, v5;
	_ =	sdelay $0x4  }
0x33a: {  	v5 =	vld.idx.msk [tilespmem:v5+s16+$0x0], $0xffff  }
0x33b: {  	v6 =	vbroadcast v4, $0x1;
	_ =	sdelay $0x1  }
0x33c: {  	s13 =	simm.s32 $0x100;
	v6 =	vor.u32 v0, v6  }
0x33d: {  	s1 =	sand.u32 $0x1FFFE0, s13  }
0x33e: {  	s9 =	sadd.s32 $0x0, s1;
	v7 =	vshll.u32 v5, $0x10  }
0x33f: {  	v5 =	vand.u32 $0xFFFF0000, v5;
	[tilespmem:s9+$0x9C0] =	vst v7  }
0x340: {  	[tilespmem:s9+$0x9D0] =	vst v5  }
0x341: {  	v5 =	vld.idx.msk [tilespmem:v6+s16+$0x0], $0xffff  }
0x342: {  	v6 =	vbroadcast v4, $0x2;
	_ =	sdelay $0x1  }
0x343: {  	v6 =	vor.u32 v0, v6;
	_ =	sdelay $0x1  }
0x344: {  	v7 =	vshll.u32 v5, $0x10  }
0x345: {  	v5 =	vand.u32 $0xFFFF0000, v5;
	[tilespmem:s9+$0x11C0] =	vst v7  }
0x346: {  	[tilespmem:s9+$0x11D0] =	vst v5  }
0x347: {  	v5 =	vld.idx.msk [tilespmem:v6+s16+$0x0], $0xffff  }
0x348: {  	v6 =	vbroadcast v4, $0x3;
	_ =	sdelay $0x1  }
0x349: {  	v6 =	vor.u32 v0, v6;
	_ =	sdelay $0x1  }
0x34a: {  	v7 =	vshll.u32 v5, $0x10  }
0x34b: {  	v5 =	vand.u32 $0xFFFF0000, v5;
	[tilespmem:s9+$0x19C0] =	vst v7  }
0x34c: {  	[tilespmem:s9+$0x19D0] =	vst v5  }
0x34d: {  	v5 =	vld.idx.msk [tilespmem:v6+s16+$0x0], $0xffff  }
0x34e: {  	v6 =	vbroadcast v4, $0x4;
	_ =	sdelay $0x1  }
0x34f: {  	v6 =	vor.u32 v0, v6;
	_ =	sdelay $0x1  }
0x350: {  	v7 =	vshll.u32 v5, $0x10  }
0x351: {  	v5 =	vand.u32 $0xFFFF0000, v5;
	[tilespmem:s9+$0x21C0] =	vst v7  }
0x352: {  	[tilespmem:s9+$0x21D0] =	vst v5  }
0x353: {  	v5 =	vld.idx.msk [tilespmem:v6+s16+$0x0], $0xffff  }
0x354: {  	v6 =	vbroadcast v4, $0x5;
	_ =	sdelay $0x1  }
0x355: {  	v6 =	vor.u32 v0, v6;
	_ =	sdelay $0x1  }
0x356: {  	v7 =	vshll.u32 v5, $0x10  }
0x357: {  	v5 =	vand.u32 $0xFFFF0000, v5;
	[tilespmem:s9+$0x29C0] =	vst v7  }
0x358: {  	[tilespmem:s9+$0x29D0] =	vst v5  }
0x359: {  	v5 =	vld.idx.msk [tilespmem:v6+s16+$0x0], $0xffff  }
0x35a: {  	v6 =	vbroadcast v4, $0x6;
	_ =	sdelay $0x1  }
0x35b: {  	v6 =	vor.u32 v0, v6;
	_ =	sdelay $0x1  }
0x35c: {  	v7 =	vshll.u32 v5, $0x10  }
0x35d: {  	v5 =	vand.u32 $0xFFFF0000, v5;
	[tilespmem:s9+$0x31C0] =	vst v7  }
0x35e: {  	[tilespmem:s9+$0x31D0] =	vst v5  }
0x35f: {  	v5 =	vld.idx.msk [tilespmem:v6+s16+$0x0], $0xffff  }
0x360: {  	v6 =	vbroadcast v4, $0x7;
	_ =	sdelay $0x1  }
0x361: {  	v6 =	vor.u32 v0, v6;
	_ =	sdelay $0x1  }
0x362: {  	v7 =	vshll.u32 v5, $0x10  }
0x363: {  	v5 =	vand.u32 $0xFFFF0000, v5;
	[tilespmem:s9+$0x39C0] =	vst v7  }
0x364: {  	[tilespmem:s9+$0x39D0] =	vst v5  }
0x365: {  	v5 =	vld.idx.msk [tilespmem:v6+s16+$0x0], $0xffff  }
0x366: {  	v6 =	vbroadcast v4, $0x8;
	_ =	sdelay $0x1  }
0x367: {  	v6 =	vor.u32 v0, v6;
	_ =	sdelay $0x1  }
0x368: {  	v7 =	vshll.u32 v5, $0x10  }
0x369: {  	v5 =	vand.u32 $0xFFFF0000, v5;
	[tilespmem:s9+$0x41C0] =	vst v7  }
0x36a: {  	[tilespmem:s9+$0x41D0] =	vst v5  }
0x36b: {  	v5 =	vld.idx.msk [tilespmem:v6+s16+$0x0], $0xffff  }
0x36c: {  	v6 =	vbroadcast v4, $0x9;
	_ =	sdelay $0x1  }
0x36d: {  	v6 =	vor.u32 v0, v6;
	_ =	sdelay $0x1  }
0x36e: {  	v7 =	vshll.u32 v5, $0x10  }
0x36f: {  	v5 =	vand.u32 $0xFFFF0000, v5;
	[tilespmem:s9+$0x49C0] =	vst v7  }
0x370: {  	[tilespmem:s9+$0x49D0] =	vst v5  }
0x371: {  	v5 =	vld.idx.msk [tilespmem:v6+s16+$0x0], $0xffff  }
0x372: {  	v6 =	vbroadcast v4, $0xA;
	_ =	sdelay $0x1  }
0x373: {  	v6 =	vor.u32 v0, v6;
	_ =	sdelay $0x1  }
0x374: {  	v7 =	vshll.u32 v5, $0x10  }
0x375: {  	v5 =	vand.u32 $0xFFFF0000, v5;
	[tilespmem:s9+$0x51C0] =	vst v7  }
0x376: {  	[tilespmem:s9+$0x51D0] =	vst v5  }
0x377: {  	v5 =	vld.idx.msk [tilespmem:v6+s16+$0x0], $0xffff  }
0x378: {  	v6 =	vbroadcast v4, $0xB;
	_ =	sdelay $0x1  }
0x379: {  	v6 =	vor.u32 v0, v6;
	_ =	sdelay $0x1  }
0x37a: {  	v7 =	vshll.u32 v5, $0x10  }
0x37b: {  	v5 =	vand.u32 $0xFFFF0000, v5;
	[tilespmem:s9+$0x59C0] =	vst v7  }
0x37c: {  	[tilespmem:s9+$0x59D0] =	vst v5  }
0x37d: {  	v5 =	vld.idx.msk [tilespmem:v6+s16+$0x0], $0xffff  }
0x37e: {  	v6 =	vbroadcast v4, $0xC;
	_ =	sdelay $0x1  }
0x37f: {  	v6 =	vor.u32 v0, v6;
	_ =	sdelay $0x1  }
0x380: {  	v7 =	vshll.u32 v5, $0x10  }
0x381: {  	v5 =	vand.u32 $0xFFFF0000, v5;
	[tilespmem:s9+$0x61C0] =	vst v7  }
0x382: {  	[tilespmem:s9+$0x61D0] =	vst v5  }
0x383: {  	v5 =	vld.idx.msk [tilespmem:v6+s16+$0x0], $0xffff  }
0x384: {  	v6 =	vbroadcast v4, $0xD;
	_ =	sdelay $0x1  }
0x385: {  	v6 =	vor.u32 v0, v6;
	_ =	sdelay $0x1  }
0x386: {  	v7 =	vshll.u32 v5, $0x10  }
0x387: {  	v5 =	vand.u32 $0xFFFF0000, v5;
	[tilespmem:s9+$0x69C0] =	vst v7  }
0x388: {  	[tilespmem:s9+$0x69D0] =	vst v5  }
0x389: {  	v5 =	vld.idx.msk [tilespmem:v6+s16+$0x0], $0xffff  }
0x38a: {  	v6 =	vbroadcast v4, $0xE;
	_ =	sdelay $0x1  }
0x38b: {  	v6 =	vor.u32 v0, v6;
	_ =	sdelay $0x1  }
0x38c: {  	v7 =	vshll.u32 v5, $0x10  }
0x38d: {  	v4 =	vbroadcast v4, $0xF;
	v5 =	vand.u32 $0xFFFF0000, v5;
	[tilespmem:s9+$0x71C0] =	vst v7  }
0x38e: {  	[tilespmem:s9+$0x71D0] =	vst v5  }
0x38f: {  	s10 =	simm.s32 $0x80010;
	s13 =	simm.s32 $0x80;
	v4 =	vor.u32 v0, v4;
	v5 =	vld.idx.msk [tilespmem:v6+s16+$0x0], $0xffff  }
.LBB2_21:
0x390: {  	p0 =	sne.s32 s13, $0xB80;
	s7 =	sadd.s32 $0x10, s7;
	s10 =	sadd.s32 $0x5556, s10  }
0x391: {  	s1 =	smov.u32 s13;
	s13 =	sadd.s32 $0x80, s13;
	_ =	sdelay $0x3  }
0x392: {  	v6 =	vshll.u32 v5, $0x10;
	v5 =	vand.u32 $0xFFFF0000, v5  }
0x393: {  	[tilespmem:s9+$0x79C0] =	vst v6  }
0x394: {  	[tilespmem:s9+$0x79D0] =	vst v5  }
0x395: {  	v4 =	vld.idx.msk [tilespmem:v4+s16+$0x0], $0xffff;
	_ =	sdelay $0x5  }
0x396: {  	v5 =	vshll.u32 v4, $0x10;
	v4 =	vand.u32 $0xFFFF0000, v4  }
0x397: {  	[tilespmem:s9+$0x81C0] =	vst v5  }
0x398: {  	[tilespmem:s9+$0x81D0] =	vst v4  }
0x399: {  	v4 =	vld [tilespmem:s7+$0x0];
	_ =	sdelay $0x4  }
0x39a: {  	v4 =	vshll.u32 v4, $0x4  }
0x39b: {  	v5 =	vbroadcast v4, $0x0;
	v10 =	vbroadcast v4, $0x1  }
0x39c: {  	v11 =	vbroadcast v4, $0x2;
	v12 =	vbroadcast v4, $0x3  }
0x39d: {  	v13 =	vbroadcast v4, $0x4;
	v14 =	vbroadcast v4, $0x5;
	v5 =	vor.u32 v0, v5  }
0x39e: {  	v15 =	vbroadcast v4, $0x6;
	v16 =	vbroadcast v4, $0x7  }
0x39f: {  	v17 =	vbroadcast v4, $0x8;
	v18 =	vbroadcast v4, $0x9  }
0x3a0: {  	v9 =	vbroadcast v4, $0xA;
	v8 =	vbroadcast v4, $0xB  }
0x3a1: {  	v7 =	vbroadcast v4, $0xC;
	v6 =	vbroadcast v4, $0xD  }
0x3a2: {  	v19 =	vld.idx.msk [tilespmem:v5+s16+$0x0], $0xffff;
	v5 =	vbroadcast v4, $0xE;
	v4 =	vbroadcast v4, $0xF;
	_ =	sdelay $0x2  }
0x3a3: {  	v10 =	vor.u32 v0, v10  }
0x3a4: {  	s9 =	sshrl.u32 s10, $0xB  }
0x3a5: {  	s1 =	sshra.s32 s1, $0x2;
	s9 =	sand.u32 $0x1FFFE0, s9  }
0x3a6: {  	s9 =	sadd.s32 s1, s9;
	v20 =	vshll.u32 v19, $0x10;
	v19 =	vand.u32 $0xFFFF0000, v19  }
0x3a7: {  	[tilespmem:s9+$0x9C0] =	vst v20  }
0x3a8: {  	[tilespmem:s9+$0x9D0] =	vst v19  }
0x3a9: {  	v10 =	vld.idx.msk [tilespmem:v10+s16+$0x0], $0xffff;
	_ =	sdelay $0x1  }
0x3aa: {  	v11 =	vor.u32 v0, v11;
	_ =	sdelay $0x3  }
0x3ab: {  	v19 =	vshll.u32 v10, $0x10;
	v10 =	vand.u32 $0xFFFF0000, v10  }
0x3ac: {  	[tilespmem:s9+$0x11C0] =	vst v19  }
0x3ad: {  	[tilespmem:s9+$0x11D0] =	vst v10  }
0x3ae: {  	v10 =	vld.idx.msk [tilespmem:v11+s16+$0x0], $0xffff  }
0x3af: {  	v11 =	vor.u32 v0, v12;
	_ =	sdelay $0x4  }
0x3b0: {  	v12 =	vshll.u32 v10, $0x10;
	v10 =	vand.u32 $0xFFFF0000, v10  }
0x3b1: {  	[tilespmem:s9+$0x19C0] =	vst v12  }
0x3b2: {  	[tilespmem:s9+$0x19D0] =	vst v10  }
0x3b3: {  	v10 =	vld.idx.msk [tilespmem:v11+s16+$0x0], $0xffff;
	v11 =	vor.u32 v0, v13;
	_ =	sdelay $0x5  }
0x3b4: {  	v12 =	vshll.u32 v10, $0x10;
	v10 =	vand.u32 $0xFFFF0000, v10  }
0x3b5: {  	[tilespmem:s9+$0x21C0] =	vst v12  }
0x3b6: {  	[tilespmem:s9+$0x21D0] =	vst v10;
	v10 =	vor.u32 v0, v14  }
0x3b7: {  	v11 =	vld.idx.msk [tilespmem:v11+s16+$0x0], $0xffff;
	_ =	sdelay $0x5  }
0x3b8: {  	v12 =	vshll.u32 v11, $0x10;
	v11 =	vand.u32 $0xFFFF0000, v11  }
0x3b9: {  	[tilespmem:s9+$0x29C0] =	vst v12;
	v12 =	vor.u32 v0, v15  }
0x3ba: {  	[tilespmem:s9+$0x29D0] =	vst v11  }
0x3bb: {  	v10 =	vld.idx.msk [tilespmem:v10+s16+$0x0], $0xffff;
	_ =	sdelay $0x5  }
0x3bc: {  	v13 =	vor.u32 v0, v16;
	v11 =	vshll.u32 v10, $0x10;
	v10 =	vand.u32 $0xFFFF0000, v10  }
0x3bd: {  	[tilespmem:s9+$0x31C0] =	vst v11  }
0x3be: {  	[tilespmem:s9+$0x31D0] =	vst v10  }
0x3bf: {  	v10 =	vld.idx.msk [tilespmem:v12+s16+$0x0], $0xffff;
	_ =	sdelay $0x4  }
0x3c0: {  	v11 =	vor.u32 v0, v17  }
0x3c1: {  	v12 =	vshll.u32 v10, $0x10;
	v10 =	vand.u32 $0xFFFF0000, v10  }
0x3c2: {  	[tilespmem:s9+$0x39C0] =	vst v12  }
0x3c3: {  	[tilespmem:s9+$0x39D0] =	vst v10  }
0x3c4: {  	v10 =	vld.idx.msk [tilespmem:v13+s16+$0x0], $0xffff;
	_ =	sdelay $0x3  }
0x3c5: {  	v12 =	vor.u32 v0, v18;
	_ =	sdelay $0x1  }
0x3c6: {  	v13 =	vshll.u32 v10, $0x10;
	v10 =	vand.u32 $0xFFFF0000, v10  }
0x3c7: {  	[tilespmem:s9+$0x41C0] =	vst v13  }
0x3c8: {  	[tilespmem:s9+$0x41D0] =	vst v10  }
0x3c9: {  	v10 =	vld.idx.msk [tilespmem:v11+s16+$0x0], $0xffff;
	_ =	sdelay $0x2  }
0x3ca: {  	v9 =	vor.u32 v0, v9;
	_ =	sdelay $0x2  }
0x3cb: {  	v11 =	vshll.u32 v10, $0x10;
	v10 =	vand.u32 $0xFFFF0000, v10  }
0x3cc: {  	[tilespmem:s9+$0x49C0] =	vst v11  }
0x3cd: {  	[tilespmem:s9+$0x49D0] =	vst v10  }
0x3ce: {  	v10 =	vld.idx.msk [tilespmem:v12+s16+$0x0], $0xffff;
	_ =	sdelay $0x1  }
0x3cf: {  	v8 =	vor.u32 v0, v8;
	_ =	sdelay $0x3  }
0x3d0: {  	v11 =	vshll.u32 v10, $0x10;
	v10 =	vand.u32 $0xFFFF0000, v10  }
0x3d1: {  	[tilespmem:s9+$0x51C0] =	vst v11  }
0x3d2: {  	[tilespmem:s9+$0x51D0] =	vst v10  }
0x3d3: {  	v9 =	vld.idx.msk [tilespmem:v9+s16+$0x0], $0xffff  }
0x3d4: {  	v7 =	vor.u32 v0, v7;
	_ =	sdelay $0x4  }
0x3d5: {  	v10 =	vshll.u32 v9, $0x10;
	v9 =	vand.u32 $0xFFFF0000, v9  }
0x3d6: {  	[tilespmem:s9+$0x59C0] =	vst v10  }
0x3d7: {  	[tilespmem:s9+$0x59D0] =	vst v9  }
0x3d8: {  	v6 =	vor.u32 v0, v6;
	v8 =	vld.idx.msk [tilespmem:v8+s16+$0x0], $0xffff;
	_ =	sdelay $0x5  }
0x3d9: {  	v9 =	vshll.u32 v8, $0x10;
	v8 =	vand.u32 $0xFFFF0000, v8  }
0x3da: {  	[tilespmem:s9+$0x61C0] =	vst v9  }
0x3db: {  	v5 =	vor.u32 v0, v5;
	[tilespmem:s9+$0x61D0] =	vst v8  }
0x3dc: {  	v7 =	vld.idx.msk [tilespmem:v7+s16+$0x0], $0xffff;
	_ =	sdelay $0x5  }
0x3dd: {  	v8 =	vshll.u32 v7, $0x10;
	v7 =	vand.u32 $0xFFFF0000, v7  }
0x3de: {  	v4 =	vor.u32 v0, v4;
	[tilespmem:s9+$0x69C0] =	vst v8  }
0x3df: {  	[tilespmem:s9+$0x69D0] =	vst v7  }
0x3e0: {  	v6 =	vld.idx.msk [tilespmem:v6+s16+$0x0], $0xffff;
	_ =	sdelay $0x4  }
.Ltmp9:
0x3e1: {  	(pc) =	sbr.rel @p0 .LBB2_21-.Ltmp9, $4  }
0x3e2: {  	v7 =	vshll.u32 v6, $0x10;
	v6 =	vand.u32 $0xFFFF0000, v6  }
0x3e3: {  	[tilespmem:s9+$0x71C0] =	vst v7  }
0x3e4: {  	[tilespmem:s9+$0x71D0] =	vst v6  }
0x3e5: {  	v5 =	vld.idx.msk [tilespmem:v5+s16+$0x0], $0xffff  }
0x3e6: {  	_ =	sdelay $0x3  }
0x3e7: {  	v6 =	vshll.u32 v5, $0x10  }
0x3e8: {  	v5 =	vand.u32 $0xFFFF0000, v5;
	[tilespmem:s9+$0x79C0] =	vst v6  }
0x3e9: {  	[tilespmem:s9+$0x79D0] =	vst v5  }
0x3ea: {  	v4 =	vld.idx.msk [tilespmem:v4+s16+$0x0], $0xffff;
	_ =	sdelay $0x4  }
0x3eb: {  	v5 =	vshll.u32 v4, $0x10  }
0x3ec: {  	v4 =	vand.u32 $0xFFFF0000, v4;
	[tilespmem:s9+$0x81C0] =	vst v5  }
0x3ed: {  	s1 =	sadd.s32 s6, s11;
	s3 =	simm.s32 $0xAC0;
	[tilespmem:s9+$0x81D0] =	vst v4  }
0x3ee: {  	[hbm4b:s1+s4] =	stream.linear.scatter [tilespmem:s3], [sflag:$0x2], $0x400, $0x38;
	[tilespmem:$0x1A6C0] =	vst v63  }
0x3ef: {  	s6 =	sadd.s32 $0x44000, s1;
	s9 =	simm.s32 $0x12C0  }
0x3f0: {  	[hbm4b:s6+s4] =	stream.linear.scatter [tilespmem:s9], [sflag:$0x2], $0x400, $0x38;
	[tilespmem:$0x1A6C0] =	vst v63  }
0x3f1: {  	s13 =	simm.s32 $0x1AC0;
	s10 =	sadd.s32 $0x88000, s1  }
0x3f2: {  	[hbm4b:s10+s4] =	stream.linear.scatter [tilespmem:s13], [sflag:$0x2], $0x400, $0x38;
	[tilespmem:$0x1A6C0] =	vst v63  }
0x3f3: {  	s7 =	sadd.s32 $0xCC000, s1;
	s9 =	simm.s32 $0x22C0  }
0x3f4: {  	[hbm4b:s7+s4] =	stream.linear.scatter [tilespmem:s9], [sflag:$0x2], $0x400, $0x38;
	[tilespmem:$0x1A6C0] =	vst v63  }
0x3f5: {  	s10 =	sadd.s32 $0x110000, s1;
	s13 =	simm.s32 $0x2AC0  }
0x3f6: {  	[hbm4b:s10+s4] =	stream.linear.scatter [tilespmem:s13], [sflag:$0x2], $0x400, $0x38;
	[tilespmem:$0x1A6C0] =	vst v63  }
0x3f7: {  	s3 =	sadd.s32 $0x154000, s1  }
0x3f8: {  	[hbm4b:s3+s4] =	stream.linear.scatter [tilespmem:s5], [sflag:$0x2], $0x400, $0x38;
	[tilespmem:$0x1A6C0] =	vst v63  }
0x3f9: {  	s7 =	sadd.s32 $0x198000, s1  }
0x3fa: {  	[hbm4b:s7+s4] =	stream.linear.scatter [tilespmem:s12], [sflag:$0x2], $0x400, $0x38;
	[tilespmem:$0x1A6C0] =	vst v63  }
0x3fb: {  	s9 =	sadd.s32 $0x1DC000, s1  }
0x3fc: {  	[hbm4b:s9+s4] =	stream.linear.scatter [tilespmem:s21], [sflag:$0x2], $0x400, $0x38;
	[tilespmem:$0x1A6C0] =	vst v63  }
0x3fd: {  	s10 =	sadd.s32 $0x220000, s1  }
0x3fe: {  	[hbm4b:s10+s4] =	stream.linear.scatter [tilespmem:s22], [sflag:$0x2], $0x400, $0x38;
	[tilespmem:$0x1A6C0] =	vst v63  }
0x3ff: {  	s13 =	sadd.s32 $0x264000, s1  }
0x400: {  	[hbm4b:s13+s4] =	stream.linear.scatter [tilespmem:s23], [sflag:$0x2], $0x400, $0x38;
	[tilespmem:$0x1A6C0] =	vst v63  }
0x401: {  	s3 =	sadd.s32 $0x2A8000, s1  }
0x402: {  	[hbm4b:s3+s4] =	stream.linear.scatter [tilespmem:s24], [sflag:$0x2], $0x400, $0x38;
	[tilespmem:$0x1A6C0] =	vst v63  }
0x403: {  	s7 =	sadd.s32 $0x2EC000, s1  }
0x404: {  	[hbm4b:s7+s4] =	stream.linear.scatter [tilespmem:s25], [sflag:$0x2], $0x400, $0x38;
	[tilespmem:$0x1A6C0] =	vst v63  }
0x405: {  	s0 =	sadd.s32 $0x1, s0;
	s9 =	sadd.s32 $0x330000, s1  }
0x406: {  	[hbm4b:s9+s4] =	stream.linear.scatter [tilespmem:s26], [sflag:$0x2], $0x400, $0x38;
	[tilespmem:$0x1A6C0] =	vst v63  }
0x407: {  	p0 =	sne.s32 s0, $0x11;
	s10 =	sadd.s32 $0x374000, s1  }
0x408: {  	[hbm4b:s10+s4] =	stream.linear.scatter [tilespmem:s28], [sflag:$0x2], $0x400, $0x38;
	[tilespmem:$0x1A6C0] =	vst v63  }
.Ltmp10:
0x409: {  	_ = 	snop;
	(pc) =	sbr.rel @p0 .LBB2_6-.Ltmp10, $4  }
0x40a: {  	s13 =	sadd.s32 $0x3B8000, s1  }
0x40b: {  	[hbm4b:s13+s4] =	stream.linear.scatter [tilespmem:s29], [sflag:$0x2], $0x400, $0x38;
	[tilespmem:$0x1A6C0] =	vst v63  }
0x40c: {  	s1 =	sadd.s32 $0x3FC000, s1  }
0x40d: {  	[hbm4b:s1+s4] =	stream.linear.scatter [tilespmem:s30], [sflag:$0x2], $0x400, $0x38;
	[tilespmem:$0x1A6C0] =	vst v63  }
0x40e: {  	_ =	swait.ge [sflag:s2], $0x8000  }
0x40f: {  	s1 =	rddreg [dreg:$0xb]  }
0x410: {  	s0 =	rddreg [dreg:$0xa];
	s1 =	sadd.s32 $0x1, s1  }
0x411: {  	p0 =	sne.s32 s1, s0  }
.Ltmp11:
0x412: {  	_ = 	snop;
	(pc) =	sbr.rel @p0 .LBB2_1-.Ltmp11, $3  }
0x413: {  	_ =	sdelay $0x1  }
0x414: {  	[sflag:s2] =	ssyncset.done $0x0  }
0x415: {  	s3 =	simm.s32 $0x3;
	[sflag:s2] =	ssyncadd.s32 $0xFFFF8000  }
0x416: {  	_ =	sfence.sel $0x180000  }
0x417: {  	[bflag:$0x0] =	sbarrier.arrive $0xFFFF  }
0x418: {  	_ =	strace $0x90000047  }
0x419: {  	s0 =	stileid.u32;
	[bflag:$0x2] =	sbarrier.arrive $0xFFFF  }
0x41a: {  	p0 =	sne.s32 s0, $0x0;
	s0 =	rddreg [dreg:$0x3]  }
0x41b: {  	s0 =	sadd.s32 @!p0 $0x100000, s0  }
0x41c: {  	[sflag:s0] =	ssyncadd.tile.s32 @!p0 $0x1;
	_ =	shalt  }
.Lfunc_end2:
_tile_overlayer_lowered:
.L_overlay_start_2:
0x41d: {  	(tag) =	ssettag $0x2  }
0x41e: {  	s0 =	rddreg [dreg:$0x0];
	s2 =	stileid.u32  }
0x41f: {  	s1 =	rddreg [dreg:$0x1];
	p0 =	sne.s32 s2, $0x0  }
0x420: {  	s3 =	rddreg [dreg:$0x2];
	[bflag:$0x3] =	sbarrier.arrive $0xFFFF;
	s2 =	simm.s32 @!p0 $0x1C03  }
0x421: {  	[timem:s3], [sflag:s2] =	dma.local @!p0 [hbm:s0], s1  }
0x422: {  	s0 =	simm.s32 @!p0 $0x3  }
0x423: {  	_ =	swait.ge @!p0 [sflag:s0], s1  }
0x424: {  	s1 =	ssub.s32 @!p0 $0x0, s1;
	[sflag:s0] =	ssyncset.done @!p0 $0x0  }
0x425: {  	[sflag:s0] =	ssyncadd.s32 @!p0 s1  }
0x426: {  	[bflag:$0x3] =	sbarrier.arrive $0xFFFF  }
0x427: {  	_ =	shalt  }

</sc_bundles>
